<compile_context>
chip_gen: v7x
topology: tpu7x:2x2x1
jax: 0.10.2.dev20260603
libtpu: 0.0.44.dev20260713+nightly
codegen_flags: <defaults>
</compile_context>

<pallas_src>
import jax
import jax.numpy as jnp
from jax import lax
from jax.experimental import pallas as pl
from jax.experimental.pallas import tpu as pltpu
from jax.experimental.pallas import tpu_sc as plsc

NC, NS, LANES = 2, 16, 16

GRID = 200
R_GRID = GRID * GRID
R_TOT = R_GRID + NS
ROWS_Z = R_TOT // NS
ROWS_R = R_GRID // NS
CH = 512
CHALF = 32


def _tc_voxel_ids(gt, D, W):
    R3 = gt.shape[0]
    RB = 42
    assert R3 % RB == 0

    def body(g_ref, o_ref):
        g = g_ref[...]
        xs, ys, zs = g[:, 0], g[:, 1], g[:, 2]
        ix = ((xs + 50.0) / 0.5).astype(jnp.int32)
        iy = ((ys + 50.0) / 0.5).astype(jnp.int32)
        iz = ((zs + 10.0) / 20.0).astype(jnp.int32)
        ok = ((ix >= 0) & (ix < GRID) & (iy >= 0) & (iy < GRID)
              & (iz >= 0) & (iz < 1))
        dump = R_GRID + (lax.broadcasted_iota(jnp.int32, ix.shape, 2) & (NS - 1))
        vox = jnp.where(ok, ix * GRID + iy, dump)
        o_ref[...] = jnp.swapaxes(vox, 1, 2)

    return pl.pallas_call(
        body,
        grid=(R3 // RB,),
        in_specs=[pl.BlockSpec((RB, 3, D, W), lambda i: (i, 0, 0, 0))],
        out_specs=pl.BlockSpec((RB, W, D), lambda i: (i, 0, 0)),
        out_shape=jax.ShapeDtypeStruct((R3, W, D), jnp.int32),
    )(gt)


def _sc_scatter(xr, vox):
    B, Np, C = xr.shape
    nchunk = vox.shape[1]
    assert Np == nchunk * CH and C == 2 * CHALF
    kmax = (nchunk + NS - 1) // NS
    assert kmax % 2 == 0
    mesh = plsc.VectorSubcoreMesh(
        core_axis_name="c", subcore_axis_name="s",
        num_cores=NC, num_subcores=NS)

    def body(x_hbm, vox_hbm, out_hbm, xbuf, idxbuf, zb, acc, semx, semi):
        core = lax.axis_index("c")
        tid = lax.axis_index("s")
        ch0 = core * CHALF

        def zb_init(i, carry):
            zb[i, pl.ds(0, LANES)] = jnp.zeros((LANES,), jnp.float32)
            zb[i, pl.ds(LANES, LANES)] = jnp.zeros((LANES,), jnp.float32)
            return carry
        lax.fori_loop(0, zb.shape[0], zb_init, 0)

        def in_copies(b, k, slot):
            c = k * NS + tid
            x_cp = pltpu.make_async_copy(
                x_hbm.at[b, pl.ds(c * CH, CH), pl.ds(ch0, CHALF)],
                xbuf.at[slot], semx.at[slot])
            i_cp = pltpu.make_async_copy(
                vox_hbm.at[b, c], idxbuf.at[slot], semi.at[slot])
            return c, x_cp, i_cp

        def start_in(b, k, slot):
            c, x_cp, i_cp = in_copies(b, k, slot)

            @pl.when(c < nchunk)
            def _():
                x_cp.start()
                i_cp.start()

        def use_chunk(b, k, slot):
            c, x_cp, i_cp = in_copies(b, k, slot)

            @pl.when(c < nchunk)
            def _():
                x_cp.wait()
                i_cp.wait()
                for j in range(CH // 128):
                    pltpu.sync_copy(xbuf.at[slot, pl.ds(j * 128, 128)],
                                    acc.at[idxbuf.at[slot, j]], add=True)

        for b in range(B):
            r0 = tid * ROWS_Z
            off, rem = 0, ROWS_Z
            while rem > 0:
                n = min(rem, zb.shape[0])
                pltpu.sync_copy(zb.at[pl.ds(0, n)], acc.at[pl.ds(r0 + off, n)])
                off += n
                rem -= n
            plsc.subcore_barrier()

            start_in(b, 0, 0)

            def pair_body(i, carry):
                k = i * 2
                start_in(b, k + 1, 1)
                use_chunk(b, k, 0)
                start_in(b, k + 2, 0)
                use_chunk(b, k + 1, 1)
                return carry
            lax.fori_loop(0, kmax // 2 - 1, pair_body, 0)

            k = kmax - 2
            start_in(b, k + 1, 1)
            use_chunk(b, k, 0)
            use_chunk(b, k + 1, 1)
            plsc.subcore_barrier()

            rr = tid * ROWS_R
            pltpu.sync_copy(
                acc.at[pl.ds(rr, ROWS_R)],
                out_hbm.at[b, pl.ds(rr, ROWS_R), pl.ds(ch0, CHALF)])
            plsc.subcore_barrier()

    f = pl.kernel(
        body,
        out_type=jax.ShapeDtypeStruct((B, R_GRID, C), jnp.float32),
        mesh=mesh,
        scratch_types=[
            pltpu.VMEM((2, CH, CHALF), jnp.float32),
            pltpu.VMEM((2, CH // 128, 128), jnp.int32),
            pltpu.VMEM((512, CHALF), jnp.float32),
            pltpu.VMEM_SHARED((R_TOT, CHALF), jnp.float32),
            pltpu.SemaphoreType.DMA((2,)),
            pltpu.SemaphoreType.DMA((2,)),
        ],
        compiler_params=pltpu.CompilerParams(use_tc_tiling_on_sc=False),
    )
    return f(xr, vox)


def _tc_transpose(y):
    B, R, C = y.shape

    def body(in_ref, out_ref):
        out_ref[0] = in_ref[0].T

    return pl.pallas_call(
        body,
        grid=(B,),
        in_specs=[pl.BlockSpec((1, R, C), lambda b: (b, 0, 0))],
        out_specs=pl.BlockSpec((1, C, R), lambda b: (b, 0, 0)),
        out_shape=jax.ShapeDtypeStruct((B, C, R), jnp.float32),
        compiler_params=pltpu.CompilerParams(
            vmem_limit_bytes=100 * 1024 * 1024),
    )(y)


def kernel(x, geometry):
    B, N, D, H, W, C = x.shape
    Np = N * D * H * W
    xr = x.transpose(0, 1, 3, 4, 2, 5).reshape(B, Np, C)
    gt = geometry.transpose(0, 1, 3, 5, 2, 4).reshape(B * N * H, 3, D, W)
    vox = _tc_voxel_ids(gt, D, W).reshape(B, Np // CH, CH // 128, 128)
    y = _sc_scatter(xr, vox)
    z = _tc_transpose(y)
    return z.reshape(B, C, GRID, GRID)

# --- scband reference (transcript-rebuilt; emitter-appended) ---
"""Pipeline reference for scband-fiery-78486232367648 (READ-ONLY COPY).

The authoritative reference and input builder live on the scoring server;
editing this copy changes nothing except your own understanding.
"""

import jax, jax.numpy as jnp
import numpy as np

# Fiery BEV constants (from calculate_birds_eye_view_parameters([-50,50,0.5],[-50,50,0.5],[-10,10,20]))
BEV_RES = np.array([0.5, 0.5, 20.0], dtype=np.float32)
BEV_START = np.array([-49.75, -49.75, 0.0], dtype=np.float32)
BEV_DIM = np.array([200, 200, 1], dtype=np.int64)


def setup_inputs(seed: int = 0) -> dict:
    key = jax.random.key(seed)
    k1 = jax.random.fold_in(key, 1)
    k2 = jax.random.fold_in(key, 2)
    k3 = jax.random.fold_in(key, 3)
    B, N, D, H, W, C = 2, 6, 48, 28, 60, 64
    # camera frustum features after encoder: (B, N_cam, D_depth, H/8, W/8, C)
    x = jax.random.normal(k1, (B, N, D, H, W, C), dtype=jnp.float32)
    # ego-frame 3D points; slightly exceed BEV extent so the in-range mask is exercised
    gxy = jax.random.uniform(k2, (B, N, D, H, W, 2), minval=-52.0, maxval=52.0, dtype=jnp.float32)
    gz = jax.random.uniform(k3, (B, N, D, H, W, 1), minval=-12.0, maxval=12.0, dtype=jnp.float32)
    geometry = jnp.concatenate([gxy, gz], axis=-1)
    return {"x": x, "geometry": geometry}


def _index_plan(geom):
    # geom: (Np, 3) traced float32 -> fixed-shape index plan (faithful to Fiery projection)
    gv = ((geom - (BEV_START - BEV_RES / 2.0)) / BEV_RES).astype(jnp.int32)  # trunc like torch .long()
    mask = ((gv[:, 0] >= 0) & (gv[:, 0] < int(BEV_DIM[0])) &
            (gv[:, 1] >= 0) & (gv[:, 1] < int(BEV_DIM[1])) &
            (gv[:, 2] >= 0) & (gv[:, 2] < int(BEV_DIM[2])))
    ranks = gv[:, 0] * int(BEV_DIM[1] * BEV_DIM[2]) + gv[:, 1] * int(BEV_DIM[2]) + gv[:, 2]
    sentinel = jnp.iinfo(jnp.int32).max
    ranks = jnp.where(mask, ranks, sentinel)
    order = jnp.argsort(ranks, stable=True)
    g = gv[order]
    ranks = ranks[order]
    valid = ranks != sentinel
    keep = jnp.concatenate([ranks[1:] != ranks[:-1], jnp.ones((1,), dtype=bool)])
    return order, g, keep, valid


def _project_one(x_b, geom):
    # x_b: (Np, C) traced float; geom: (Np, 3) traced float
    order, g, keep, valid = _index_plan(geom)
    C = x_b.shape[1]
    Np = x_b.shape[0]
    x_sel = x_b[order]                    # gather sorted points (valid prefix, invalid tail)
    xc = jnp.cumsum(x_sel, axis=0)        # VoxelsSumming cumsum trick
    pos = jnp.arange(Np, dtype=jnp.int32)
    marker = jnp.where(keep, pos, jnp.int32(-1))
    prev = jnp.concatenate([jnp.full((1,), -1, dtype=jnp.int32),
                            jax.lax.cummax(marker)[:-1]])
    prev_cum = jnp.where((prev >= 0)[:, None], xc[jnp.clip(prev, 0)], jnp.float32(0.0))
    xk = xc - prev_cum                    # per-voxel segment sums at keep positions
    scatter_ok = keep & valid
    zi = jnp.where(scatter_ok, g[:, 2], jnp.int32(int(BEV_DIM[2])))
    xi = jnp.where(scatter_ok, g[:, 0], jnp.int32(int(BEV_DIM[0])))
    yi = jnp.where(scatter_ok, g[:, 1], jnp.int32(int(BEV_DIM[1])))
    bev = jnp.zeros((int(BEV_DIM[2]), int(BEV_DIM[0]), int(BEV_DIM[1]), C), dtype=jnp.float32)
    bev = bev.at[zi, xi, yi].set(xk)      # scatter-overwrite, like torch; OOB rows dropped
    bev = jnp.transpose(bev, (0, 3, 1, 2))[0]                 # (C, 200, 200)
    return bev


def reference(x, geometry):
    # Fiery.projection_to_birds_eye_view (the segment-reduce core of calculate_birds_eye_view_features)
    B = x.shape[0]
    C = x.shape[-1]
    outs = []
    for b in range(B):
        x_b = x[b].reshape(-1, C)
        g_b = geometry[b].reshape(-1, 3)
        outs.append(_project_one(x_b, g_b))
    return jnp.stack(outs, axis=0)  # (B, C, 200, 200)

if __name__ == "__main__":
    import jax
    _d = setup_inputs()
    print(jax.jit(kernel)(*tuple(_d.values())))

</pallas_src>

<mosaic_0001>
#map = affine_map<(d0, d1) -> (0, 0, 0)>
#map1 = affine_map<(d0, d1) -> (0, 0, 0, 0)>
module attributes {stable_mosaic.version = 14 : i64} {
  func.func @body(%arg0: i32, %arg1: i32, %arg2: memref<2x483840x64xf32, #tpu.memory_space<hbm>>, %arg3: memref<2x945x4x128xi32, #tpu.memory_space<hbm>>, %arg4: memref<2x40000x64xf32, #tpu.memory_space<hbm>>, %arg5: memref<2x512x32xf32, #tpu.memory_space<vmem>>, %arg6: memref<2x4x128xi32, #tpu.memory_space<vmem>>, %arg7: memref<512x32xf32, #tpu.memory_space<vmem>>, %arg8: memref<40016x32xf32, #tpu.memory_space<vmem_shared>>, %arg9: memref<2x!tpu.dma_semaphore, #tpu.memory_space<semaphore_mem>>, %arg10: memref<2x!tpu.dma_semaphore, #tpu.memory_space<semaphore_mem>>) attributes {dimension_semantics = [#tpu.dimension_semantics<core_parallel>, #tpu.dimension_semantics<subcore_parallel>], iteration_bounds = array<i64: 2, 16>, scalar_prefetch = 0 : i64, scratch_operands = 6 : i64, tpu.core_type = #tpu.core_type<sc_vector_subcore>, window_params = [{transform_indices = #map}, {transform_indices = #map1}, {transform_indices = #map}]} {
    %mul3A = arith.constant 32 : i32
    %mul3A_0 = arith.muli %arg0, %mul3A : i32
    %scan3A = arith.constant 0 : i32
    %scan3A_1 = arith.constant 0 : i32
    %scan3A_2 = arith.constant 512 : i32
    %scan3A_3 = arith.addi %scan3A_1, %scan3A_2 : i32
    %scan3A_4 = arith.constant 1 : i32
    scf.for %scan3A_168 = %scan3A_1 to %scan3A_3 step %scan3A_4  : i32 {
      %broadcast_in_dim3A = arith.constant 0.000000e+00 : f32
      %broadcast_in_dim3A_169 = vector.broadcast %broadcast_in_dim3A : f32 to vector<16xf32>
      %swap3A = arith.index_cast %scan3A_168 : i32 to index
      %swap3A_170 = arith.constant 0 : index
      %swap3A_171 = tpu.vector_load %arg7[%swap3A, %swap3A_170] {strides = array<i32>} : memref<512x32xf32, #tpu.memory_space<vmem>>, vector<1x16xf32>,
      %swap3A_172 = vector.shape_cast %swap3A_171 : vector<1x16xf32> to vector<16xf32>
      %swap3A_173 = vector.shape_cast %broadcast_in_dim3A_169 : vector<16xf32> to vector<1x16xf32>
      tpu.vector_store %arg7[%swap3A, %swap3A_170], %swap3A_173 {strides = array<i32>} : memref<512x32xf32, #tpu.memory_space<vmem>>, vector<1x16xf32>,
      %broadcast_in_dim3A_174 = arith.constant 0.000000e+00 : f32
      %broadcast_in_dim3A_175 = vector.broadcast %broadcast_in_dim3A_174 : f32 to vector<16xf32>
      %swap3A_176 = arith.index_cast %scan3A_168 : i32 to index
      %swap3A_177 = arith.constant 16 : index
      %swap3A_178 = tpu.vector_load %arg7[%swap3A_176, %swap3A_177] {strides = array<i32>} : memref<512x32xf32, #tpu.memory_space<vmem>>, vector<1x16xf32>,
      %swap3A_179 = vector.shape_cast %swap3A_178 : vector<1x16xf32> to vector<16xf32>
      %swap3A_180 = vector.shape_cast %broadcast_in_dim3A_175 : vector<16xf32> to vector<1x16xf32>
      tpu.vector_store %arg7[%swap3A_176, %swap3A_177], %swap3A_180 {strides = array<i32>} : memref<512x32xf32, #tpu.memory_space<vmem>>, vector<1x16xf32>,
    }
    %scan3A_5 = arith.constant 512 : i32
    %mul3A_6 = arith.constant 2501 : i32
    %mul3A_7 = arith.muli %arg1, %mul3A_6 : i32
    %add3A = arith.constant 0 : i32
    %add3A_8 = arith.addi %mul3A_7, %add3A : i32
    "tpu.region"() ({
      %run_scoped3A_168 = tpu.sem_alloc : memref<!tpu.dma_semaphore, #tpu.memory_space<semaphore_mem>>
      %dma_start3A = arith.constant 0 : i32
      %dma_start3A_169 = arith.constant 0 : i32
      %dma_start3A_170 = tpu.memref_slice %arg7[%dma_start3A, %dma_start3A_169] : memref<512x32xf32, #tpu.memory_space<vmem>> -> memref<512x32xf32, #tpu.memory_space<vmem>>
      %dma_start3A_171 = arith.constant 0 : i32
      %dma_start3A_172 = tpu.memref_slice %arg8[%add3A_8, %dma_start3A_171] : memref<40016x32xf32, #tpu.memory_space<vmem_shared>> -> memref<512x32xf32, #tpu.memory_space<vmem_shared>>
      %dma_start3A_173 = arith.constant 0 : i32
      %dma_start3A_174 = tpu.memref_slice %arg8[%add3A_8, %dma_start3A_173] : memref<40016x32xf32, #tpu.memory_space<vmem_shared>> -> memref<512x32xf32, #tpu.memory_space<vmem_shared>>
      %dma_start3A_175 = arith.constant 0 : i32
      %dma_start3A_176 = arith.constant 0 : i32
      %dma_start3A_177 = tpu.memref_slice %arg7[%dma_start3A_175, %dma_start3A_176] : memref<512x32xf32, #tpu.memory_space<vmem>> -> memref<512x32xf32, #tpu.memory_space<vmem>>
      tpu.enqueue_dma source(%dma_start3A_177 : memref<512x32xf32, #tpu.memory_space<vmem>>) target(%dma_start3A_174 : memref<512x32xf32, #tpu.memory_space<vmem_shared>>) target_semaphore(%run_scoped3A_168 : memref<!tpu.dma_semaphore, #tpu.memory_space<semaphore_mem>>)
      %dma_wait3A = arith.constant 0 : i32
      %dma_wait3A_178 = arith.constant 0 : i32
      %dma_wait3A_179 = tpu.memref_slice %arg7[%dma_wait3A, %dma_wait3A_178] : memref<512x32xf32, #tpu.memory_space<vmem>> -> memref<512x32xf32, #tpu.memory_space<vmem>>
      %dma_wait3A_180 = arith.constant 0 : i32
      %dma_wait3A_181 = tpu.memref_slice %arg8[%add3A_8, %dma_wait3A_180] : memref<40016x32xf32, #tpu.memory_space<vmem_shared>> -> memref<512x32xf32, #tpu.memory_space<vmem_shared>>
      %dma_wait3A_182 = arith.constant 0 : i32
      %dma_wait3A_183 = tpu.memref_slice %arg8[%add3A_8, %dma_wait3A_182] : memref<40016x32xf32, #tpu.memory_space<vmem_shared>> -> memref<512x32xf32, #tpu.memory_space<vmem_shared>>
      %dma_wait3A_184 = arith.constant 0 : i32
      %dma_wait3A_185 = arith.constant 0 : i32
      %dma_wait3A_186 = tpu.memref_slice %arg7[%dma_wait3A_184, %dma_wait3A_185] : memref<512x32xf32, #tpu.memory_space<vmem>> -> memref<512x32xf32, #tpu.memory_space<vmem>>
      tpu.wait_dma2 semaphore(%run_scoped3A_168 : memref<!tpu.dma_semaphore, #tpu.memory_space<semaphore_mem>>) src(%dma_wait3A_186 : memref<512x32xf32, #tpu.memory_space<vmem>>) dst(%dma_wait3A_183 : memref<512x32xf32, #tpu.memory_space<vmem_shared>>)
      tpu.yield
    }) : () -> ()
    %add3A_9 = arith.constant 512 : i32
    %add3A_10 = arith.addi %mul3A_7, %add3A_9 : i32
    "tpu.region"() ({
      %run_scoped3A_168 = tpu.sem_alloc : memref<!tpu.dma_semaphore, #tpu.memory_space<semaphore_mem>>
      %dma_start3A = arith.constant 0 : i32
      %dma_start3A_169 = arith.constant 0 : i32
      %dma_start3A_170 = tpu.memref_slice %arg7[%dma_start3A, %dma_start3A_169] : memref<512x32xf32, #tpu.memory_space<vmem>> -> memref<512x32xf32, #tpu.memory_space<vmem>>
      %dma_start3A_171 = arith.constant 0 : i32
      %dma_start3A_172 = tpu.memref_slice %arg8[%add3A_10, %dma_start3A_171] : memref<40016x32xf32, #tpu.memory_space<vmem_shared>> -> memref<512x32xf32, #tpu.memory_space<vmem_shared>>
      %dma_start3A_173 = arith.constant 0 : i32
      %dma_start3A_174 = tpu.memref_slice %arg8[%add3A_10, %dma_start3A_173] : memref<40016x32xf32, #tpu.memory_space<vmem_shared>> -> memref<512x32xf32, #tpu.memory_space<vmem_shared>>
      %dma_start3A_175 = arith.constant 0 : i32
      %dma_start3A_176 = arith.constant 0 : i32
      %dma_start3A_177 = tpu.memref_slice %arg7[%dma_start3A_175, %dma_start3A_176] : memref<512x32xf32, #tpu.memory_space<vmem>> -> memref<512x32xf32, #tpu.memory_space<vmem>>
      tpu.enqueue_dma source(%dma_start3A_177 : memref<512x32xf32, #tpu.memory_space<vmem>>) target(%dma_start3A_174 : memref<512x32xf32, #tpu.memory_space<vmem_shared>>) target_semaphore(%run_scoped3A_168 : memref<!tpu.dma_semaphore, #tpu.memory_space<semaphore_mem>>)
      %dma_wait3A = arith.constant 0 : i32
      %dma_wait3A_178 = arith.constant 0 : i32
      %dma_wait3A_179 = tpu.memref_slice %arg7[%dma_wait3A, %dma_wait3A_178] : memref<512x32xf32, #tpu.memory_space<vmem>> -> memref<512x32xf32, #tpu.memory_space<vmem>>
      %dma_wait3A_180 = arith.constant 0 : i32
      %dma_wait3A_181 = tpu.memref_slice %arg8[%add3A_10, %dma_wait3A_180] : memref<40016x32xf32, #tpu.memory_space<vmem_shared>> -> memref<512x32xf32, #tpu.memory_space<vmem_shared>>
      %dma_wait3A_182 = arith.constant 0 : i32
      %dma_wait3A_183 = tpu.memref_slice %arg8[%add3A_10, %dma_wait3A_182] : memref<40016x32xf32, #tpu.memory_space<vmem_shared>> -> memref<512x32xf32, #tpu.memory_space<vmem_shared>>
      %dma_wait3A_184 = arith.constant 0 : i32
      %dma_wait3A_185 = arith.constant 0 : i32
      %dma_wait3A_186 = tpu.memref_slice %arg7[%dma_wait3A_184, %dma_wait3A_185] : memref<512x32xf32, #tpu.memory_space<vmem>> -> memref<512x32xf32, #tpu.memory_space<vmem>>
      tpu.wait_dma2 semaphore(%run_scoped3A_168 : memref<!tpu.dma_semaphore, #tpu.memory_space<semaphore_mem>>) src(%dma_wait3A_186 : memref<512x32xf32, #tpu.memory_space<vmem>>) dst(%dma_wait3A_183 : memref<512x32xf32, #tpu.memory_space<vmem_shared>>)
      tpu.yield
    }) : () -> ()
    %add3A_11 = arith.constant 1024 : i32
    %add3A_12 = arith.addi %mul3A_7, %add3A_11 : i32
    "tpu.region"() ({
      %run_scoped3A_168 = tpu.sem_alloc : memref<!tpu.dma_semaphore, #tpu.memory_space<semaphore_mem>>
      %dma_start3A = arith.constant 0 : i32
      %dma_start3A_169 = arith.constant 0 : i32
      %dma_start3A_170 = tpu.memref_slice %arg7[%dma_start3A, %dma_start3A_169] : memref<512x32xf32, #tpu.memory_space<vmem>> -> memref<512x32xf32, #tpu.memory_space<vmem>>
      %dma_start3A_171 = arith.constant 0 : i32
      %dma_start3A_172 = tpu.memref_slice %arg8[%add3A_12, %dma_start3A_171] : memref<40016x32xf32, #tpu.memory_space<vmem_shared>> -> memref<512x32xf32, #tpu.memory_space<vmem_shared>>
      %dma_start3A_173 = arith.constant 0 : i32
      %dma_start3A_174 = tpu.memref_slice %arg8[%add3A_12, %dma_start3A_173] : memref<40016x32xf32, #tpu.memory_space<vmem_shared>> -> memref<512x32xf32, #tpu.memory_space<vmem_shared>>
      %dma_start3A_175 = arith.constant 0 : i32
      %dma_start3A_176 = arith.constant 0 : i32
      %dma_start3A_177 = tpu.memref_slice %arg7[%dma_start3A_175, %dma_start3A_176] : memref<512x32xf32, #tpu.memory_space<vmem>> -> memref<512x32xf32, #tpu.memory_space<vmem>>
      tpu.enqueue_dma source(%dma_start3A_177 : memref<512x32xf32, #tpu.memory_space<vmem>>) target(%dma_start3A_174 : memref<512x32xf32, #tpu.memory_space<vmem_shared>>) target_semaphore(%run_scoped3A_168 : memref<!tpu.dma_semaphore, #tpu.memory_space<semaphore_mem>>)
      %dma_wait3A = arith.constant 0 : i32
      %dma_wait3A_178 = arith.constant 0 : i32
      %dma_wait3A_179 = tpu.memref_slice %arg7[%dma_wait3A, %dma_wait3A_178] : memref<512x32xf32, #tpu.memory_space<vmem>> -> memref<512x32xf32, #tpu.memory_space<vmem>>
      %dma_wait3A_180 = arith.constant 0 : i32
      %dma_wait3A_181 = tpu.memref_slice %arg8[%add3A_12, %dma_wait3A_180] : memref<40016x32xf32, #tpu.memory_space<vmem_shared>> -> memref<512x32xf32, #tpu.memory_space<vmem_shared>>
      %dma_wait3A_182 = arith.constant 0 : i32
      %dma_wait3A_183 = tpu.memref_slice %arg8[%add3A_12, %dma_wait3A_182] : memref<40016x32xf32, #tpu.memory_space<vmem_shared>> -> memref<512x32xf32, #tpu.memory_space<vmem_shared>>
      %dma_wait3A_184 = arith.constant 0 : i32
      %dma_wait3A_185 = arith.constant 0 : i32
      %dma_wait3A_186 = tpu.memref_slice %arg7[%dma_wait3A_184, %dma_wait3A_185] : memref<512x32xf32, #tpu.memory_space<vmem>> -> memref<512x32xf32, #tpu.memory_space<vmem>>
      tpu.wait_dma2 semaphore(%run_scoped3A_168 : memref<!tpu.dma_semaphore, #tpu.memory_space<semaphore_mem>>) src(%dma_wait3A_186 : memref<512x32xf32, #tpu.memory_space<vmem>>) dst(%dma_wait3A_183 : memref<512x32xf32, #tpu.memory_space<vmem_shared>>)
      tpu.yield
    }) : () -> ()
    %add3A_13 = arith.constant 1536 : i32
    %add3A_14 = arith.addi %mul3A_7, %add3A_13 : i32
    "tpu.region"() ({
      %run_scoped3A_168 = tpu.sem_alloc : memref<!tpu.dma_semaphore, #tpu.memory_space<semaphore_mem>>
      %dma_start3A = arith.constant 0 : i32
      %dma_start3A_169 = arith.constant 0 : i32
      %dma_start3A_170 = tpu.memref_slice %arg7[%dma_start3A, %dma_start3A_169] : memref<512x32xf32, #tpu.memory_space<vmem>> -> memref<512x32xf32, #tpu.memory_space<vmem>>
      %dma_start3A_171 = arith.constant 0 : i32
      %dma_start3A_172 = tpu.memref_slice %arg8[%add3A_14, %dma_start3A_171] : memref<40016x32xf32, #tpu.memory_space<vmem_shared>> -> memref<512x32xf32, #tpu.memory_space<vmem_shared>>
      %dma_start3A_173 = arith.constant 0 : i32
      %dma_start3A_174 = tpu.memref_slice %arg8[%add3A_14, %dma_start3A_173] : memref<40016x32xf32, #tpu.memory_space<vmem_shared>> -> memref<512x32xf32, #tpu.memory_space<vmem_shared>>
      %dma_start3A_175 = arith.constant 0 : i32
      %dma_start3A_176 = arith.constant 0 : i32
      %dma_start3A_177 = tpu.memref_slice %arg7[%dma_start3A_175, %dma_start3A_176] : memref<512x32xf32, #tpu.memory_space<vmem>> -> memref<512x32xf32, #tpu.memory_space<vmem>>
      tpu.enqueue_dma source(%dma_start3A_177 : memref<512x32xf32, #tpu.memory_space<vmem>>) target(%dma_start3A_174 : memref<512x32xf32, #tpu.memory_space<vmem_shared>>) target_semaphore(%run_scoped3A_168 : memref<!tpu.dma_semaphore, #tpu.memory_space<semaphore_mem>>)
      %dma_wait3A = arith.constant 0 : i32
      %dma_wait3A_178 = arith.constant 0 : i32
      %dma_wait3A_179 = tpu.memref_slice %arg7[%dma_wait3A, %dma_wait3A_178] : memref<512x32xf32, #tpu.memory_space<vmem>> -> memref<512x32xf32, #tpu.memory_space<vmem>>
      %dma_wait3A_180 = arith.constant 0 : i32
      %dma_wait3A_181 = tpu.memref_slice %arg8[%add3A_14, %dma_wait3A_180] : memref<40016x32xf32, #tpu.memory_space<vmem_shared>> -> memref<512x32xf32, #tpu.memory_space<vmem_shared>>
      %dma_wait3A_182 = arith.constant 0 : i32
      %dma_wait3A_183 = tpu.memref_slice %arg8[%add3A_14, %dma_wait3A_182] : memref<40016x32xf32, #tpu.memory_space<vmem_shared>> -> memref<512x32xf32, #tpu.memory_space<vmem_shared>>
      %dma_wait3A_184 = arith.constant 0 : i32
      %dma_wait3A_185 = arith.constant 0 : i32
      %dma_wait3A_186 = tpu.memref_slice %arg7[%dma_wait3A_184, %dma_wait3A_185] : memref<512x32xf32, #tpu.memory_space<vmem>> -> memref<512x32xf32, #tpu.memory_space<vmem>>
      tpu.wait_dma2 semaphore(%run_scoped3A_168 : memref<!tpu.dma_semaphore, #tpu.memory_space<semaphore_mem>>) src(%dma_wait3A_186 : memref<512x32xf32, #tpu.memory_space<vmem>>) dst(%dma_wait3A_183 : memref<512x32xf32, #tpu.memory_space<vmem_shared>>)
      tpu.yield
    }) : () -> ()
    %add3A_15 = arith.constant 2048 : i32
    %add3A_16 = arith.addi %mul3A_7, %add3A_15 : i32
    "tpu.region"() ({
      %run_scoped3A_168 = tpu.sem_alloc : memref<!tpu.dma_semaphore, #tpu.memory_space<semaphore_mem>>
      %dma_start3A = arith.constant 0 : i32
      %dma_start3A_169 = arith.constant 0 : i32
      %dma_start3A_170 = tpu.memref_slice %arg7[%dma_start3A, %dma_start3A_169] : memref<512x32xf32, #tpu.memory_space<vmem>> -> memref<453x32xf32, #tpu.memory_space<vmem>>
      %dma_start3A_171 = arith.constant 0 : i32
      %dma_start3A_172 = tpu.memref_slice %arg8[%add3A_16, %dma_start3A_171] : memref<40016x32xf32, #tpu.memory_space<vmem_shared>> -> memref<453x32xf32, #tpu.memory_space<vmem_shared>>
      %dma_start3A_173 = arith.constant 0 : i32
      %dma_start3A_174 = tpu.memref_slice %arg8[%add3A_16, %dma_start3A_173] : memref<40016x32xf32, #tpu.memory_space<vmem_shared>> -> memref<453x32xf32, #tpu.memory_space<vmem_shared>>
      %dma_start3A_175 = arith.constant 0 : i32
      %dma_start3A_176 = arith.constant 0 : i32
      %dma_start3A_177 = tpu.memref_slice %arg7[%dma_start3A_175, %dma_start3A_176] : memref<512x32xf32, #tpu.memory_space<vmem>> -> memref<453x32xf32, #tpu.memory_space<vmem>>
      tpu.enqueue_dma source(%dma_start3A_177 : memref<453x32xf32, #tpu.memory_space<vmem>>) target(%dma_start3A_174 : memref<453x32xf32, #tpu.memory_space<vmem_shared>>) target_semaphore(%run_scoped3A_168 : memref<!tpu.dma_semaphore, #tpu.memory_space<semaphore_mem>>)
      %dma_wait3A = arith.constant 0 : i32
      %dma_wait3A_178 = arith.constant 0 : i32
      %dma_wait3A_179 = tpu.memref_slice %arg7[%dma_wait3A, %dma_wait3A_178] : memref<512x32xf32, #tpu.memory_space<vmem>> -> memref<453x32xf32, #tpu.memory_space<vmem>>
      %dma_wait3A_180 = arith.constant 0 : i32
      %dma_wait3A_181 = tpu.memref_slice %arg8[%add3A_16, %dma_wait3A_180] : memref<40016x32xf32, #tpu.memory_space<vmem_shared>> -> memref<453x32xf32, #tpu.memory_space<vmem_shared>>
      %dma_wait3A_182 = arith.constant 0 : i32
      %dma_wait3A_183 = tpu.memref_slice %arg8[%add3A_16, %dma_wait3A_182] : memref<40016x32xf32, #tpu.memory_space<vmem_shared>> -> memref<453x32xf32, #tpu.memory_space<vmem_shared>>
      %dma_wait3A_184 = arith.constant 0 : i32
      %dma_wait3A_185 = arith.constant 0 : i32
      %dma_wait3A_186 = tpu.memref_slice %arg7[%dma_wait3A_184, %dma_wait3A_185] : memref<512x32xf32, #tpu.memory_space<vmem>> -> memref<453x32xf32, #tpu.memory_space<vmem>>
      tpu.wait_dma2 semaphore(%run_scoped3A_168 : memref<!tpu.dma_semaphore, #tpu.memory_space<semaphore_mem>>) src(%dma_wait3A_186 : memref<453x32xf32, #tpu.memory_space<vmem>>) dst(%dma_wait3A_183 : memref<453x32xf32, #tpu.memory_space<vmem_shared>>)
      tpu.yield
    }) : () -> ()
    %barrier3A = arith.constant 0 : index
    tpu.barrier barrier_id(%barrier3A)
    %add3A_17 = arith.constant 0 : i32
    %add3A_18 = arith.addi %add3A_17, %arg1 : i32
    %mul3A_19 = arith.constant 512 : i32
    %mul3A_20 = arith.muli %add3A_18, %mul3A_19 : i32
    %lt3A = arith.constant 945 : i32
    %lt3A_21 = arith.cmpi slt, %add3A_18, %lt3A : i32
    %convert_element_type3A = arith.extui %lt3A_21 : i1 to i32
    %cond3A = arith.constant 0 : i32
    %cond3A_22 = arith.constant 0 : i32
    %cond3A_23 = arith.constant 0 : i32
    %cond3A_24 = arith.constant 0 : i32
    %cond3A_25 = arith.constant 0 : i32
    %cond3A_26 = arith.constant 0 : i32
    %cond3A_27 = arith.constant 0 : i32
    %cond3A_28 = arith.cmpi ne, %convert_element_type3A, %cond3A_27 : i32
    scf.if %cond3A_28 {
      %dma_start3A = arith.constant 0 : i32
      %dma_start3A_168 = arith.constant 0 : i32
      %dma_start3A_169 = tpu.memref_slice %arg5[%cond3A_22, %dma_start3A, %dma_start3A_168] : memref<2x512x32xf32, #tpu.memory_space<vmem>> -> memref<1x512x32xf32, #tpu.memory_space<vmem>>
      %dma_start3A_170 = tpu.memref_squeeze %dma_start3A_169 : memref<1x512x32xf32, #tpu.memory_space<vmem>> -> memref<512x32xf32, #tpu.memory_space<vmem>>
      %dma_start3A_171 = tpu.memref_slice %arg2[%cond3A, %mul3A_20, %mul3A_0] : memref<2x483840x64xf32, #tpu.memory_space<hbm>> -> memref<1x512x32xf32, #tpu.memory_space<hbm>>
      %dma_start3A_172 = tpu.memref_squeeze %dma_start3A_171 : memref<1x512x32xf32, #tpu.memory_space<hbm>> -> memref<512x32xf32, #tpu.memory_space<hbm>>
      %dma_start3A_173 = tpu.memref_slice %arg9[%cond3A_23] : memref<2x!tpu.dma_semaphore, #tpu.memory_space<semaphore_mem>> -> memref<1x!tpu.dma_semaphore, #tpu.memory_space<semaphore_mem>>
      %dma_start3A_174 = tpu.memref_squeeze %dma_start3A_173 : memref<1x!tpu.dma_semaphore, #tpu.memory_space<semaphore_mem>> -> memref<!tpu.dma_semaphore, #tpu.memory_space<semaphore_mem>>
      %dma_start3A_175 = arith.constant 0 : i32
      %dma_start3A_176 = arith.constant 0 : i32
      %dma_start3A_177 = tpu.memref_slice %arg5[%cond3A_22, %dma_start3A_175, %dma_start3A_176] : memref<2x512x32xf32, #tpu.memory_space<vmem>> -> memref<1x512x32xf32, #tpu.memory_space<vmem>>
      %dma_start3A_178 = tpu.memref_squeeze %dma_start3A_177 : memref<1x512x32xf32, #tpu.memory_space<vmem>> -> memref<512x32xf32, #tpu.memory_space<vmem>>
      %dma_start3A_179 = tpu.memref_slice %arg2[%cond3A, %mul3A_20, %mul3A_0] : memref<2x483840x64xf32, #tpu.memory_space<hbm>> -> memref<1x512x32xf32, #tpu.memory_space<hbm>>
      %dma_start3A_180 = tpu.memref_squeeze %dma_start3A_179 : memref<1x512x32xf32, #tpu.memory_space<hbm>> -> memref<512x32xf32, #tpu.memory_space<hbm>>
      tpu.enqueue_dma source(%dma_start3A_180 : memref<512x32xf32, #tpu.memory_space<hbm>>) target(%dma_start3A_178 : memref<512x32xf32, #tpu.memory_space<vmem>>) target_semaphore(%dma_start3A_174 : memref<!tpu.dma_semaphore, #tpu.memory_space<semaphore_mem>>)
      %dma_start3A_181 = arith.constant 0 : i32
      %dma_start3A_182 = arith.constant 0 : i32
      %dma_start3A_183 = tpu.memref_slice %arg6[%cond3A_25, %dma_start3A_181, %dma_start3A_182] : memref<2x4x128xi32, #tpu.memory_space<vmem>> -> memref<1x4x128xi32, #tpu.memory_space<vmem>>
      %dma_start3A_184 = tpu.memref_squeeze %dma_start3A_183 : memref<1x4x128xi32, #tpu.memory_space<vmem>> -> memref<4x128xi32, #tpu.memory_space<vmem>>
      %dma_start3A_185 = arith.constant 0 : i32
      %dma_start3A_186 = arith.constant 0 : i32
      %dma_start3A_187 = tpu.memref_slice %arg3[%cond3A_24, %add3A_18, %dma_start3A_185, %dma_start3A_186] : memref<2x945x4x128xi32, #tpu.memory_space<hbm>> -> memref<1x1x4x128xi32, #tpu.memory_space<hbm>>
      %dma_start3A_188 = tpu.memref_squeeze %dma_start3A_187 : memref<1x1x4x128xi32, #tpu.memory_space<hbm>> -> memref<4x128xi32, #tpu.memory_space<hbm>>
      %dma_start3A_189 = tpu.memref_slice %arg10[%cond3A_26] : memref<2x!tpu.dma_semaphore, #tpu.memory_space<semaphore_mem>> -> memref<1x!tpu.dma_semaphore, #tpu.memory_space<semaphore_mem>>
      %dma_start3A_190 = tpu.memref_squeeze %dma_start3A_189 : memref<1x!tpu.dma_semaphore, #tpu.memory_space<semaphore_mem>> -> memref<!tpu.dma_semaphore, #tpu.memory_space<semaphore_mem>>
      %dma_start3A_191 = arith.constant 0 : i32
      %dma_start3A_192 = arith.constant 0 : i32
      %dma_start3A_193 = tpu.memref_slice %arg6[%cond3A_25, %dma_start3A_191, %dma_start3A_192] : memref<2x4x128xi32, #tpu.memory_space<vmem>> -> memref<1x4x128xi32, #tpu.memory_space<vmem>>
      %dma_start3A_194 = tpu.memref_squeeze %dma_start3A_193 : memref<1x4x128xi32, #tpu.memory_space<vmem>> -> memref<4x128xi32, #tpu.memory_space<vmem>>
      %dma_start3A_195 = arith.constant 0 : i32
      %dma_start3A_196 = arith.constant 0 : i32
      %dma_start3A_197 = tpu.memref_slice %arg3[%cond3A_24, %add3A_18, %dma_start3A_195, %dma_start3A_196] : memref<2x945x4x128xi32, #tpu.memory_space<hbm>> -> memref<1x1x4x128xi32, #tpu.memory_space<hbm>>
      %dma_start3A_198 = tpu.memref_squeeze %dma_start3A_197 : memref<1x1x4x128xi32, #tpu.memory_space<hbm>> -> memref<4x128xi32, #tpu.memory_space<hbm>>
      tpu.enqueue_dma source(%dma_start3A_198 : memref<4x128xi32, #tpu.memory_space<hbm>>) target(%dma_start3A_194 : memref<4x128xi32, #tpu.memory_space<vmem>>) target_semaphore(%dma_start3A_190 : memref<!tpu.dma_semaphore, #tpu.memory_space<semaphore_mem>>)
    } else {
    }
    %scan3A_29 = arith.constant 0 : i32
    %scan3A_30 = arith.constant 0 : i32
    %scan3A_31 = arith.constant 29 : i32
    %scan3A_32 = arith.addi %scan3A_30, %scan3A_31 : i32
    %scan3A_33 = arith.constant 1 : i32
    scf.for %scan3A_168 = %scan3A_30 to %scan3A_32 step %scan3A_33  : i32 {
      %mul3A_169 = arith.constant 2 : i32
      %mul3A_170 = arith.muli %scan3A_168, %mul3A_169 : i32
      %add3A_171 = arith.constant 1 : i32
      %add3A_172 = arith.addi %mul3A_170, %add3A_171 : i32
      %mul3A_173 = arith.constant 16 : i32
      %mul3A_174 = arith.muli %add3A_172, %mul3A_173 : i32
      %add3A_175 = arith.addi %mul3A_174, %arg1 : i32
      %mul3A_176 = arith.constant 512 : i32
      %mul3A_177 = arith.muli %add3A_175, %mul3A_176 : i32
      %lt3A_178 = arith.constant 945 : i32
      %lt3A_179 = arith.cmpi slt, %add3A_175, %lt3A_178 : i32
      %convert_element_type3A_180 = arith.extui %lt3A_179 : i1 to i32
      %cond3A_181 = arith.constant 0 : i32
      %cond3A_182 = arith.constant 1 : i32
      %cond3A_183 = arith.constant 1 : i32
      %cond3A_184 = arith.constant 0 : i32
      %cond3A_185 = arith.constant 1 : i32
      %cond3A_186 = arith.constant 1 : i32
      %cond3A_187 = arith.constant 0 : i32
      %cond3A_188 = arith.cmpi ne, %convert_element_type3A_180, %cond3A_187 : i32
      scf.if %cond3A_188 {
        %dma_start3A = arith.constant 0 : i32
        %dma_start3A_241 = arith.constant 0 : i32
        %dma_start3A_242 = tpu.memref_slice %arg5[%cond3A_182, %dma_start3A, %dma_start3A_241] : memref<2x512x32xf32, #tpu.memory_space<vmem>> -> memref<1x512x32xf32, #tpu.memory_space<vmem>>
        %dma_start3A_243 = tpu.memref_squeeze %dma_start3A_242 : memref<1x512x32xf32, #tpu.memory_space<vmem>> -> memref<512x32xf32, #tpu.memory_space<vmem>>
        %dma_start3A_244 = tpu.memref_slice %arg2[%cond3A_181, %mul3A_177, %mul3A_0] : memref<2x483840x64xf32, #tpu.memory_space<hbm>> -> memref<1x512x32xf32, #tpu.memory_space<hbm>>
        %dma_start3A_245 = tpu.memref_squeeze %dma_start3A_244 : memref<1x512x32xf32, #tpu.memory_space<hbm>> -> memref<512x32xf32, #tpu.memory_space<hbm>>
        %dma_start3A_246 = tpu.memref_slice %arg9[%cond3A_183] : memref<2x!tpu.dma_semaphore, #tpu.memory_space<semaphore_mem>> -> memref<1x!tpu.dma_semaphore, #tpu.memory_space<semaphore_mem>>
        %dma_start3A_247 = tpu.memref_squeeze %dma_start3A_246 : memref<1x!tpu.dma_semaphore, #tpu.memory_space<semaphore_mem>> -> memref<!tpu.dma_semaphore, #tpu.memory_space<semaphore_mem>>
        %dma_start3A_248 = arith.constant 0 : i32
        %dma_start3A_249 = arith.constant 0 : i32
        %dma_start3A_250 = tpu.memref_slice %arg5[%cond3A_182, %dma_start3A_248, %dma_start3A_249] : memref<2x512x32xf32, #tpu.memory_space<vmem>> -> memref<1x512x32xf32, #tpu.memory_space<vmem>>
        %dma_start3A_251 = tpu.memref_squeeze %dma_start3A_250 : memref<1x512x32xf32, #tpu.memory_space<vmem>> -> memref<512x32xf32, #tpu.memory_space<vmem>>
        %dma_start3A_252 = tpu.memref_slice %arg2[%cond3A_181, %mul3A_177, %mul3A_0] : memref<2x483840x64xf32, #tpu.memory_space<hbm>> -> memref<1x512x32xf32, #tpu.memory_space<hbm>>
        %dma_start3A_253 = tpu.memref_squeeze %dma_start3A_252 : memref<1x512x32xf32, #tpu.memory_space<hbm>> -> memref<512x32xf32, #tpu.memory_space<hbm>>
        tpu.enqueue_dma source(%dma_start3A_253 : memref<512x32xf32, #tpu.memory_space<hbm>>) target(%dma_start3A_251 : memref<512x32xf32, #tpu.memory_space<vmem>>) target_semaphore(%dma_start3A_247 : memref<!tpu.dma_semaphore, #tpu.memory_space<semaphore_mem>>)
        %dma_start3A_254 = arith.constant 0 : i32
        %dma_start3A_255 = arith.constant 0 : i32
        %dma_start3A_256 = tpu.memref_slice %arg6[%cond3A_185, %dma_start3A_254, %dma_start3A_255] : memref<2x4x128xi32, #tpu.memory_space<vmem>> -> memref<1x4x128xi32, #tpu.memory_space<vmem>>
        %dma_start3A_257 = tpu.memref_squeeze %dma_start3A_256 : memref<1x4x128xi32, #tpu.memory_space<vmem>> -> memref<4x128xi32, #tpu.memory_space<vmem>>
        %dma_start3A_258 = arith.constant 0 : i32
        %dma_start3A_259 = arith.constant 0 : i32
        %dma_start3A_260 = tpu.memref_slice %arg3[%cond3A_184, %add3A_175, %dma_start3A_258, %dma_start3A_259] : memref<2x945x4x128xi32, #tpu.memory_space<hbm>> -> memref<1x1x4x128xi32, #tpu.memory_space<hbm>>
        %dma_start3A_261 = tpu.memref_squeeze %dma_start3A_260 : memref<1x1x4x128xi32, #tpu.memory_space<hbm>> -> memref<4x128xi32, #tpu.memory_space<hbm>>
        %dma_start3A_262 = tpu.memref_slice %arg10[%cond3A_186] : memref<2x!tpu.dma_semaphore, #tpu.memory_space<semaphore_mem>> -> memref<1x!tpu.dma_semaphore, #tpu.memory_space<semaphore_mem>>
        %dma_start3A_263 = tpu.memref_squeeze %dma_start3A_262 : memref<1x!tpu.dma_semaphore, #tpu.memory_space<semaphore_mem>> -> memref<!tpu.dma_semaphore, #tpu.memory_space<semaphore_mem>>
        %dma_start3A_264 = arith.constant 0 : i32
        %dma_start3A_265 = arith.constant 0 : i32
        %dma_start3A_266 = tpu.memref_slice %arg6[%cond3A_185, %dma_start3A_264, %dma_start3A_265] : memref<2x4x128xi32, #tpu.memory_space<vmem>> -> memref<1x4x128xi32, #tpu.memory_space<vmem>>
        %dma_start3A_267 = tpu.memref_squeeze %dma_start3A_266 : memref<1x4x128xi32, #tpu.memory_space<vmem>> -> memref<4x128xi32, #tpu.memory_space<vmem>>
        %dma_start3A_268 = arith.constant 0 : i32
        %dma_start3A_269 = arith.constant 0 : i32
        %dma_start3A_270 = tpu.memref_slice %arg3[%cond3A_184, %add3A_175, %dma_start3A_268, %dma_start3A_269] : memref<2x945x4x128xi32, #tpu.memory_space<hbm>> -> memref<1x1x4x128xi32, #tpu.memory_space<hbm>>
        %dma_start3A_271 = tpu.memref_squeeze %dma_start3A_270 : memref<1x1x4x128xi32, #tpu.memory_space<hbm>> -> memref<4x128xi32, #tpu.memory_space<hbm>>
        tpu.enqueue_dma source(%dma_start3A_271 : memref<4x128xi32, #tpu.memory_space<hbm>>) target(%dma_start3A_267 : memref<4x128xi32, #tpu.memory_space<vmem>>) target_semaphore(%dma_start3A_263 : memref<!tpu.dma_semaphore, #tpu.memory_space<semaphore_mem>>)
      } else {
      }
      %mul3A_189 = arith.constant 16 : i32
      %mul3A_190 = arith.muli %mul3A_170, %mul3A_189 : i32
      %add3A_191 = arith.addi %mul3A_190, %arg1 : i32
      %mul3A_192 = arith.constant 512 : i32
      %mul3A_193 = arith.muli %add3A_191, %mul3A_192 : i32
      %lt3A_194 = arith.constant 945 : i32
      %lt3A_195 = arith.cmpi slt, %add3A_191, %lt3A_194 : i32
      %convert_element_type3A_196 = arith.extui %lt3A_195 : i1 to i32
      %cond3A_197 = arith.constant 0 : i32
      %cond3A_198 = arith.constant 0 : i32
      %cond3A_199 = arith.constant 0 : i32
      %cond3A_200 = arith.constant 0 : i32
      %cond3A_201 = arith.constant 0 : i32
      %cond3A_202 = arith.constant 0 : i32
      %cond3A_203 = arith.constant 0 : i32
      %cond3A_204 = arith.cmpi ne, %convert_element_type3A_196, %cond3A_203 : i32
      scf.if %cond3A_204 {
        %dma_wait3A = arith.constant 0 : i32
        %dma_wait3A_241 = arith.constant 0 : i32
        %dma_wait3A_242 = tpu.memref_slice %arg5[%cond3A_198, %dma_wait3A, %dma_wait3A_241] : memref<2x512x32xf32, #tpu.memory_space<vmem>> -> memref<1x512x32xf32, #tpu.memory_space<vmem>>
        %dma_wait3A_243 = tpu.memref_squeeze %dma_wait3A_242 : memref<1x512x32xf32, #tpu.memory_space<vmem>> -> memref<512x32xf32, #tpu.memory_space<vmem>>
        %dma_wait3A_244 = tpu.memref_slice %arg2[%cond3A_197, %mul3A_193, %mul3A_0] : memref<2x483840x64xf32, #tpu.memory_space<hbm>> -> memref<1x512x32xf32, #tpu.memory_space<hbm>>
        %dma_wait3A_245 = tpu.memref_squeeze %dma_wait3A_244 : memref<1x512x32xf32, #tpu.memory_space<hbm>> -> memref<512x32xf32, #tpu.memory_space<hbm>>
        %dma_wait3A_246 = tpu.memref_slice %arg9[%cond3A_199] : memref<2x!tpu.dma_semaphore, #tpu.memory_space<semaphore_mem>> -> memref<1x!tpu.dma_semaphore, #tpu.memory_space<semaphore_mem>>
        %dma_wait3A_247 = tpu.memref_squeeze %dma_wait3A_246 : memref<1x!tpu.dma_semaphore, #tpu.memory_space<semaphore_mem>> -> memref<!tpu.dma_semaphore, #tpu.memory_space<semaphore_mem>>
        %dma_wait3A_248 = arith.constant 0 : i32
        %dma_wait3A_249 = arith.constant 0 : i32
        %dma_wait3A_250 = tpu.memref_slice %arg5[%cond3A_198, %dma_wait3A_248, %dma_wait3A_249] : memref<2x512x32xf32, #tpu.memory_space<vmem>> -> memref<1x512x32xf32, #tpu.memory_space<vmem>>
        %dma_wait3A_251 = tpu.memref_squeeze %dma_wait3A_250 : memref<1x512x32xf32, #tpu.memory_space<vmem>> -> memref<512x32xf32, #tpu.memory_space<vmem>>
        %dma_wait3A_252 = tpu.memref_slice %arg2[%cond3A_197, %mul3A_193, %mul3A_0] : memref<2x483840x64xf32, #tpu.memory_space<hbm>> -> memref<1x512x32xf32, #tpu.memory_space<hbm>>
        %dma_wait3A_253 = tpu.memref_squeeze %dma_wait3A_252 : memref<1x512x32xf32, #tpu.memory_space<hbm>> -> memref<512x32xf32, #tpu.memory_space<hbm>>
        tpu.wait_dma2 semaphore(%dma_wait3A_247 : memref<!tpu.dma_semaphore, #tpu.memory_space<semaphore_mem>>) src(%dma_wait3A_253 : memref<512x32xf32, #tpu.memory_space<hbm>>) dst(%dma_wait3A_251 : memref<512x32xf32, #tpu.memory_space<vmem>>)
        %dma_wait3A_254 = arith.constant 0 : i32
        %dma_wait3A_255 = arith.constant 0 : i32
        %dma_wait3A_256 = tpu.memref_slice %arg6[%cond3A_201, %dma_wait3A_254, %dma_wait3A_255] : memref<2x4x128xi32, #tpu.memory_space<vmem>> -> memref<1x4x128xi32, #tpu.memory_space<vmem>>
        %dma_wait3A_257 = tpu.memref_squeeze %dma_wait3A_256 : memref<1x4x128xi32, #tpu.memory_space<vmem>> -> memref<4x128xi32, #tpu.memory_space<vmem>>
        %dma_wait3A_258 = arith.constant 0 : i32
        %dma_wait3A_259 = arith.constant 0 : i32
        %dma_wait3A_260 = tpu.memref_slice %arg3[%cond3A_200, %add3A_191, %dma_wait3A_258, %dma_wait3A_259] : memref<2x945x4x128xi32, #tpu.memory_space<hbm>> -> memref<1x1x4x128xi32, #tpu.memory_space<hbm>>
        %dma_wait3A_261 = tpu.memref_squeeze %dma_wait3A_260 : memref<1x1x4x128xi32, #tpu.memory_space<hbm>> -> memref<4x128xi32, #tpu.memory_space<hbm>>
        %dma_wait3A_262 = tpu.memref_slice %arg10[%cond3A_202] : memref<2x!tpu.dma_semaphore, #tpu.memory_space<semaphore_mem>> -> memref<1x!tpu.dma_semaphore, #tpu.memory_space<semaphore_mem>>
        %dma_wait3A_263 = tpu.memref_squeeze %dma_wait3A_262 : memref<1x!tpu.dma_semaphore, #tpu.memory_space<semaphore_mem>> -> memref<!tpu.dma_semaphore, #tpu.memory_space<semaphore_mem>>
        %dma_wait3A_264 = arith.constant 0 : i32
        %dma_wait3A_265 = arith.constant 0 : i32
        %dma_wait3A_266 = tpu.memref_slice %arg6[%cond3A_201, %dma_wait3A_264, %dma_wait3A_265] : memref<2x4x128xi32, #tpu.memory_space<vmem>> -> memref<1x4x128xi32, #tpu.memory_space<vmem>>
        %dma_wait3A_267 = tpu.memref_squeeze %dma_wait3A_266 : memref<1x4x128xi32, #tpu.memory_space<vmem>> -> memref<4x128xi32, #tpu.memory_space<vmem>>
        %dma_wait3A_268 = arith.constant 0 : i32
        %dma_wait3A_269 = arith.constant 0 : i32
        %dma_wait3A_270 = tpu.memref_slice %arg3[%cond3A_200, %add3A_191, %dma_wait3A_268, %dma_wait3A_269] : memref<2x945x4x128xi32, #tpu.memory_space<hbm>> -> memref<1x1x4x128xi32, #tpu.memory_space<hbm>>
        %dma_wait3A_271 = tpu.memref_squeeze %dma_wait3A_270 : memref<1x1x4x128xi32, #tpu.memory_space<hbm>> -> memref<4x128xi32, #tpu.memory_space<hbm>>
        tpu.wait_dma2 semaphore(%dma_wait3A_263 : memref<!tpu.dma_semaphore, #tpu.memory_space<semaphore_mem>>) src(%dma_wait3A_271 : memref<4x128xi32, #tpu.memory_space<hbm>>) dst(%dma_wait3A_267 : memref<4x128xi32, #tpu.memory_space<vmem>>)
        %run_scoped3A_272 = arith.constant 0 : i32
        %run_scoped3A_273 = arith.constant 0 : i32
        %run_scoped3A_274 = arith.constant 0 : i32
        "tpu.region"() ({
          %run_scoped3A_284 = tpu.sem_alloc : memref<!tpu.dma_semaphore, #tpu.memory_space<semaphore_mem>>
          %dma_start3A = arith.constant 0 : i32
          %dma_start3A_285 = arith.constant 0 : i32
          %dma_start3A_286 = tpu.memref_slice %arg5[%run_scoped3A_272, %dma_start3A, %dma_start3A_285] : memref<2x512x32xf32, #tpu.memory_space<vmem>> -> memref<1x128x32xf32, #tpu.memory_space<vmem>>
          %dma_start3A_287 = tpu.memref_squeeze %dma_start3A_286 : memref<1x128x32xf32, #tpu.memory_space<vmem>> -> memref<128x32xf32, #tpu.memory_space<vmem>>
          %dma_start3A_288 = arith.constant 0 : i32
          %dma_start3A_289 = tpu.memref_slice %arg6[%run_scoped3A_273, %run_scoped3A_274, %dma_start3A_288] : memref<2x4x128xi32, #tpu.memory_space<vmem>> -> memref<1x1x128xi32, #tpu.memory_space<vmem>>
          %dma_start3A_290 = tpu.memref_squeeze %dma_start3A_289 : memref<1x1x128xi32, #tpu.memory_space<vmem>> -> memref<128xi32, #tpu.memory_space<vmem>>
          %dma_start3A_291 = arith.constant 0 : i32
          %dma_start3A_292 = arith.constant 0 : i32
          %dma_start3A_293 = tpu.memref_slice %arg8[%dma_start3A_291, %dma_start3A_292] : memref<40016x32xf32, #tpu.memory_space<vmem_shared>> -> memref<40016x32xf32, #tpu.memory_space<vmem_shared>>
          tpu.enqueue_indirect_dma source(%dma_start3A_287 : memref<128x32xf32, #tpu.memory_space<vmem>>) target(%dma_start3A_293 : memref<40016x32xf32, #tpu.memory_space<vmem_shared>>) offsets(%dma_start3A_290 : memref<128xi32, #tpu.memory_space<vmem>>) semaphore(%run_scoped3A_284 : memref<!tpu.dma_semaphore, #tpu.memory_space<semaphore_mem>>) {add = true}
          %dma_wait3A_294 = arith.constant 0 : i32
          %dma_wait3A_295 = arith.constant 0 : i32
          %dma_wait3A_296 = tpu.memref_slice %arg5[%run_scoped3A_272, %dma_wait3A_294, %dma_wait3A_295] : memref<2x512x32xf32, #tpu.memory_space<vmem>> -> memref<1x128x32xf32, #tpu.memory_space<vmem>>
          %dma_wait3A_297 = tpu.memref_squeeze %dma_wait3A_296 : memref<1x128x32xf32, #tpu.memory_space<vmem>> -> memref<128x32xf32, #tpu.memory_space<vmem>>
          %dma_wait3A_298 = arith.constant 0 : i32
          %dma_wait3A_299 = tpu.memref_slice %arg6[%run_scoped3A_273, %run_scoped3A_274, %dma_wait3A_298] : memref<2x4x128xi32, #tpu.memory_space<vmem>> -> memref<1x1x128xi32, #tpu.memory_space<vmem>>
          %dma_wait3A_300 = tpu.memref_squeeze %dma_wait3A_299 : memref<1x1x128xi32, #tpu.memory_space<vmem>> -> memref<128xi32, #tpu.memory_space<vmem>>
          %dma_wait3A_301 = arith.constant 0 : i32
          %dma_wait3A_302 = arith.constant 0 : i32
          %dma_wait3A_303 = tpu.memref_slice %arg8[%dma_wait3A_301, %dma_wait3A_302] : memref<40016x32xf32, #tpu.memory_space<vmem_shared>> -> memref<40016x32xf32, #tpu.memory_space<vmem_shared>>
          tpu.wait_indirect_dma semaphore(%run_scoped3A_284 : memref<!tpu.dma_semaphore, #tpu.memory_space<semaphore_mem>>) src(%dma_wait3A_297 : memref<128x32xf32, #tpu.memory_space<vmem>>) dst(%dma_wait3A_303 : memref<40016x32xf32, #tpu.memory_space<vmem_shared>>)
          tpu.yield
        }) : () -> ()
        %run_scoped3A_275 = arith.constant 0 : i32
        %run_scoped3A_276 = arith.constant 0 : i32
        %run_scoped3A_277 = arith.constant 1 : i32
        "tpu.region"() ({
          %run_scoped3A_284 = tpu.sem_alloc : memref<!tpu.dma_semaphore, #tpu.memory_space<semaphore_mem>>
          %dma_start3A = arith.constant 128 : i32
          %dma_start3A_285 = arith.constant 0 : i32
          %dma_start3A_286 = tpu.memref_slice %arg5[%run_scoped3A_275, %dma_start3A, %dma_start3A_285] : memref<2x512x32xf32, #tpu.memory_space<vmem>> -> memref<1x128x32xf32, #tpu.memory_space<vmem>>
          %dma_start3A_287 = tpu.memref_squeeze %dma_start3A_286 : memref<1x128x32xf32, #tpu.memory_space<vmem>> -> memref<128x32xf32, #tpu.memory_space<vmem>>
          %dma_start3A_288 = arith.constant 0 : i32
          %dma_start3A_289 = tpu.memref_slice %arg6[%run_scoped3A_276, %run_scoped3A_277, %dma_start3A_288] : memref<2x4x128xi32, #tpu.memory_space<vmem>> -> memref<1x1x128xi32, #tpu.memory_space<vmem>>
          %dma_start3A_290 = tpu.memref_squeeze %dma_start3A_289 : memref<1x1x128xi32, #tpu.memory_space<vmem>> -> memref<128xi32, #tpu.memory_space<vmem>>
          %dma_start3A_291 = arith.constant 0 : i32
          %dma_start3A_292 = arith.constant 0 : i32
          %dma_start3A_293 = tpu.memref_slice %arg8[%dma_start3A_291, %dma_start3A_292] : memref<40016x32xf32, #tpu.memory_space<vmem_shared>> -> memref<40016x32xf32, #tpu.memory_space<vmem_shared>>
          tpu.enqueue_indirect_dma source(%dma_start3A_287 : memref<128x32xf32, #tpu.memory_space<vmem>>) target(%dma_start3A_293 : memref<40016x32xf32, #tpu.memory_space<vmem_shared>>) offsets(%dma_start3A_290 : memref<128xi32, #tpu.memory_space<vmem>>) semaphore(%run_scoped3A_284 : memref<!tpu.dma_semaphore, #tpu.memory_space<semaphore_mem>>) {add = true}
          %dma_wait3A_294 = arith.constant 128 : i32
          %dma_wait3A_295 = arith.constant 0 : i32
          %dma_wait3A_296 = tpu.memref_slice %arg5[%run_scoped3A_275, %dma_wait3A_294, %dma_wait3A_295] : memref<2x512x32xf32, #tpu.memory_space<vmem>> -> memref<1x128x32xf32, #tpu.memory_space<vmem>>
          %dma_wait3A_297 = tpu.memref_squeeze %dma_wait3A_296 : memref<1x128x32xf32, #tpu.memory_space<vmem>> -> memref<128x32xf32, #tpu.memory_space<vmem>>
          %dma_wait3A_298 = arith.constant 0 : i32
          %dma_wait3A_299 = tpu.memref_slice %arg6[%run_scoped3A_276, %run_scoped3A_277, %dma_wait3A_298] : memref<2x4x128xi32, #tpu.memory_space<vmem>> -> memref<1x1x128xi32, #tpu.memory_space<vmem>>
          %dma_wait3A_300 = tpu.memref_squeeze %dma_wait3A_299 : memref<1x1x128xi32, #tpu.memory_space<vmem>> -> memref<128xi32, #tpu.memory_space<vmem>>
          %dma_wait3A_301 = arith.constant 0 : i32
          %dma_wait3A_302 = arith.constant 0 : i32
          %dma_wait3A_303 = tpu.memref_slice %arg8[%dma_wait3A_301, %dma_wait3A_302] : memref<40016x32xf32, #tpu.memory_space<vmem_shared>> -> memref<40016x32xf32, #tpu.memory_space<vmem_shared>>
          tpu.wait_indirect_dma semaphore(%run_scoped3A_284 : memref<!tpu.dma_semaphore, #tpu.memory_space<semaphore_mem>>) src(%dma_wait3A_297 : memref<128x32xf32, #tpu.memory_space<vmem>>) dst(%dma_wait3A_303 : memref<40016x32xf32, #tpu.memory_space<vmem_shared>>)
          tpu.yield
        }) : () -> ()
        %run_scoped3A_278 = arith.constant 0 : i32
        %run_scoped3A_279 = arith.constant 0 : i32
        %run_scoped3A_280 = arith.constant 2 : i32
        "tpu.region"() ({
          %run_scoped3A_284 = tpu.sem_alloc : memref<!tpu.dma_semaphore, #tpu.memory_space<semaphore_mem>>
          %dma_start3A = arith.constant 256 : i32
          %dma_start3A_285 = arith.constant 0 : i32
          %dma_start3A_286 = tpu.memref_slice %arg5[%run_scoped3A_278, %dma_start3A, %dma_start3A_285] : memref<2x512x32xf32, #tpu.memory_space<vmem>> -> memref<1x128x32xf32, #tpu.memory_space<vmem>>
          %dma_start3A_287 = tpu.memref_squeeze %dma_start3A_286 : memref<1x128x32xf32, #tpu.memory_space<vmem>> -> memref<128x32xf32, #tpu.memory_space<vmem>>
          %dma_start3A_288 = arith.constant 0 : i32
          %dma_start3A_289 = tpu.memref_slice %arg6[%run_scoped3A_279, %run_scoped3A_280, %dma_start3A_288] : memref<2x4x128xi32, #tpu.memory_space<vmem>> -> memref<1x1x128xi32, #tpu.memory_space<vmem>>
          %dma_start3A_290 = tpu.memref_squeeze %dma_start3A_289 : memref<1x1x128xi32, #tpu.memory_space<vmem>> -> memref<128xi32, #tpu.memory_space<vmem>>
          %dma_start3A_291 = arith.constant 0 : i32
          %dma_start3A_292 = arith.constant 0 : i32
          %dma_start3A_293 = tpu.memref_slice %arg8[%dma_start3A_291, %dma_start3A_292] : memref<40016x32xf32, #tpu.memory_space<vmem_shared>> -> memref<40016x32xf32, #tpu.memory_space<vmem_shared>>
          tpu.enqueue_indirect_dma source(%dma_start3A_287 : memref<128x32xf32, #tpu.memory_space<vmem>>) target(%dma_start3A_293 : memref<40016x32xf32, #tpu.memory_space<vmem_shared>>) offsets(%dma_start3A_290 : memref<128xi32, #tpu.memory_space<vmem>>) semaphore(%run_scoped3A_284 : memref<!tpu.dma_semaphore, #tpu.memory_space<semaphore_mem>>) {add = true}
          %dma_wait3A_294 = arith.constant 256 : i32
          %dma_wait3A_295 = arith.constant 0 : i32
          %dma_wait3A_296 = tpu.memref_slice %arg5[%run_scoped3A_278, %dma_wait3A_294, %dma_wait3A_295] : memref<2x512x32xf32, #tpu.memory_space<vmem>> -> memref<1x128x32xf32, #tpu.memory_space<vmem>>
          %dma_wait3A_297 = tpu.memref_squeeze %dma_wait3A_296 : memref<1x128x32xf32, #tpu.memory_space<vmem>> -> memref<128x32xf32, #tpu.memory_space<vmem>>
          %dma_wait3A_298 = arith.constant 0 : i32
          %dma_wait3A_299 = tpu.memref_slice %arg6[%run_scoped3A_279, %run_scoped3A_280, %dma_wait3A_298] : memref<2x4x128xi32, #tpu.memory_space<vmem>> -> memref<1x1x128xi32, #tpu.memory_space<vmem>>
          %dma_wait3A_300 = tpu.memref_squeeze %dma_wait3A_299 : memref<1x1x128xi32, #tpu.memory_space<vmem>> -> memref<128xi32, #tpu.memory_space<vmem>>
          %dma_wait3A_301 = arith.constant 0 : i32
          %dma_wait3A_302 = arith.constant 0 : i32
          %dma_wait3A_303 = tpu.memref_slice %arg8[%dma_wait3A_301, %dma_wait3A_302] : memref<40016x32xf32, #tpu.memory_space<vmem_shared>> -> memref<40016x32xf32, #tpu.memory_space<vmem_shared>>
          tpu.wait_indirect_dma semaphore(%run_scoped3A_284 : memref<!tpu.dma_semaphore, #tpu.memory_space<semaphore_mem>>) src(%dma_wait3A_297 : memref<128x32xf32, #tpu.memory_space<vmem>>) dst(%dma_wait3A_303 : memref<40016x32xf32, #tpu.memory_space<vmem_shared>>)
          tpu.yield
        }) : () -> ()
        %run_scoped3A_281 = arith.constant 0 : i32
        %run_scoped3A_282 = arith.constant 0 : i32
        %run_scoped3A_283 = arith.constant 3 : i32
        "tpu.region"() ({
          %run_scoped3A_284 = tpu.sem_alloc : memref<!tpu.dma_semaphore, #tpu.memory_space<semaphore_mem>>
          %dma_start3A = arith.constant 384 : i32
          %dma_start3A_285 = arith.constant 0 : i32
          %dma_start3A_286 = tpu.memref_slice %arg5[%run_scoped3A_281, %dma_start3A, %dma_start3A_285] : memref<2x512x32xf32, #tpu.memory_space<vmem>> -> memref<1x128x32xf32, #tpu.memory_space<vmem>>
          %dma_start3A_287 = tpu.memref_squeeze %dma_start3A_286 : memref<1x128x32xf32, #tpu.memory_space<vmem>> -> memref<128x32xf32, #tpu.memory_space<vmem>>
          %dma_start3A_288 = arith.constant 0 : i32
          %dma_start3A_289 = tpu.memref_slice %arg6[%run_scoped3A_282, %run_scoped3A_283, %dma_start3A_288] : memref<2x4x128xi32, #tpu.memory_space<vmem>> -> memref<1x1x128xi32, #tpu.memory_space<vmem>>
          %dma_start3A_290 = tpu.memref_squeeze %dma_start3A_289 : memref<1x1x128xi32, #tpu.memory_space<vmem>> -> memref<128xi32, #tpu.memory_space<vmem>>
          %dma_start3A_291 = arith.constant 0 : i32
          %dma_start3A_292 = arith.constant 0 : i32
          %dma_start3A_293 = tpu.memref_slice %arg8[%dma_start3A_291, %dma_start3A_292] : memref<40016x32xf32, #tpu.memory_space<vmem_shared>> -> memref<40016x32xf32, #tpu.memory_space<vmem_shared>>
          tpu.enqueue_indirect_dma source(%dma_start3A_287 : memref<128x32xf32, #tpu.memory_space<vmem>>) target(%dma_start3A_293 : memref<40016x32xf32, #tpu.memory_space<vmem_shared>>) offsets(%dma_start3A_290 : memref<128xi32, #tpu.memory_space<vmem>>) semaphore(%run_scoped3A_284 : memref<!tpu.dma_semaphore, #tpu.memory_space<semaphore_mem>>) {add = true}
          %dma_wait3A_294 = arith.constant 384 : i32
          %dma_wait3A_295 = arith.constant 0 : i32
          %dma_wait3A_296 = tpu.memref_slice %arg5[%run_scoped3A_281, %dma_wait3A_294, %dma_wait3A_295] : memref<2x512x32xf32, #tpu.memory_space<vmem>> -> memref<1x128x32xf32, #tpu.memory_space<vmem>>
          %dma_wait3A_297 = tpu.memref_squeeze %dma_wait3A_296 : memref<1x128x32xf32, #tpu.memory_space<vmem>> -> memref<128x32xf32, #tpu.memory_space<vmem>>
          %dma_wait3A_298 = arith.constant 0 : i32
          %dma_wait3A_299 = tpu.memref_slice %arg6[%run_scoped3A_282, %run_scoped3A_283, %dma_wait3A_298] : memref<2x4x128xi32, #tpu.memory_space<vmem>> -> memref<1x1x128xi32, #tpu.memory_space<vmem>>
          %dma_wait3A_300 = tpu.memref_squeeze %dma_wait3A_299 : memref<1x1x128xi32, #tpu.memory_space<vmem>> -> memref<128xi32, #tpu.memory_space<vmem>>
          %dma_wait3A_301 = arith.constant 0 : i32
          %dma_wait3A_302 = arith.constant 0 : i32
          %dma_wait3A_303 = tpu.memref_slice %arg8[%dma_wait3A_301, %dma_wait3A_302] : memref<40016x32xf32, #tpu.memory_space<vmem_shared>> -> memref<40016x32xf32, #tpu.memory_space<vmem_shared>>
          tpu.wait_indirect_dma semaphore(%run_scoped3A_284 : memref<!tpu.dma_semaphore, #tpu.memory_space<semaphore_mem>>) src(%dma_wait3A_297 : memref<128x32xf32, #tpu.memory_space<vmem>>) dst(%dma_wait3A_303 : memref<40016x32xf32, #tpu.memory_space<vmem_shared>>)
          tpu.yield
        }) : () -> ()
      } else {
      }
      %add3A_205 = arith.constant 2 : i32
      %add3A_206 = arith.addi %mul3A_170, %add3A_205 : i32
      %mul3A_207 = arith.constant 16 : i32
      %mul3A_208 = arith.muli %add3A_206, %mul3A_207 : i32
      %add3A_209 = arith.addi %mul3A_208, %arg1 : i32
      %mul3A_210 = arith.constant 512 : i32
      %mul3A_211 = arith.muli %add3A_209, %mul3A_210 : i32
      %lt3A_212 = arith.constant 945 : i32
      %lt3A_213 = arith.cmpi slt, %add3A_209, %lt3A_212 : i32
      %convert_element_type3A_214 = arith.extui %lt3A_213 : i1 to i32
      %cond3A_215 = arith.constant 0 : i32
      %cond3A_216 = arith.constant 0 : i32
      %cond3A_217 = arith.constant 0 : i32
      %cond3A_218 = arith.constant 0 : i32
      %cond3A_219 = arith.constant 0 : i32
      %cond3A_220 = arith.constant 0 : i32
      %cond3A_221 = arith.constant 0 : i32
      %cond3A_222 = arith.cmpi ne, %convert_element_type3A_214, %cond3A_221 : i32
      scf.if %cond3A_222 {
        %dma_start3A = arith.constant 0 : i32
        %dma_start3A_241 = arith.constant 0 : i32
        %dma_start3A_242 = tpu.memref_slice %arg5[%cond3A_216, %dma_start3A, %dma_start3A_241] : memref<2x512x32xf32, #tpu.memory_space<vmem>> -> memref<1x512x32xf32, #tpu.memory_space<vmem>>
        %dma_start3A_243 = tpu.memref_squeeze %dma_start3A_242 : memref<1x512x32xf32, #tpu.memory_space<vmem>> -> memref<512x32xf32, #tpu.memory_space<vmem>>
        %dma_start3A_244 = tpu.memref_slice %arg2[%cond3A_215, %mul3A_211, %mul3A_0] : memref<2x483840x64xf32, #tpu.memory_space<hbm>> -> memref<1x512x32xf32, #tpu.memory_space<hbm>>
        %dma_start3A_245 = tpu.memref_squeeze %dma_start3A_244 : memref<1x512x32xf32, #tpu.memory_space<hbm>> -> memref<512x32xf32, #tpu.memory_space<hbm>>
        %dma_start3A_246 = tpu.memref_slice %arg9[%cond3A_217] : memref<2x!tpu.dma_semaphore, #tpu.memory_space<semaphore_mem>> -> memref<1x!tpu.dma_semaphore, #tpu.memory_space<semaphore_mem>>
        %dma_start3A_247 = tpu.memref_squeeze %dma_start3A_246 : memref<1x!tpu.dma_semaphore, #tpu.memory_space<semaphore_mem>> -> memref<!tpu.dma_semaphore, #tpu.memory_space<semaphore_mem>>
        %dma_start3A_248 = arith.constant 0 : i32
        %dma_start3A_249 = arith.constant 0 : i32
        %dma_start3A_250 = tpu.memref_slice %arg5[%cond3A_216, %dma_start3A_248, %dma_start3A_249] : memref<2x512x32xf32, #tpu.memory_space<vmem>> -> memref<1x512x32xf32, #tpu.memory_space<vmem>>
        %dma_start3A_251 = tpu.memref_squeeze %dma_start3A_250 : memref<1x512x32xf32, #tpu.memory_space<vmem>> -> memref<512x32xf32, #tpu.memory_space<vmem>>
        %dma_start3A_252 = tpu.memref_slice %arg2[%cond3A_215, %mul3A_211, %mul3A_0] : memref<2x483840x64xf32, #tpu.memory_space<hbm>> -> memref<1x512x32xf32, #tpu.memory_space<hbm>>
        %dma_start3A_253 = tpu.memref_squeeze %dma_start3A_252 : memref<1x512x32xf32, #tpu.memory_space<hbm>> -> memref<512x32xf32, #tpu.memory_space<hbm>>
        tpu.enqueue_dma source(%dma_start3A_253 : memref<512x32xf32, #tpu.memory_space<hbm>>) target(%dma_start3A_251 : memref<512x32xf32, #tpu.memory_space<vmem>>) target_semaphore(%dma_start3A_247 : memref<!tpu.dma_semaphore, #tpu.memory_space<semaphore_mem>>)
        %dma_start3A_254 = arith.constant 0 : i32
        %dma_start3A_255 = arith.constant 0 : i32
        %dma_start3A_256 = tpu.memref_slice %arg6[%cond3A_219, %dma_start3A_254, %dma_start3A_255] : memref<2x4x128xi32, #tpu.memory_space<vmem>> -> memref<1x4x128xi32, #tpu.memory_space<vmem>>
        %dma_start3A_257 = tpu.memref_squeeze %dma_start3A_256 : memref<1x4x128xi32, #tpu.memory_space<vmem>> -> memref<4x128xi32, #tpu.memory_space<vmem>>
        %dma_start3A_258 = arith.constant 0 : i32
        %dma_start3A_259 = arith.constant 0 : i32
        %dma_start3A_260 = tpu.memref_slice %arg3[%cond3A_218, %add3A_209, %dma_start3A_258, %dma_start3A_259] : memref<2x945x4x128xi32, #tpu.memory_space<hbm>> -> memref<1x1x4x128xi32, #tpu.memory_space<hbm>>
        %dma_start3A_261 = tpu.memref_squeeze %dma_start3A_260 : memref<1x1x4x128xi32, #tpu.memory_space<hbm>> -> memref<4x128xi32, #tpu.memory_space<hbm>>
        %dma_start3A_262 = tpu.memref_slice %arg10[%cond3A_220] : memref<2x!tpu.dma_semaphore, #tpu.memory_space<semaphore_mem>> -> memref<1x!tpu.dma_semaphore, #tpu.memory_space<semaphore_mem>>
        %dma_start3A_263 = tpu.memref_squeeze %dma_start3A_262 : memref<1x!tpu.dma_semaphore, #tpu.memory_space<semaphore_mem>> -> memref<!tpu.dma_semaphore, #tpu.memory_space<semaphore_mem>>
        %dma_start3A_264 = arith.constant 0 : i32
        %dma_start3A_265 = arith.constant 0 : i32
        %dma_start3A_266 = tpu.memref_slice %arg6[%cond3A_219, %dma_start3A_264, %dma_start3A_265] : memref<2x4x128xi32, #tpu.memory_space<vmem>> -> memref<1x4x128xi32, #tpu.memory_space<vmem>>
        %dma_start3A_267 = tpu.memref_squeeze %dma_start3A_266 : memref<1x4x128xi32, #tpu.memory_space<vmem>> -> memref<4x128xi32, #tpu.memory_space<vmem>>
        %dma_start3A_268 = arith.constant 0 : i32
        %dma_start3A_269 = arith.constant 0 : i32
        %dma_start3A_270 = tpu.memref_slice %arg3[%cond3A_218, %add3A_209, %dma_start3A_268, %dma_start3A_269] : memref<2x945x4x128xi32, #tpu.memory_space<hbm>> -> memref<1x1x4x128xi32, #tpu.memory_space<hbm>>
        %dma_start3A_271 = tpu.memref_squeeze %dma_start3A_270 : memref<1x1x4x128xi32, #tpu.memory_space<hbm>> -> memref<4x128xi32, #tpu.memory_space<hbm>>
        tpu.enqueue_dma source(%dma_start3A_271 : memref<4x128xi32, #tpu.memory_space<hbm>>) target(%dma_start3A_267 : memref<4x128xi32, #tpu.memory_space<vmem>>) target_semaphore(%dma_start3A_263 : memref<!tpu.dma_semaphore, #tpu.memory_space<semaphore_mem>>)
      } else {
      }
      %add3A_223 = arith.constant 1 : i32
      %add3A_224 = arith.addi %mul3A_170, %add3A_223 : i32
      %mul3A_225 = arith.constant 16 : i32
      %mul3A_226 = arith.muli %add3A_224, %mul3A_225 : i32
      %add3A_227 = arith.addi %mul3A_226, %arg1 : i32
      %mul3A_228 = arith.constant 512 : i32
      %mul3A_229 = arith.muli %add3A_227, %mul3A_228 : i32
      %lt3A_230 = arith.constant 945 : i32
      %lt3A_231 = arith.cmpi slt, %add3A_227, %lt3A_230 : i32
      %convert_element_type3A_232 = arith.extui %lt3A_231 : i1 to i32
      %cond3A_233 = arith.constant 0 : i32
      %cond3A_234 = arith.constant 1 : i32
      %cond3A_235 = arith.constant 1 : i32
      %cond3A_236 = arith.constant 0 : i32
      %cond3A_237 = arith.constant 1 : i32
      %cond3A_238 = arith.constant 1 : i32
      %cond3A_239 = arith.constant 0 : i32
      %cond3A_240 = arith.cmpi ne, %convert_element_type3A_232, %cond3A_239 : i32
      scf.if %cond3A_240 {
        %dma_wait3A = arith.constant 0 : i32
        %dma_wait3A_241 = arith.constant 0 : i32
        %dma_wait3A_242 = tpu.memref_slice %arg5[%cond3A_234, %dma_wait3A, %dma_wait3A_241] : memref<2x512x32xf32, #tpu.memory_space<vmem>> -> memref<1x512x32xf32, #tpu.memory_space<vmem>>
        %dma_wait3A_243 = tpu.memref_squeeze %dma_wait3A_242 : memref<1x512x32xf32, #tpu.memory_space<vmem>> -> memref<512x32xf32, #tpu.memory_space<vmem>>
        %dma_wait3A_244 = tpu.memref_slice %arg2[%cond3A_233, %mul3A_229, %mul3A_0] : memref<2x483840x64xf32, #tpu.memory_space<hbm>> -> memref<1x512x32xf32, #tpu.memory_space<hbm>>
        %dma_wait3A_245 = tpu.memref_squeeze %dma_wait3A_244 : memref<1x512x32xf32, #tpu.memory_space<hbm>> -> memref<512x32xf32, #tpu.memory_space<hbm>>
        %dma_wait3A_246 = tpu.memref_slice %arg9[%cond3A_235] : memref<2x!tpu.dma_semaphore, #tpu.memory_space<semaphore_mem>> -> memref<1x!tpu.dma_semaphore, #tpu.memory_space<semaphore_mem>>
        %dma_wait3A_247 = tpu.memref_squeeze %dma_wait3A_246 : memref<1x!tpu.dma_semaphore, #tpu.memory_space<semaphore_mem>> -> memref<!tpu.dma_semaphore, #tpu.memory_space<semaphore_mem>>
        %dma_wait3A_248 = arith.constant 0 : i32
        %dma_wait3A_249 = arith.constant 0 : i32
        %dma_wait3A_250 = tpu.memref_slice %arg5[%cond3A_234, %dma_wait3A_248, %dma_wait3A_249] : memref<2x512x32xf32, #tpu.memory_space<vmem>> -> memref<1x512x32xf32, #tpu.memory_space<vmem>>
        %dma_wait3A_251 = tpu.memref_squeeze %dma_wait3A_250 : memref<1x512x32xf32, #tpu.memory_space<vmem>> -> memref<512x32xf32, #tpu.memory_space<vmem>>
        %dma_wait3A_252 = tpu.memref_slice %arg2[%cond3A_233, %mul3A_229, %mul3A_0] : memref<2x483840x64xf32, #tpu.memory_space<hbm>> -> memref<1x512x32xf32, #tpu.memory_space<hbm>>
        %dma_wait3A_253 = tpu.memref_squeeze %dma_wait3A_252 : memref<1x512x32xf32, #tpu.memory_space<hbm>> -> memref<512x32xf32, #tpu.memory_space<hbm>>
        tpu.wait_dma2 semaphore(%dma_wait3A_247 : memref<!tpu.dma_semaphore, #tpu.memory_space<semaphore_mem>>) src(%dma_wait3A_253 : memref<512x32xf32, #tpu.memory_space<hbm>>) dst(%dma_wait3A_251 : memref<512x32xf32, #tpu.memory_space<vmem>>)
        %dma_wait3A_254 = arith.constant 0 : i32
        %dma_wait3A_255 = arith.constant 0 : i32
        %dma_wait3A_256 = tpu.memref_slice %arg6[%cond3A_237, %dma_wait3A_254, %dma_wait3A_255] : memref<2x4x128xi32, #tpu.memory_space<vmem>> -> memref<1x4x128xi32, #tpu.memory_space<vmem>>
        %dma_wait3A_257 = tpu.memref_squeeze %dma_wait3A_256 : memref<1x4x128xi32, #tpu.memory_space<vmem>> -> memref<4x128xi32, #tpu.memory_space<vmem>>
        %dma_wait3A_258 = arith.constant 0 : i32
        %dma_wait3A_259 = arith.constant 0 : i32
        %dma_wait3A_260 = tpu.memref_slice %arg3[%cond3A_236, %add3A_227, %dma_wait3A_258, %dma_wait3A_259] : memref<2x945x4x128xi32, #tpu.memory_space<hbm>> -> memref<1x1x4x128xi32, #tpu.memory_space<hbm>>
        %dma_wait3A_261 = tpu.memref_squeeze %dma_wait3A_260 : memref<1x1x4x128xi32, #tpu.memory_space<hbm>> -> memref<4x128xi32, #tpu.memory_space<hbm>>
        %dma_wait3A_262 = tpu.memref_slice %arg10[%cond3A_238] : memref<2x!tpu.dma_semaphore, #tpu.memory_space<semaphore_mem>> -> memref<1x!tpu.dma_semaphore, #tpu.memory_space<semaphore_mem>>
        %dma_wait3A_263 = tpu.memref_squeeze %dma_wait3A_262 : memref<1x!tpu.dma_semaphore, #tpu.memory_space<semaphore_mem>> -> memref<!tpu.dma_semaphore, #tpu.memory_space<semaphore_mem>>
        %dma_wait3A_264 = arith.constant 0 : i32
        %dma_wait3A_265 = arith.constant 0 : i32
        %dma_wait3A_266 = tpu.memref_slice %arg6[%cond3A_237, %dma_wait3A_264, %dma_wait3A_265] : memref<2x4x128xi32, #tpu.memory_space<vmem>> -> memref<1x4x128xi32, #tpu.memory_space<vmem>>
        %dma_wait3A_267 = tpu.memref_squeeze %dma_wait3A_266 : memref<1x4x128xi32, #tpu.memory_space<vmem>> -> memref<4x128xi32, #tpu.memory_space<vmem>>
        %dma_wait3A_268 = arith.constant 0 : i32
        %dma_wait3A_269 = arith.constant 0 : i32
        %dma_wait3A_270 = tpu.memref_slice %arg3[%cond3A_236, %add3A_227, %dma_wait3A_268, %dma_wait3A_269] : memref<2x945x4x128xi32, #tpu.memory_space<hbm>> -> memref<1x1x4x128xi32, #tpu.memory_space<hbm>>
        %dma_wait3A_271 = tpu.memref_squeeze %dma_wait3A_270 : memref<1x1x4x128xi32, #tpu.memory_space<hbm>> -> memref<4x128xi32, #tpu.memory_space<hbm>>
        tpu.wait_dma2 semaphore(%dma_wait3A_263 : memref<!tpu.dma_semaphore, #tpu.memory_space<semaphore_mem>>) src(%dma_wait3A_271 : memref<4x128xi32, #tpu.memory_space<hbm>>) dst(%dma_wait3A_267 : memref<4x128xi32, #tpu.memory_space<vmem>>)
        %run_scoped3A_272 = arith.constant 1 : i32
        %run_scoped3A_273 = arith.constant 1 : i32
        %run_scoped3A_274 = arith.constant 0 : i32
        "tpu.region"() ({
          %run_scoped3A_284 = tpu.sem_alloc : memref<!tpu.dma_semaphore, #tpu.memory_space<semaphore_mem>>
          %dma_start3A = arith.constant 0 : i32
          %dma_start3A_285 = arith.constant 0 : i32
          %dma_start3A_286 = tpu.memref_slice %arg5[%run_scoped3A_272, %dma_start3A, %dma_start3A_285] : memref<2x512x32xf32, #tpu.memory_space<vmem>> -> memref<1x128x32xf32, #tpu.memory_space<vmem>>
          %dma_start3A_287 = tpu.memref_squeeze %dma_start3A_286 : memref<1x128x32xf32, #tpu.memory_space<vmem>> -> memref<128x32xf32, #tpu.memory_space<vmem>>
          %dma_start3A_288 = arith.constant 0 : i32
          %dma_start3A_289 = tpu.memref_slice %arg6[%run_scoped3A_273, %run_scoped3A_274, %dma_start3A_288] : memref<2x4x128xi32, #tpu.memory_space<vmem>> -> memref<1x1x128xi32, #tpu.memory_space<vmem>>
          %dma_start3A_290 = tpu.memref_squeeze %dma_start3A_289 : memref<1x1x128xi32, #tpu.memory_space<vmem>> -> memref<128xi32, #tpu.memory_space<vmem>>
          %dma_start3A_291 = arith.constant 0 : i32
          %dma_start3A_292 = arith.constant 0 : i32
          %dma_start3A_293 = tpu.memref_slice %arg8[%dma_start3A_291, %dma_start3A_292] : memref<40016x32xf32, #tpu.memory_space<vmem_shared>> -> memref<40016x32xf32, #tpu.memory_space<vmem_shared>>
          tpu.enqueue_indirect_dma source(%dma_start3A_287 : memref<128x32xf32, #tpu.memory_space<vmem>>) target(%dma_start3A_293 : memref<40016x32xf32, #tpu.memory_space<vmem_shared>>) offsets(%dma_start3A_290 : memref<128xi32, #tpu.memory_space<vmem>>) semaphore(%run_scoped3A_284 : memref<!tpu.dma_semaphore, #tpu.memory_space<semaphore_mem>>) {add = true}
          %dma_wait3A_294 = arith.constant 0 : i32
          %dma_wait3A_295 = arith.constant 0 : i32
          %dma_wait3A_296 = tpu.memref_slice %arg5[%run_scoped3A_272, %dma_wait3A_294, %dma_wait3A_295] : memref<2x512x32xf32, #tpu.memory_space<vmem>> -> memref<1x128x32xf32, #tpu.memory_space<vmem>>
          %dma_wait3A_297 = tpu.memref_squeeze %dma_wait3A_296 : memref<1x128x32xf32, #tpu.memory_space<vmem>> -> memref<128x32xf32, #tpu.memory_space<vmem>>
          %dma_wait3A_298 = arith.constant 0 : i32
          %dma_wait3A_299 = tpu.memref_slice %arg6[%run_scoped3A_273, %run_scoped3A_274, %dma_wait3A_298] : memref<2x4x128xi32, #tpu.memory_space<vmem>> -> memref<1x1x128xi32, #tpu.memory_space<vmem>>
          %dma_wait3A_300 = tpu.memref_squeeze %dma_wait3A_299 : memref<1x1x128xi32, #tpu.memory_space<vmem>> -> memref<128xi32, #tpu.memory_space<vmem>>
          %dma_wait3A_301 = arith.constant 0 : i32
          %dma_wait3A_302 = arith.constant 0 : i32
          %dma_wait3A_303 = tpu.memref_slice %arg8[%dma_wait3A_301, %dma_wait3A_302] : memref<40016x32xf32, #tpu.memory_space<vmem_shared>> -> memref<40016x32xf32, #tpu.memory_space<vmem_shared>>
          tpu.wait_indirect_dma semaphore(%run_scoped3A_284 : memref<!tpu.dma_semaphore, #tpu.memory_space<semaphore_mem>>) src(%dma_wait3A_297 : memref<128x32xf32, #tpu.memory_space<vmem>>) dst(%dma_wait3A_303 : memref<40016x32xf32, #tpu.memory_space<vmem_shared>>)
          tpu.yield
        }) : () -> ()
        %run_scoped3A_275 = arith.constant 1 : i32
        %run_scoped3A_276 = arith.constant 1 : i32
        %run_scoped3A_277 = arith.constant 1 : i32
        "tpu.region"() ({
          %run_scoped3A_284 = tpu.sem_alloc : memref<!tpu.dma_semaphore, #tpu.memory_space<semaphore_mem>>
          %dma_start3A = arith.constant 128 : i32
          %dma_start3A_285 = arith.constant 0 : i32
          %dma_start3A_286 = tpu.memref_slice %arg5[%run_scoped3A_275, %dma_start3A, %dma_start3A_285] : memref<2x512x32xf32, #tpu.memory_space<vmem>> -> memref<1x128x32xf32, #tpu.memory_space<vmem>>
          %dma_start3A_287 = tpu.memref_squeeze %dma_start3A_286 : memref<1x128x32xf32, #tpu.memory_space<vmem>> -> memref<128x32xf32, #tpu.memory_space<vmem>>
          %dma_start3A_288 = arith.constant 0 : i32
          %dma_start3A_289 = tpu.memref_slice %arg6[%run_scoped3A_276, %run_scoped3A_277, %dma_start3A_288] : memref<2x4x128xi32, #tpu.memory_space<vmem>> -> memref<1x1x128xi32, #tpu.memory_space<vmem>>
          %dma_start3A_290 = tpu.memref_squeeze %dma_start3A_289 : memref<1x1x128xi32, #tpu.memory_space<vmem>> -> memref<128xi32, #tpu.memory_space<vmem>>
          %dma_start3A_291 = arith.constant 0 : i32
          %dma_start3A_292 = arith.constant 0 : i32
          %dma_start3A_293 = tpu.memref_slice %arg8[%dma_start3A_291, %dma_start3A_292] : memref<40016x32xf32, #tpu.memory_space<vmem_shared>> -> memref<40016x32xf32, #tpu.memory_space<vmem_shared>>
          tpu.enqueue_indirect_dma source(%dma_start3A_287 : memref<128x32xf32, #tpu.memory_space<vmem>>) target(%dma_start3A_293 : memref<40016x32xf32, #tpu.memory_space<vmem_shared>>) offsets(%dma_start3A_290 : memref<128xi32, #tpu.memory_space<vmem>>) semaphore(%run_scoped3A_284 : memref<!tpu.dma_semaphore, #tpu.memory_space<semaphore_mem>>) {add = true}
          %dma_wait3A_294 = arith.constant 128 : i32
          %dma_wait3A_295 = arith.constant 0 : i32
          %dma_wait3A_296 = tpu.memref_slice %arg5[%run_scoped3A_275, %dma_wait3A_294, %dma_wait3A_295] : memref<2x512x32xf32, #tpu.memory_space<vmem>> -> memref<1x128x32xf32, #tpu.memory_space<vmem>>
          %dma_wait3A_297 = tpu.memref_squeeze %dma_wait3A_296 : memref<1x128x32xf32, #tpu.memory_space<vmem>> -> memref<128x32xf32, #tpu.memory_space<vmem>>
          %dma_wait3A_298 = arith.constant 0 : i32
          %dma_wait3A_299 = tpu.memref_slice %arg6[%run_scoped3A_276, %run_scoped3A_277, %dma_wait3A_298] : memref<2x4x128xi32, #tpu.memory_space<vmem>> -> memref<1x1x128xi32, #tpu.memory_space<vmem>>
          %dma_wait3A_300 = tpu.memref_squeeze %dma_wait3A_299 : memref<1x1x128xi32, #tpu.memory_space<vmem>> -> memref<128xi32, #tpu.memory_space<vmem>>
          %dma_wait3A_301 = arith.constant 0 : i32
          %dma_wait3A_302 = arith.constant 0 : i32
          %dma_wait3A_303 = tpu.memref_slice %arg8[%dma_wait3A_301, %dma_wait3A_302] : memref<40016x32xf32, #tpu.memory_space<vmem_shared>> -> memref<40016x32xf32, #tpu.memory_space<vmem_shared>>
          tpu.wait_indirect_dma semaphore(%run_scoped3A_284 : memref<!tpu.dma_semaphore, #tpu.memory_space<semaphore_mem>>) src(%dma_wait3A_297 : memref<128x32xf32, #tpu.memory_space<vmem>>) dst(%dma_wait3A_303 : memref<40016x32xf32, #tpu.memory_space<vmem_shared>>)
          tpu.yield
        }) : () -> ()
        %run_scoped3A_278 = arith.constant 1 : i32
        %run_scoped3A_279 = arith.constant 1 : i32
        %run_scoped3A_280 = arith.constant 2 : i32
        "tpu.region"() ({
          %run_scoped3A_284 = tpu.sem_alloc : memref<!tpu.dma_semaphore, #tpu.memory_space<semaphore_mem>>
          %dma_start3A = arith.constant 256 : i32
          %dma_start3A_285 = arith.constant 0 : i32
          %dma_start3A_286 = tpu.memref_slice %arg5[%run_scoped3A_278, %dma_start3A, %dma_start3A_285] : memref<2x512x32xf32, #tpu.memory_space<vmem>> -> memref<1x128x32xf32, #tpu.memory_space<vmem>>
          %dma_start3A_287 = tpu.memref_squeeze %dma_start3A_286 : memref<1x128x32xf32, #tpu.memory_space<vmem>> -> memref<128x32xf32, #tpu.memory_space<vmem>>
          %dma_start3A_288 = arith.constant 0 : i32
          %dma_start3A_289 = tpu.memref_slice %arg6[%run_scoped3A_279, %run_scoped3A_280, %dma_start3A_288] : memref<2x4x128xi32, #tpu.memory_space<vmem>> -> memref<1x1x128xi32, #tpu.memory_space<vmem>>
          %dma_start3A_290 = tpu.memref_squeeze %dma_start3A_289 : memref<1x1x128xi32, #tpu.memory_space<vmem>> -> memref<128xi32, #tpu.memory_space<vmem>>
          %dma_start3A_291 = arith.constant 0 : i32
          %dma_start3A_292 = arith.constant 0 : i32
          %dma_start3A_293 = tpu.memref_slice %arg8[%dma_start3A_291, %dma_start3A_292] : memref<40016x32xf32, #tpu.memory_space<vmem_shared>> -> memref<40016x32xf32, #tpu.memory_space<vmem_shared>>
          tpu.enqueue_indirect_dma source(%dma_start3A_287 : memref<128x32xf32, #tpu.memory_space<vmem>>) target(%dma_start3A_293 : memref<40016x32xf32, #tpu.memory_space<vmem_shared>>) offsets(%dma_start3A_290 : memref<128xi32, #tpu.memory_space<vmem>>) semaphore(%run_scoped3A_284 : memref<!tpu.dma_semaphore, #tpu.memory_space<semaphore_mem>>) {add = true}
          %dma_wait3A_294 = arith.constant 256 : i32
          %dma_wait3A_295 = arith.constant 0 : i32
          %dma_wait3A_296 = tpu.memref_slice %arg5[%run_scoped3A_278, %dma_wait3A_294, %dma_wait3A_295] : memref<2x512x32xf32, #tpu.memory_space<vmem>> -> memref<1x128x32xf32, #tpu.memory_space<vmem>>
          %dma_wait3A_297 = tpu.memref_squeeze %dma_wait3A_296 : memref<1x128x32xf32, #tpu.memory_space<vmem>> -> memref<128x32xf32, #tpu.memory_space<vmem>>
          %dma_wait3A_298 = arith.constant 0 : i32
          %dma_wait3A_299 = tpu.memref_slice %arg6[%run_scoped3A_279, %run_scoped3A_280, %dma_wait3A_298] : memref<2x4x128xi32, #tpu.memory_space<vmem>> -> memref<1x1x128xi32, #tpu.memory_space<vmem>>
          %dma_wait3A_300 = tpu.memref_squeeze %dma_wait3A_299 : memref<1x1x128xi32, #tpu.memory_space<vmem>> -> memref<128xi32, #tpu.memory_space<vmem>>
          %dma_wait3A_301 = arith.constant 0 : i32
          %dma_wait3A_302 = arith.constant 0 : i32
          %dma_wait3A_303 = tpu.memref_slice %arg8[%dma_wait3A_301, %dma_wait3A_302] : memref<40016x32xf32, #tpu.memory_space<vmem_shared>> -> memref<40016x32xf32, #tpu.memory_space<vmem_shared>>
          tpu.wait_indirect_dma semaphore(%run_scoped3A_284 : memref<!tpu.dma_semaphore, #tpu.memory_space<semaphore_mem>>) src(%dma_wait3A_297 : memref<128x32xf32, #tpu.memory_space<vmem>>) dst(%dma_wait3A_303 : memref<40016x32xf32, #tpu.memory_space<vmem_shared>>)
          tpu.yield
        }) : () -> ()
        %run_scoped3A_281 = arith.constant 1 : i32
        %run_scoped3A_282 = arith.constant 1 : i32
        %run_scoped3A_283 = arith.constant 3 : i32
        "tpu.region"() ({
          %run_scoped3A_284 = tpu.sem_alloc : memref<!tpu.dma_semaphore, #tpu.memory_space<semaphore_mem>>
          %dma_start3A = arith.constant 384 : i32
          %dma_start3A_285 = arith.constant 0 : i32
          %dma_start3A_286 = tpu.memref_slice %arg5[%run_scoped3A_281, %dma_start3A, %dma_start3A_285] : memref<2x512x32xf32, #tpu.memory_space<vmem>> -> memref<1x128x32xf32, #tpu.memory_space<vmem>>
          %dma_start3A_287 = tpu.memref_squeeze %dma_start3A_286 : memref<1x128x32xf32, #tpu.memory_space<vmem>> -> memref<128x32xf32, #tpu.memory_space<vmem>>
          %dma_start3A_288 = arith.constant 0 : i32
          %dma_start3A_289 = tpu.memref_slice %arg6[%run_scoped3A_282, %run_scoped3A_283, %dma_start3A_288] : memref<2x4x128xi32, #tpu.memory_space<vmem>> -> memref<1x1x128xi32, #tpu.memory_space<vmem>>
          %dma_start3A_290 = tpu.memref_squeeze %dma_start3A_289 : memref<1x1x128xi32, #tpu.memory_space<vmem>> -> memref<128xi32, #tpu.memory_space<vmem>>
          %dma_start3A_291 = arith.constant 0 : i32
          %dma_start3A_292 = arith.constant 0 : i32
          %dma_start3A_293 = tpu.memref_slice %arg8[%dma_start3A_291, %dma_start3A_292] : memref<40016x32xf32, #tpu.memory_space<vmem_shared>> -> memref<40016x32xf32, #tpu.memory_space<vmem_shared>>
          tpu.enqueue_indirect_dma source(%dma_start3A_287 : memref<128x32xf32, #tpu.memory_space<vmem>>) target(%dma_start3A_293 : memref<40016x32xf32, #tpu.memory_space<vmem_shared>>) offsets(%dma_start3A_290 : memref<128xi32, #tpu.memory_space<vmem>>) semaphore(%run_scoped3A_284 : memref<!tpu.dma_semaphore, #tpu.memory_space<semaphore_mem>>) {add = true}
          %dma_wait3A_294 = arith.constant 384 : i32
          %dma_wait3A_295 = arith.constant 0 : i32
          %dma_wait3A_296 = tpu.memref_slice %arg5[%run_scoped3A_281, %dma_wait3A_294, %dma_wait3A_295] : memref<2x512x32xf32, #tpu.memory_space<vmem>> -> memref<1x128x32xf32, #tpu.memory_space<vmem>>
          %dma_wait3A_297 = tpu.memref_squeeze %dma_wait3A_296 : memref<1x128x32xf32, #tpu.memory_space<vmem>> -> memref<128x32xf32, #tpu.memory_space<vmem>>
          %dma_wait3A_298 = arith.constant 0 : i32
          %dma_wait3A_299 = tpu.memref_slice %arg6[%run_scoped3A_282, %run_scoped3A_283, %dma_wait3A_298] : memref<2x4x128xi32, #tpu.memory_space<vmem>> -> memref<1x1x128xi32, #tpu.memory_space<vmem>>
          %dma_wait3A_300 = tpu.memref_squeeze %dma_wait3A_299 : memref<1x1x128xi32, #tpu.memory_space<vmem>> -> memref<128xi32, #tpu.memory_space<vmem>>
          %dma_wait3A_301 = arith.constant 0 : i32
          %dma_wait3A_302 = arith.constant 0 : i32
          %dma_wait3A_303 = tpu.memref_slice %arg8[%dma_wait3A_301, %dma_wait3A_302] : memref<40016x32xf32, #tpu.memory_space<vmem_shared>> -> memref<40016x32xf32, #tpu.memory_space<vmem_shared>>
          tpu.wait_indirect_dma semaphore(%run_scoped3A_284 : memref<!tpu.dma_semaphore, #tpu.memory_space<semaphore_mem>>) src(%dma_wait3A_297 : memref<128x32xf32, #tpu.memory_space<vmem>>) dst(%dma_wait3A_303 : memref<40016x32xf32, #tpu.memory_space<vmem_shared>>)
          tpu.yield
        }) : () -> ()
      } else {
      }
    }
    %scan3A_34 = arith.constant 29 : i32
    %add3A_35 = arith.constant 944 : i32
    %add3A_36 = arith.addi %add3A_35, %arg1 : i32
    %mul3A_37 = arith.constant 512 : i32
    %mul3A_38 = arith.muli %add3A_36, %mul3A_37 : i32
    %lt3A_39 = arith.constant 945 : i32
    %lt3A_40 = arith.cmpi slt, %add3A_36, %lt3A_39 : i32
    %convert_element_type3A_41 = arith.extui %lt3A_40 : i1 to i32
    %cond3A_42 = arith.constant 0 : i32
    %cond3A_43 = arith.constant 1 : i32
    %cond3A_44 = arith.constant 1 : i32
    %cond3A_45 = arith.constant 0 : i32
    %cond3A_46 = arith.constant 1 : i32
    %cond3A_47 = arith.constant 1 : i32
    %cond3A_48 = arith.constant 0 : i32
    %cond3A_49 = arith.cmpi ne, %convert_element_type3A_41, %cond3A_48 : i32
    scf.if %cond3A_49 {
      %dma_start3A = arith.constant 0 : i32
      %dma_start3A_168 = arith.constant 0 : i32
      %dma_start3A_169 = tpu.memref_slice %arg5[%cond3A_43, %dma_start3A, %dma_start3A_168] : memref<2x512x32xf32, #tpu.memory_space<vmem>> -> memref<1x512x32xf32, #tpu.memory_space<vmem>>
      %dma_start3A_170 = tpu.memref_squeeze %dma_start3A_169 : memref<1x512x32xf32, #tpu.memory_space<vmem>> -> memref<512x32xf32, #tpu.memory_space<vmem>>
      %dma_start3A_171 = tpu.memref_slice %arg2[%cond3A_42, %mul3A_38, %mul3A_0] : memref<2x483840x64xf32, #tpu.memory_space<hbm>> -> memref<1x512x32xf32, #tpu.memory_space<hbm>>
      %dma_start3A_172 = tpu.memref_squeeze %dma_start3A_171 : memref<1x512x32xf32, #tpu.memory_space<hbm>> -> memref<512x32xf32, #tpu.memory_space<hbm>>
      %dma_start3A_173 = tpu.memref_slice %arg9[%cond3A_44] : memref<2x!tpu.dma_semaphore, #tpu.memory_space<semaphore_mem>> -> memref<1x!tpu.dma_semaphore, #tpu.memory_space<semaphore_mem>>
      %dma_start3A_174 = tpu.memref_squeeze %dma_start3A_173 : memref<1x!tpu.dma_semaphore, #tpu.memory_space<semaphore_mem>> -> memref<!tpu.dma_semaphore, #tpu.memory_space<semaphore_mem>>
      %dma_start3A_175 = arith.constant 0 : i32
      %dma_start3A_176 = arith.constant 0 : i32
      %dma_start3A_177 = tpu.memref_slice %arg5[%cond3A_43, %dma_start3A_175, %dma_start3A_176] : memref<2x512x32xf32, #tpu.memory_space<vmem>> -> memref<1x512x32xf32, #tpu.memory_space<vmem>>
      %dma_start3A_178 = tpu.memref_squeeze %dma_start3A_177 : memref<1x512x32xf32, #tpu.memory_space<vmem>> -> memref<512x32xf32, #tpu.memory_space<vmem>>
      %dma_start3A_179 = tpu.memref_slice %arg2[%cond3A_42, %mul3A_38, %mul3A_0] : memref<2x483840x64xf32, #tpu.memory_space<hbm>> -> memref<1x512x32xf32, #tpu.memory_space<hbm>>
      %dma_start3A_180 = tpu.memref_squeeze %dma_start3A_179 : memref<1x512x32xf32, #tpu.memory_space<hbm>> -> memref<512x32xf32, #tpu.memory_space<hbm>>
      tpu.enqueue_dma source(%dma_start3A_180 : memref<512x32xf32, #tpu.memory_space<hbm>>) target(%dma_start3A_178 : memref<512x32xf32, #tpu.memory_space<vmem>>) target_semaphore(%dma_start3A_174 : memref<!tpu.dma_semaphore, #tpu.memory_space<semaphore_mem>>)
      %dma_start3A_181 = arith.constant 0 : i32
      %dma_start3A_182 = arith.constant 0 : i32
      %dma_start3A_183 = tpu.memref_slice %arg6[%cond3A_46, %dma_start3A_181, %dma_start3A_182] : memref<2x4x128xi32, #tpu.memory_space<vmem>> -> memref<1x4x128xi32, #tpu.memory_space<vmem>>
      %dma_start3A_184 = tpu.memref_squeeze %dma_start3A_183 : memref<1x4x128xi32, #tpu.memory_space<vmem>> -> memref<4x128xi32, #tpu.memory_space<vmem>>
      %dma_start3A_185 = arith.constant 0 : i32
      %dma_start3A_186 = arith.constant 0 : i32
      %dma_start3A_187 = tpu.memref_slice %arg3[%cond3A_45, %add3A_36, %dma_start3A_185, %dma_start3A_186] : memref<2x945x4x128xi32, #tpu.memory_space<hbm>> -> memref<1x1x4x128xi32, #tpu.memory_space<hbm>>
      %dma_start3A_188 = tpu.memref_squeeze %dma_start3A_187 : memref<1x1x4x128xi32, #tpu.memory_space<hbm>> -> memref<4x128xi32, #tpu.memory_space<hbm>>
      %dma_start3A_189 = tpu.memref_slice %arg10[%cond3A_47] : memref<2x!tpu.dma_semaphore, #tpu.memory_space<semaphore_mem>> -> memref<1x!tpu.dma_semaphore, #tpu.memory_space<semaphore_mem>>
      %dma_start3A_190 = tpu.memref_squeeze %dma_start3A_189 : memref<1x!tpu.dma_semaphore, #tpu.memory_space<semaphore_mem>> -> memref<!tpu.dma_semaphore, #tpu.memory_space<semaphore_mem>>
      %dma_start3A_191 = arith.constant 0 : i32
      %dma_start3A_192 = arith.constant 0 : i32
      %dma_start3A_193 = tpu.memref_slice %arg6[%cond3A_46, %dma_start3A_191, %dma_start3A_192] : memref<2x4x128xi32, #tpu.memory_space<vmem>> -> memref<1x4x128xi32, #tpu.memory_space<vmem>>
      %dma_start3A_194 = tpu.memref_squeeze %dma_start3A_193 : memref<1x4x128xi32, #tpu.memory_space<vmem>> -> memref<4x128xi32, #tpu.memory_space<vmem>>
      %dma_start3A_195 = arith.constant 0 : i32
      %dma_start3A_196 = arith.constant 0 : i32
      %dma_start3A_197 = tpu.memref_slice %arg3[%cond3A_45, %add3A_36, %dma_start3A_195, %dma_start3A_196] : memref<2x945x4x128xi32, #tpu.memory_space<hbm>> -> memref<1x1x4x128xi32, #tpu.memory_space<hbm>>
      %dma_start3A_198 = tpu.memref_squeeze %dma_start3A_197 : memref<1x1x4x128xi32, #tpu.memory_space<hbm>> -> memref<4x128xi32, #tpu.memory_space<hbm>>
      tpu.enqueue_dma source(%dma_start3A_198 : memref<4x128xi32, #tpu.memory_space<hbm>>) target(%dma_start3A_194 : memref<4x128xi32, #tpu.memory_space<vmem>>) target_semaphore(%dma_start3A_190 : memref<!tpu.dma_semaphore, #tpu.memory_space<semaphore_mem>>)
    } else {
    }
    %add3A_50 = arith.constant 928 : i32
    %add3A_51 = arith.addi %add3A_50, %arg1 : i32
    %mul3A_52 = arith.constant 512 : i32
    %mul3A_53 = arith.muli %add3A_51, %mul3A_52 : i32
    %lt3A_54 = arith.constant 945 : i32
    %lt3A_55 = arith.cmpi slt, %add3A_51, %lt3A_54 : i32
    %convert_element_type3A_56 = arith.extui %lt3A_55 : i1 to i32
    %cond3A_57 = arith.constant 0 : i32
    %cond3A_58 = arith.constant 0 : i32
    %cond3A_59 = arith.constant 0 : i32
    %cond3A_60 = arith.constant 0 : i32
    %cond3A_61 = arith.constant 0 : i32
    %cond3A_62 = arith.constant 0 : i32
    %cond3A_63 = arith.constant 0 : i32
    %cond3A_64 = arith.cmpi ne, %convert_element_type3A_56, %cond3A_63 : i32
    scf.if %cond3A_64 {
      %dma_wait3A = arith.constant 0 : i32
      %dma_wait3A_168 = arith.constant 0 : i32
      %dma_wait3A_169 = tpu.memref_slice %arg5[%cond3A_58, %dma_wait3A, %dma_wait3A_168] : memref<2x512x32xf32, #tpu.memory_space<vmem>> -> memref<1x512x32xf32, #tpu.memory_space<vmem>>
      %dma_wait3A_170 = tpu.memref_squeeze %dma_wait3A_169 : memref<1x512x32xf32, #tpu.memory_space<vmem>> -> memref<512x32xf32, #tpu.memory_space<vmem>>
      %dma_wait3A_171 = tpu.memref_slice %arg2[%cond3A_57, %mul3A_53, %mul3A_0] : memref<2x483840x64xf32, #tpu.memory_space<hbm>> -> memref<1x512x32xf32, #tpu.memory_space<hbm>>
      %dma_wait3A_172 = tpu.memref_squeeze %dma_wait3A_171 : memref<1x512x32xf32, #tpu.memory_space<hbm>> -> memref<512x32xf32, #tpu.memory_space<hbm>>
      %dma_wait3A_173 = tpu.memref_slice %arg9[%cond3A_59] : memref<2x!tpu.dma_semaphore, #tpu.memory_space<semaphore_mem>> -> memref<1x!tpu.dma_semaphore, #tpu.memory_space<semaphore_mem>>
      %dma_wait3A_174 = tpu.memref_squeeze %dma_wait3A_173 : memref<1x!tpu.dma_semaphore, #tpu.memory_space<semaphore_mem>> -> memref<!tpu.dma_semaphore, #tpu.memory_space<semaphore_mem>>
      %dma_wait3A_175 = arith.constant 0 : i32
      %dma_wait3A_176 = arith.constant 0 : i32
      %dma_wait3A_177 = tpu.memref_slice %arg5[%cond3A_58, %dma_wait3A_175, %dma_wait3A_176] : memref<2x512x32xf32, #tpu.memory_space<vmem>> -> memref<1x512x32xf32, #tpu.memory_space<vmem>>
      %dma_wait3A_178 = tpu.memref_squeeze %dma_wait3A_177 : memref<1x512x32xf32, #tpu.memory_space<vmem>> -> memref<512x32xf32, #tpu.memory_space<vmem>>
      %dma_wait3A_179 = tpu.memref_slice %arg2[%cond3A_57, %mul3A_53, %mul3A_0] : memref<2x483840x64xf32, #tpu.memory_space<hbm>> -> memref<1x512x32xf32, #tpu.memory_space<hbm>>
      %dma_wait3A_180 = tpu.memref_squeeze %dma_wait3A_179 : memref<1x512x32xf32, #tpu.memory_space<hbm>> -> memref<512x32xf32, #tpu.memory_space<hbm>>
      tpu.wait_dma2 semaphore(%dma_wait3A_174 : memref<!tpu.dma_semaphore, #tpu.memory_space<semaphore_mem>>) src(%dma_wait3A_180 : memref<512x32xf32, #tpu.memory_space<hbm>>) dst(%dma_wait3A_178 : memref<512x32xf32, #tpu.memory_space<vmem>>)
      %dma_wait3A_181 = arith.constant 0 : i32
      %dma_wait3A_182 = arith.constant 0 : i32
      %dma_wait3A_183 = tpu.memref_slice %arg6[%cond3A_61, %dma_wait3A_181, %dma_wait3A_182] : memref<2x4x128xi32, #tpu.memory_space<vmem>> -> memref<1x4x128xi32, #tpu.memory_space<vmem>>
      %dma_wait3A_184 = tpu.memref_squeeze %dma_wait3A_183 : memref<1x4x128xi32, #tpu.memory_space<vmem>> -> memref<4x128xi32, #tpu.memory_space<vmem>>
      %dma_wait3A_185 = arith.constant 0 : i32
      %dma_wait3A_186 = arith.constant 0 : i32
      %dma_wait3A_187 = tpu.memref_slice %arg3[%cond3A_60, %add3A_51, %dma_wait3A_185, %dma_wait3A_186] : memref<2x945x4x128xi32, #tpu.memory_space<hbm>> -> memref<1x1x4x128xi32, #tpu.memory_space<hbm>>
      %dma_wait3A_188 = tpu.memref_squeeze %dma_wait3A_187 : memref<1x1x4x128xi32, #tpu.memory_space<hbm>> -> memref<4x128xi32, #tpu.memory_space<hbm>>
      %dma_wait3A_189 = tpu.memref_slice %arg10[%cond3A_62] : memref<2x!tpu.dma_semaphore, #tpu.memory_space<semaphore_mem>> -> memref<1x!tpu.dma_semaphore, #tpu.memory_space<semaphore_mem>>
      %dma_wait3A_190 = tpu.memref_squeeze %dma_wait3A_189 : memref<1x!tpu.dma_semaphore, #tpu.memory_space<semaphore_mem>> -> memref<!tpu.dma_semaphore, #tpu.memory_space<semaphore_mem>>
      %dma_wait3A_191 = arith.constant 0 : i32
      %dma_wait3A_192 = arith.constant 0 : i32
      %dma_wait3A_193 = tpu.memref_slice %arg6[%cond3A_61, %dma_wait3A_191, %dma_wait3A_192] : memref<2x4x128xi32, #tpu.memory_space<vmem>> -> memref<1x4x128xi32, #tpu.memory_space<vmem>>
      %dma_wait3A_194 = tpu.memref_squeeze %dma_wait3A_193 : memref<1x4x128xi32, #tpu.memory_space<vmem>> -> memref<4x128xi32, #tpu.memory_space<vmem>>
      %dma_wait3A_195 = arith.constant 0 : i32
      %dma_wait3A_196 = arith.constant 0 : i32
      %dma_wait3A_197 = tpu.memref_slice %arg3[%cond3A_60, %add3A_51, %dma_wait3A_195, %dma_wait3A_196] : memref<2x945x4x128xi32, #tpu.memory_space<hbm>> -> memref<1x1x4x128xi32, #tpu.memory_space<hbm>>
      %dma_wait3A_198 = tpu.memref_squeeze %dma_wait3A_197 : memref<1x1x4x128xi32, #tpu.memory_space<hbm>> -> memref<4x128xi32, #tpu.memory_space<hbm>>
      tpu.wait_dma2 semaphore(%dma_wait3A_190 : memref<!tpu.dma_semaphore, #tpu.memory_space<semaphore_mem>>) src(%dma_wait3A_198 : memref<4x128xi32, #tpu.memory_space<hbm>>) dst(%dma_wait3A_194 : memref<4x128xi32, #tpu.memory_space<vmem>>)
      %run_scoped3A_199 = arith.constant 0 : i32
      %run_scoped3A_200 = arith.constant 0 : i32
      %run_scoped3A_201 = arith.constant 0 : i32
      "tpu.region"() ({
        %run_scoped3A_211 = tpu.sem_alloc : memref<!tpu.dma_semaphore, #tpu.memory_space<semaphore_mem>>
        %dma_start3A = arith.constant 0 : i32
        %dma_start3A_212 = arith.constant 0 : i32
        %dma_start3A_213 = tpu.memref_slice %arg5[%run_scoped3A_199, %dma_start3A, %dma_start3A_212] : memref<2x512x32xf32, #tpu.memory_space<vmem>> -> memref<1x128x32xf32, #tpu.memory_space<vmem>>
        %dma_start3A_214 = tpu.memref_squeeze %dma_start3A_213 : memref<1x128x32xf32, #tpu.memory_space<vmem>> -> memref<128x32xf32, #tpu.memory_space<vmem>>
        %dma_start3A_215 = arith.constant 0 : i32
        %dma_start3A_216 = tpu.memref_slice %arg6[%run_scoped3A_200, %run_scoped3A_201, %dma_start3A_215] : memref<2x4x128xi32, #tpu.memory_space<vmem>> -> memref<1x1x128xi32, #tpu.memory_space<vmem>>
        %dma_start3A_217 = tpu.memref_squeeze %dma_start3A_216 : memref<1x1x128xi32, #tpu.memory_space<vmem>> -> memref<128xi32, #tpu.memory_space<vmem>>
        %dma_start3A_218 = arith.constant 0 : i32
        %dma_start3A_219 = arith.constant 0 : i32
        %dma_start3A_220 = tpu.memref_slice %arg8[%dma_start3A_218, %dma_start3A_219] : memref<40016x32xf32, #tpu.memory_space<vmem_shared>> -> memref<40016x32xf32, #tpu.memory_space<vmem_shared>>
        tpu.enqueue_indirect_dma source(%dma_start3A_214 : memref<128x32xf32, #tpu.memory_space<vmem>>) target(%dma_start3A_220 : memref<40016x32xf32, #tpu.memory_space<vmem_shared>>) offsets(%dma_start3A_217 : memref<128xi32, #tpu.memory_space<vmem>>) semaphore(%run_scoped3A_211 : memref<!tpu.dma_semaphore, #tpu.memory_space<semaphore_mem>>) {add = true}
        %dma_wait3A_221 = arith.constant 0 : i32
        %dma_wait3A_222 = arith.constant 0 : i32
        %dma_wait3A_223 = tpu.memref_slice %arg5[%run_scoped3A_199, %dma_wait3A_221, %dma_wait3A_222] : memref<2x512x32xf32, #tpu.memory_space<vmem>> -> memref<1x128x32xf32, #tpu.memory_space<vmem>>
        %dma_wait3A_224 = tpu.memref_squeeze %dma_wait3A_223 : memref<1x128x32xf32, #tpu.memory_space<vmem>> -> memref<128x32xf32, #tpu.memory_space<vmem>>
        %dma_wait3A_225 = arith.constant 0 : i32
        %dma_wait3A_226 = tpu.memref_slice %arg6[%run_scoped3A_200, %run_scoped3A_201, %dma_wait3A_225] : memref<2x4x128xi32, #tpu.memory_space<vmem>> -> memref<1x1x128xi32, #tpu.memory_space<vmem>>
        %dma_wait3A_227 = tpu.memref_squeeze %dma_wait3A_226 : memref<1x1x128xi32, #tpu.memory_space<vmem>> -> memref<128xi32, #tpu.memory_space<vmem>>
        %dma_wait3A_228 = arith.constant 0 : i32
        %dma_wait3A_229 = arith.constant 0 : i32
        %dma_wait3A_230 = tpu.memref_slice %arg8[%dma_wait3A_228, %dma_wait3A_229] : memref<40016x32xf32, #tpu.memory_space<vmem_shared>> -> memref<40016x32xf32, #tpu.memory_space<vmem_shared>>
        tpu.wait_indirect_dma semaphore(%run_scoped3A_211 : memref<!tpu.dma_semaphore, #tpu.memory_space<semaphore_mem>>) src(%dma_wait3A_224 : memref<128x32xf32, #tpu.memory_space<vmem>>) dst(%dma_wait3A_230 : memref<40016x32xf32, #tpu.memory_space<vmem_shared>>)
        tpu.yield
      }) : () -> ()
      %run_scoped3A_202 = arith.constant 0 : i32
      %run_scoped3A_203 = arith.constant 0 : i32
      %run_scoped3A_204 = arith.constant 1 : i32
      "tpu.region"() ({
        %run_scoped3A_211 = tpu.sem_alloc : memref<!tpu.dma_semaphore, #tpu.memory_space<semaphore_mem>>
        %dma_start3A = arith.constant 128 : i32
        %dma_start3A_212 = arith.constant 0 : i32
        %dma_start3A_213 = tpu.memref_slice %arg5[%run_scoped3A_202, %dma_start3A, %dma_start3A_212] : memref<2x512x32xf32, #tpu.memory_space<vmem>> -> memref<1x128x32xf32, #tpu.memory_space<vmem>>
        %dma_start3A_214 = tpu.memref_squeeze %dma_start3A_213 : memref<1x128x32xf32, #tpu.memory_space<vmem>> -> memref<128x32xf32, #tpu.memory_space<vmem>>
        %dma_start3A_215 = arith.constant 0 : i32
        %dma_start3A_216 = tpu.memref_slice %arg6[%run_scoped3A_203, %run_scoped3A_204, %dma_start3A_215] : memref<2x4x128xi32, #tpu.memory_space<vmem>> -> memref<1x1x128xi32, #tpu.memory_space<vmem>>
        %dma_start3A_217 = tpu.memref_squeeze %dma_start3A_216 : memref<1x1x128xi32, #tpu.memory_space<vmem>> -> memref<128xi32, #tpu.memory_space<vmem>>
        %dma_start3A_218 = arith.constant 0 : i32
        %dma_start3A_219 = arith.constant 0 : i32
        %dma_start3A_220 = tpu.memref_slice %arg8[%dma_start3A_218, %dma_start3A_219] : memref<40016x32xf32, #tpu.memory_space<vmem_shared>> -> memref<40016x32xf32, #tpu.memory_space<vmem_shared>>
        tpu.enqueue_indirect_dma source(%dma_start3A_214 : memref<128x32xf32, #tpu.memory_space<vmem>>) target(%dma_start3A_220 : memref<40016x32xf32, #tpu.memory_space<vmem_shared>>) offsets(%dma_start3A_217 : memref<128xi32, #tpu.memory_space<vmem>>) semaphore(%run_scoped3A_211 : memref<!tpu.dma_semaphore, #tpu.memory_space<semaphore_mem>>) {add = true}
        %dma_wait3A_221 = arith.constant 128 : i32
        %dma_wait3A_222 = arith.constant 0 : i32
        %dma_wait3A_223 = tpu.memref_slice %arg5[%run_scoped3A_202, %dma_wait3A_221, %dma_wait3A_222] : memref<2x512x32xf32, #tpu.memory_space<vmem>> -> memref<1x128x32xf32, #tpu.memory_space<vmem>>
        %dma_wait3A_224 = tpu.memref_squeeze %dma_wait3A_223 : memref<1x128x32xf32, #tpu.memory_space<vmem>> -> memref<128x32xf32, #tpu.memory_space<vmem>>
        %dma_wait3A_225 = arith.constant 0 : i32
        %dma_wait3A_226 = tpu.memref_slice %arg6[%run_scoped3A_203, %run_scoped3A_204, %dma_wait3A_225] : memref<2x4x128xi32, #tpu.memory_space<vmem>> -> memref<1x1x128xi32, #tpu.memory_space<vmem>>
        %dma_wait3A_227 = tpu.memref_squeeze %dma_wait3A_226 : memref<1x1x128xi32, #tpu.memory_space<vmem>> -> memref<128xi32, #tpu.memory_space<vmem>>
        %dma_wait3A_228 = arith.constant 0 : i32
        %dma_wait3A_229 = arith.constant 0 : i32
        %dma_wait3A_230 = tpu.memref_slice %arg8[%dma_wait3A_228, %dma_wait3A_229] : memref<40016x32xf32, #tpu.memory_space<vmem_shared>> -> memref<40016x32xf32, #tpu.memory_space<vmem_shared>>
        tpu.wait_indirect_dma semaphore(%run_scoped3A_211 : memref<!tpu.dma_semaphore, #tpu.memory_space<semaphore_mem>>) src(%dma_wait3A_224 : memref<128x32xf32, #tpu.memory_space<vmem>>) dst(%dma_wait3A_230 : memref<40016x32xf32, #tpu.memory_space<vmem_shared>>)
        tpu.yield
      }) : () -> ()
      %run_scoped3A_205 = arith.constant 0 : i32
      %run_scoped3A_206 = arith.constant 0 : i32
      %run_scoped3A_207 = arith.constant 2 : i32
      "tpu.region"() ({
        %run_scoped3A_211 = tpu.sem_alloc : memref<!tpu.dma_semaphore, #tpu.memory_space<semaphore_mem>>
        %dma_start3A = arith.constant 256 : i32
        %dma_start3A_212 = arith.constant 0 : i32
        %dma_start3A_213 = tpu.memref_slice %arg5[%run_scoped3A_205, %dma_start3A, %dma_start3A_212] : memref<2x512x32xf32, #tpu.memory_space<vmem>> -> memref<1x128x32xf32, #tpu.memory_space<vmem>>
        %dma_start3A_214 = tpu.memref_squeeze %dma_start3A_213 : memref<1x128x32xf32, #tpu.memory_space<vmem>> -> memref<128x32xf32, #tpu.memory_space<vmem>>
        %dma_start3A_215 = arith.constant 0 : i32
        %dma_start3A_216 = tpu.memref_slice %arg6[%run_scoped3A_206, %run_scoped3A_207, %dma_start3A_215] : memref<2x4x128xi32, #tpu.memory_space<vmem>> -> memref<1x1x128xi32, #tpu.memory_space<vmem>>
        %dma_start3A_217 = tpu.memref_squeeze %dma_start3A_216 : memref<1x1x128xi32, #tpu.memory_space<vmem>> -> memref<128xi32, #tpu.memory_space<vmem>>
        %dma_start3A_218 = arith.constant 0 : i32
        %dma_start3A_219 = arith.constant 0 : i32
        %dma_start3A_220 = tpu.memref_slice %arg8[%dma_start3A_218, %dma_start3A_219] : memref<40016x32xf32, #tpu.memory_space<vmem_shared>> -> memref<40016x32xf32, #tpu.memory_space<vmem_shared>>
        tpu.enqueue_indirect_dma source(%dma_start3A_214 : memref<128x32xf32, #tpu.memory_space<vmem>>) target(%dma_start3A_220 : memref<40016x32xf32, #tpu.memory_space<vmem_shared>>) offsets(%dma_start3A_217 : memref<128xi32, #tpu.memory_space<vmem>>) semaphore(%run_scoped3A_211 : memref<!tpu.dma_semaphore, #tpu.memory_space<semaphore_mem>>) {add = true}
        %dma_wait3A_221 = arith.constant 256 : i32
        %dma_wait3A_222 = arith.constant 0 : i32
        %dma_wait3A_223 = tpu.memref_slice %arg5[%run_scoped3A_205, %dma_wait3A_221, %dma_wait3A_222] : memref<2x512x32xf32, #tpu.memory_space<vmem>> -> memref<1x128x32xf32, #tpu.memory_space<vmem>>
        %dma_wait3A_224 = tpu.memref_squeeze %dma_wait3A_223 : memref<1x128x32xf32, #tpu.memory_space<vmem>> -> memref<128x32xf32, #tpu.memory_space<vmem>>
        %dma_wait3A_225 = arith.constant 0 : i32
        %dma_wait3A_226 = tpu.memref_slice %arg6[%run_scoped3A_206, %run_scoped3A_207, %dma_wait3A_225] : memref<2x4x128xi32, #tpu.memory_space<vmem>> -> memref<1x1x128xi32, #tpu.memory_space<vmem>>
        %dma_wait3A_227 = tpu.memref_squeeze %dma_wait3A_226 : memref<1x1x128xi32, #tpu.memory_space<vmem>> -> memref<128xi32, #tpu.memory_space<vmem>>
        %dma_wait3A_228 = arith.constant 0 : i32
        %dma_wait3A_229 = arith.constant 0 : i32
        %dma_wait3A_230 = tpu.memref_slice %arg8[%dma_wait3A_228, %dma_wait3A_229] : memref<40016x32xf32, #tpu.memory_space<vmem_shared>> -> memref<40016x32xf32, #tpu.memory_space<vmem_shared>>
        tpu.wait_indirect_dma semaphore(%run_scoped3A_211 : memref<!tpu.dma_semaphore, #tpu.memory_space<semaphore_mem>>) src(%dma_wait3A_224 : memref<128x32xf32, #tpu.memory_space<vmem>>) dst(%dma_wait3A_230 : memref<40016x32xf32, #tpu.memory_space<vmem_shared>>)
        tpu.yield
      }) : () -> ()
      %run_scoped3A_208 = arith.constant 0 : i32
      %run_scoped3A_209 = arith.constant 0 : i32
      %run_scoped3A_210 = arith.constant 3 : i32
      "tpu.region"() ({
        %run_scoped3A_211 = tpu.sem_alloc : memref<!tpu.dma_semaphore, #tpu.memory_space<semaphore_mem>>
        %dma_start3A = arith.constant 384 : i32
        %dma_start3A_212 = arith.constant 0 : i32
        %dma_start3A_213 = tpu.memref_slice %arg5[%run_scoped3A_208, %dma_start3A, %dma_start3A_212] : memref<2x512x32xf32, #tpu.memory_space<vmem>> -> memref<1x128x32xf32, #tpu.memory_space<vmem>>
        %dma_start3A_214 = tpu.memref_squeeze %dma_start3A_213 : memref<1x128x32xf32, #tpu.memory_space<vmem>> -> memref<128x32xf32, #tpu.memory_space<vmem>>
        %dma_start3A_215 = arith.constant 0 : i32
        %dma_start3A_216 = tpu.memref_slice %arg6[%run_scoped3A_209, %run_scoped3A_210, %dma_start3A_215] : memref<2x4x128xi32, #tpu.memory_space<vmem>> -> memref<1x1x128xi32, #tpu.memory_space<vmem>>
        %dma_start3A_217 = tpu.memref_squeeze %dma_start3A_216 : memref<1x1x128xi32, #tpu.memory_space<vmem>> -> memref<128xi32, #tpu.memory_space<vmem>>
        %dma_start3A_218 = arith.constant 0 : i32
        %dma_start3A_219 = arith.constant 0 : i32
        %dma_start3A_220 = tpu.memref_slice %arg8[%dma_start3A_218, %dma_start3A_219] : memref<40016x32xf32, #tpu.memory_space<vmem_shared>> -> memref<40016x32xf32, #tpu.memory_space<vmem_shared>>
        tpu.enqueue_indirect_dma source(%dma_start3A_214 : memref<128x32xf32, #tpu.memory_space<vmem>>) target(%dma_start3A_220 : memref<40016x32xf32, #tpu.memory_space<vmem_shared>>) offsets(%dma_start3A_217 : memref<128xi32, #tpu.memory_space<vmem>>) semaphore(%run_scoped3A_211 : memref<!tpu.dma_semaphore, #tpu.memory_space<semaphore_mem>>) {add = true}
        %dma_wait3A_221 = arith.constant 384 : i32
        %dma_wait3A_222 = arith.constant 0 : i32
        %dma_wait3A_223 = tpu.memref_slice %arg5[%run_scoped3A_208, %dma_wait3A_221, %dma_wait3A_222] : memref<2x512x32xf32, #tpu.memory_space<vmem>> -> memref<1x128x32xf32, #tpu.memory_space<vmem>>
        %dma_wait3A_224 = tpu.memref_squeeze %dma_wait3A_223 : memref<1x128x32xf32, #tpu.memory_space<vmem>> -> memref<128x32xf32, #tpu.memory_space<vmem>>
        %dma_wait3A_225 = arith.constant 0 : i32
        %dma_wait3A_226 = tpu.memref_slice %arg6[%run_scoped3A_209, %run_scoped3A_210, %dma_wait3A_225] : memref<2x4x128xi32, #tpu.memory_space<vmem>> -> memref<1x1x128xi32, #tpu.memory_space<vmem>>
        %dma_wait3A_227 = tpu.memref_squeeze %dma_wait3A_226 : memref<1x1x128xi32, #tpu.memory_space<vmem>> -> memref<128xi32, #tpu.memory_space<vmem>>
        %dma_wait3A_228 = arith.constant 0 : i32
        %dma_wait3A_229 = arith.constant 0 : i32
        %dma_wait3A_230 = tpu.memref_slice %arg8[%dma_wait3A_228, %dma_wait3A_229] : memref<40016x32xf32, #tpu.memory_space<vmem_shared>> -> memref<40016x32xf32, #tpu.memory_space<vmem_shared>>
        tpu.wait_indirect_dma semaphore(%run_scoped3A_211 : memref<!tpu.dma_semaphore, #tpu.memory_space<semaphore_mem>>) src(%dma_wait3A_224 : memref<128x32xf32, #tpu.memory_space<vmem>>) dst(%dma_wait3A_230 : memref<40016x32xf32, #tpu.memory_space<vmem_shared>>)
        tpu.yield
      }) : () -> ()
    } else {
    }
    %add3A_65 = arith.constant 944 : i32
    %add3A_66 = arith.addi %add3A_65, %arg1 : i32
    %mul3A_67 = arith.constant 512 : i32
    %mul3A_68 = arith.muli %add3A_66, %mul3A_67 : i32
    %lt3A_69 = arith.constant 945 : i32
    %lt3A_70 = arith.cmpi slt, %add3A_66, %lt3A_69 : i32
    %convert_element_type3A_71 = arith.extui %lt3A_70 : i1 to i32
    %cond3A_72 = arith.constant 0 : i32
    %cond3A_73 = arith.constant 1 : i32
    %cond3A_74 = arith.constant 1 : i32
    %cond3A_75 = arith.constant 0 : i32
    %cond3A_76 = arith.constant 1 : i32
    %cond3A_77 = arith.constant 1 : i32
    %cond3A_78 = arith.constant 0 : i32
    %cond3A_79 = arith.cmpi ne, %convert_element_type3A_71, %cond3A_78 : i32
    scf.if %cond3A_79 {
      %dma_wait3A = arith.constant 0 : i32
      %dma_wait3A_168 = arith.constant 0 : i32
      %dma_wait3A_169 = tpu.memref_slice %arg5[%cond3A_73, %dma_wait3A, %dma_wait3A_168] : memref<2x512x32xf32, #tpu.memory_space<vmem>> -> memref<1x512x32xf32, #tpu.memory_space<vmem>>
      %dma_wait3A_170 = tpu.memref_squeeze %dma_wait3A_169 : memref<1x512x32xf32, #tpu.memory_space<vmem>> -> memref<512x32xf32, #tpu.memory_space<vmem>>
      %dma_wait3A_171 = tpu.memref_slice %arg2[%cond3A_72, %mul3A_68, %mul3A_0] : memref<2x483840x64xf32, #tpu.memory_space<hbm>> -> memref<1x512x32xf32, #tpu.memory_space<hbm>>
      %dma_wait3A_172 = tpu.memref_squeeze %dma_wait3A_171 : memref<1x512x32xf32, #tpu.memory_space<hbm>> -> memref<512x32xf32, #tpu.memory_space<hbm>>
      %dma_wait3A_173 = tpu.memref_slice %arg9[%cond3A_74] : memref<2x!tpu.dma_semaphore, #tpu.memory_space<semaphore_mem>> -> memref<1x!tpu.dma_semaphore, #tpu.memory_space<semaphore_mem>>
      %dma_wait3A_174 = tpu.memref_squeeze %dma_wait3A_173 : memref<1x!tpu.dma_semaphore, #tpu.memory_space<semaphore_mem>> -> memref<!tpu.dma_semaphore, #tpu.memory_space<semaphore_mem>>
      %dma_wait3A_175 = arith.constant 0 : i32
      %dma_wait3A_176 = arith.constant 0 : i32
      %dma_wait3A_177 = tpu.memref_slice %arg5[%cond3A_73, %dma_wait3A_175, %dma_wait3A_176] : memref<2x512x32xf32, #tpu.memory_space<vmem>> -> memref<1x512x32xf32, #tpu.memory_space<vmem>>
      %dma_wait3A_178 = tpu.memref_squeeze %dma_wait3A_177 : memref<1x512x32xf32, #tpu.memory_space<vmem>> -> memref<512x32xf32, #tpu.memory_space<vmem>>
      %dma_wait3A_179 = tpu.memref_slice %arg2[%cond3A_72, %mul3A_68, %mul3A_0] : memref<2x483840x64xf32, #tpu.memory_space<hbm>> -> memref<1x512x32xf32, #tpu.memory_space<hbm>>
      %dma_wait3A_180 = tpu.memref_squeeze %dma_wait3A_179 : memref<1x512x32xf32, #tpu.memory_space<hbm>> -> memref<512x32xf32, #tpu.memory_space<hbm>>
      tpu.wait_dma2 semaphore(%dma_wait3A_174 : memref<!tpu.dma_semaphore, #tpu.memory_space<semaphore_mem>>) src(%dma_wait3A_180 : memref<512x32xf32, #tpu.memory_space<hbm>>) dst(%dma_wait3A_178 : memref<512x32xf32, #tpu.memory_space<vmem>>)
      %dma_wait3A_181 = arith.constant 0 : i32
      %dma_wait3A_182 = arith.constant 0 : i32
      %dma_wait3A_183 = tpu.memref_slice %arg6[%cond3A_76, %dma_wait3A_181, %dma_wait3A_182] : memref<2x4x128xi32, #tpu.memory_space<vmem>> -> memref<1x4x128xi32, #tpu.memory_space<vmem>>
      %dma_wait3A_184 = tpu.memref_squeeze %dma_wait3A_183 : memref<1x4x128xi32, #tpu.memory_space<vmem>> -> memref<4x128xi32, #tpu.memory_space<vmem>>
      %dma_wait3A_185 = arith.constant 0 : i32
      %dma_wait3A_186 = arith.constant 0 : i32
      %dma_wait3A_187 = tpu.memref_slice %arg3[%cond3A_75, %add3A_66, %dma_wait3A_185, %dma_wait3A_186] : memref<2x945x4x128xi32, #tpu.memory_space<hbm>> -> memref<1x1x4x128xi32, #tpu.memory_space<hbm>>
      %dma_wait3A_188 = tpu.memref_squeeze %dma_wait3A_187 : memref<1x1x4x128xi32, #tpu.memory_space<hbm>> -> memref<4x128xi32, #tpu.memory_space<hbm>>
      %dma_wait3A_189 = tpu.memref_slice %arg10[%cond3A_77] : memref<2x!tpu.dma_semaphore, #tpu.memory_space<semaphore_mem>> -> memref<1x!tpu.dma_semaphore, #tpu.memory_space<semaphore_mem>>
      %dma_wait3A_190 = tpu.memref_squeeze %dma_wait3A_189 : memref<1x!tpu.dma_semaphore, #tpu.memory_space<semaphore_mem>> -> memref<!tpu.dma_semaphore, #tpu.memory_space<semaphore_mem>>
      %dma_wait3A_191 = arith.constant 0 : i32
      %dma_wait3A_192 = arith.constant 0 : i32
      %dma_wait3A_193 = tpu.memref_slice %arg6[%cond3A_76, %dma_wait3A_191, %dma_wait3A_192] : memref<2x4x128xi32, #tpu.memory_space<vmem>> -> memref<1x4x128xi32, #tpu.memory_space<vmem>>
      %dma_wait3A_194 = tpu.memref_squeeze %dma_wait3A_193 : memref<1x4x128xi32, #tpu.memory_space<vmem>> -> memref<4x128xi32, #tpu.memory_space<vmem>>
      %dma_wait3A_195 = arith.constant 0 : i32
      %dma_wait3A_196 = arith.constant 0 : i32
      %dma_wait3A_197 = tpu.memref_slice %arg3[%cond3A_75, %add3A_66, %dma_wait3A_195, %dma_wait3A_196] : memref<2x945x4x128xi32, #tpu.memory_space<hbm>> -> memref<1x1x4x128xi32, #tpu.memory_space<hbm>>
      %dma_wait3A_198 = tpu.memref_squeeze %dma_wait3A_197 : memref<1x1x4x128xi32, #tpu.memory_space<hbm>> -> memref<4x128xi32, #tpu.memory_space<hbm>>
      tpu.wait_dma2 semaphore(%dma_wait3A_190 : memref<!tpu.dma_semaphore, #tpu.memory_space<semaphore_mem>>) src(%dma_wait3A_198 : memref<4x128xi32, #tpu.memory_space<hbm>>) dst(%dma_wait3A_194 : memref<4x128xi32, #tpu.memory_space<vmem>>)
      %run_scoped3A_199 = arith.constant 1 : i32
      %run_scoped3A_200 = arith.constant 1 : i32
      %run_scoped3A_201 = arith.constant 0 : i32
      "tpu.region"() ({
        %run_scoped3A_211 = tpu.sem_alloc : memref<!tpu.dma_semaphore, #tpu.memory_space<semaphore_mem>>
        %dma_start3A = arith.constant 0 : i32
        %dma_start3A_212 = arith.constant 0 : i32
        %dma_start3A_213 = tpu.memref_slice %arg5[%run_scoped3A_199, %dma_start3A, %dma_start3A_212] : memref<2x512x32xf32, #tpu.memory_space<vmem>> -> memref<1x128x32xf32, #tpu.memory_space<vmem>>
        %dma_start3A_214 = tpu.memref_squeeze %dma_start3A_213 : memref<1x128x32xf32, #tpu.memory_space<vmem>> -> memref<128x32xf32, #tpu.memory_space<vmem>>
        %dma_start3A_215 = arith.constant 0 : i32
        %dma_start3A_216 = tpu.memref_slice %arg6[%run_scoped3A_200, %run_scoped3A_201, %dma_start3A_215] : memref<2x4x128xi32, #tpu.memory_space<vmem>> -> memref<1x1x128xi32, #tpu.memory_space<vmem>>
        %dma_start3A_217 = tpu.memref_squeeze %dma_start3A_216 : memref<1x1x128xi32, #tpu.memory_space<vmem>> -> memref<128xi32, #tpu.memory_space<vmem>>
        %dma_start3A_218 = arith.constant 0 : i32
        %dma_start3A_219 = arith.constant 0 : i32
        %dma_start3A_220 = tpu.memref_slice %arg8[%dma_start3A_218, %dma_start3A_219] : memref<40016x32xf32, #tpu.memory_space<vmem_shared>> -> memref<40016x32xf32, #tpu.memory_space<vmem_shared>>
        tpu.enqueue_indirect_dma source(%dma_start3A_214 : memref<128x32xf32, #tpu.memory_space<vmem>>) target(%dma_start3A_220 : memref<40016x32xf32, #tpu.memory_space<vmem_shared>>) offsets(%dma_start3A_217 : memref<128xi32, #tpu.memory_space<vmem>>) semaphore(%run_scoped3A_211 : memref<!tpu.dma_semaphore, #tpu.memory_space<semaphore_mem>>) {add = true}
        %dma_wait3A_221 = arith.constant 0 : i32
        %dma_wait3A_222 = arith.constant 0 : i32
        %dma_wait3A_223 = tpu.memref_slice %arg5[%run_scoped3A_199, %dma_wait3A_221, %dma_wait3A_222] : memref<2x512x32xf32, #tpu.memory_space<vmem>> -> memref<1x128x32xf32, #tpu.memory_space<vmem>>
        %dma_wait3A_224 = tpu.memref_squeeze %dma_wait3A_223 : memref<1x128x32xf32, #tpu.memory_space<vmem>> -> memref<128x32xf32, #tpu.memory_space<vmem>>
        %dma_wait3A_225 = arith.constant 0 : i32
        %dma_wait3A_226 = tpu.memref_slice %arg6[%run_scoped3A_200, %run_scoped3A_201, %dma_wait3A_225] : memref<2x4x128xi32, #tpu.memory_space<vmem>> -> memref<1x1x128xi32, #tpu.memory_space<vmem>>
        %dma_wait3A_227 = tpu.memref_squeeze %dma_wait3A_226 : memref<1x1x128xi32, #tpu.memory_space<vmem>> -> memref<128xi32, #tpu.memory_space<vmem>>
        %dma_wait3A_228 = arith.constant 0 : i32
        %dma_wait3A_229 = arith.constant 0 : i32
        %dma_wait3A_230 = tpu.memref_slice %arg8[%dma_wait3A_228, %dma_wait3A_229] : memref<40016x32xf32, #tpu.memory_space<vmem_shared>> -> memref<40016x32xf32, #tpu.memory_space<vmem_shared>>
        tpu.wait_indirect_dma semaphore(%run_scoped3A_211 : memref<!tpu.dma_semaphore, #tpu.memory_space<semaphore_mem>>) src(%dma_wait3A_224 : memref<128x32xf32, #tpu.memory_space<vmem>>) dst(%dma_wait3A_230 : memref<40016x32xf32, #tpu.memory_space<vmem_shared>>)
        tpu.yield
      }) : () -> ()
      %run_scoped3A_202 = arith.constant 1 : i32
      %run_scoped3A_203 = arith.constant 1 : i32
      %run_scoped3A_204 = arith.constant 1 : i32
      "tpu.region"() ({
        %run_scoped3A_211 = tpu.sem_alloc : memref<!tpu.dma_semaphore, #tpu.memory_space<semaphore_mem>>
        %dma_start3A = arith.constant 128 : i32
        %dma_start3A_212 = arith.constant 0 : i32
        %dma_start3A_213 = tpu.memref_slice %arg5[%run_scoped3A_202, %dma_start3A, %dma_start3A_212] : memref<2x512x32xf32, #tpu.memory_space<vmem>> -> memref<1x128x32xf32, #tpu.memory_space<vmem>>
        %dma_start3A_214 = tpu.memref_squeeze %dma_start3A_213 : memref<1x128x32xf32, #tpu.memory_space<vmem>> -> memref<128x32xf32, #tpu.memory_space<vmem>>
        %dma_start3A_215 = arith.constant 0 : i32
        %dma_start3A_216 = tpu.memref_slice %arg6[%run_scoped3A_203, %run_scoped3A_204, %dma_start3A_215] : memref<2x4x128xi32, #tpu.memory_space<vmem>> -> memref<1x1x128xi32, #tpu.memory_space<vmem>>
        %dma_start3A_217 = tpu.memref_squeeze %dma_start3A_216 : memref<1x1x128xi32, #tpu.memory_space<vmem>> -> memref<128xi32, #tpu.memory_space<vmem>>
        %dma_start3A_218 = arith.constant 0 : i32
        %dma_start3A_219 = arith.constant 0 : i32
        %dma_start3A_220 = tpu.memref_slice %arg8[%dma_start3A_218, %dma_start3A_219] : memref<40016x32xf32, #tpu.memory_space<vmem_shared>> -> memref<40016x32xf32, #tpu.memory_space<vmem_shared>>
        tpu.enqueue_indirect_dma source(%dma_start3A_214 : memref<128x32xf32, #tpu.memory_space<vmem>>) target(%dma_start3A_220 : memref<40016x32xf32, #tpu.memory_space<vmem_shared>>) offsets(%dma_start3A_217 : memref<128xi32, #tpu.memory_space<vmem>>) semaphore(%run_scoped3A_211 : memref<!tpu.dma_semaphore, #tpu.memory_space<semaphore_mem>>) {add = true}
        %dma_wait3A_221 = arith.constant 128 : i32
        %dma_wait3A_222 = arith.constant 0 : i32
        %dma_wait3A_223 = tpu.memref_slice %arg5[%run_scoped3A_202, %dma_wait3A_221, %dma_wait3A_222] : memref<2x512x32xf32, #tpu.memory_space<vmem>> -> memref<1x128x32xf32, #tpu.memory_space<vmem>>
        %dma_wait3A_224 = tpu.memref_squeeze %dma_wait3A_223 : memref<1x128x32xf32, #tpu.memory_space<vmem>> -> memref<128x32xf32, #tpu.memory_space<vmem>>
        %dma_wait3A_225 = arith.constant 0 : i32
        %dma_wait3A_226 = tpu.memref_slice %arg6[%run_scoped3A_203, %run_scoped3A_204, %dma_wait3A_225] : memref<2x4x128xi32, #tpu.memory_space<vmem>> -> memref<1x1x128xi32, #tpu.memory_space<vmem>>
        %dma_wait3A_227 = tpu.memref_squeeze %dma_wait3A_226 : memref<1x1x128xi32, #tpu.memory_space<vmem>> -> memref<128xi32, #tpu.memory_space<vmem>>
        %dma_wait3A_228 = arith.constant 0 : i32
        %dma_wait3A_229 = arith.constant 0 : i32
        %dma_wait3A_230 = tpu.memref_slice %arg8[%dma_wait3A_228, %dma_wait3A_229] : memref<40016x32xf32, #tpu.memory_space<vmem_shared>> -> memref<40016x32xf32, #tpu.memory_space<vmem_shared>>
        tpu.wait_indirect_dma semaphore(%run_scoped3A_211 : memref<!tpu.dma_semaphore, #tpu.memory_space<semaphore_mem>>) src(%dma_wait3A_224 : memref<128x32xf32, #tpu.memory_space<vmem>>) dst(%dma_wait3A_230 : memref<40016x32xf32, #tpu.memory_space<vmem_shared>>)
        tpu.yield
      }) : () -> ()
      %run_scoped3A_205 = arith.constant 1 : i32
      %run_scoped3A_206 = arith.constant 1 : i32
      %run_scoped3A_207 = arith.constant 2 : i32
      "tpu.region"() ({
        %run_scoped3A_211 = tpu.sem_alloc : memref<!tpu.dma_semaphore, #tpu.memory_space<semaphore_mem>>
        %dma_start3A = arith.constant 256 : i32
        %dma_start3A_212 = arith.constant 0 : i32
        %dma_start3A_213 = tpu.memref_slice %arg5[%run_scoped3A_205, %dma_start3A, %dma_start3A_212] : memref<2x512x32xf32, #tpu.memory_space<vmem>> -> memref<1x128x32xf32, #tpu.memory_space<vmem>>
        %dma_start3A_214 = tpu.memref_squeeze %dma_start3A_213 : memref<1x128x32xf32, #tpu.memory_space<vmem>> -> memref<128x32xf32, #tpu.memory_space<vmem>>
        %dma_start3A_215 = arith.constant 0 : i32
        %dma_start3A_216 = tpu.memref_slice %arg6[%run_scoped3A_206, %run_scoped3A_207, %dma_start3A_215] : memref<2x4x128xi32, #tpu.memory_space<vmem>> -> memref<1x1x128xi32, #tpu.memory_space<vmem>>
        %dma_start3A_217 = tpu.memref_squeeze %dma_start3A_216 : memref<1x1x128xi32, #tpu.memory_space<vmem>> -> memref<128xi32, #tpu.memory_space<vmem>>
        %dma_start3A_218 = arith.constant 0 : i32
        %dma_start3A_219 = arith.constant 0 : i32
        %dma_start3A_220 = tpu.memref_slice %arg8[%dma_start3A_218, %dma_start3A_219] : memref<40016x32xf32, #tpu.memory_space<vmem_shared>> -> memref<40016x32xf32, #tpu.memory_space<vmem_shared>>
        tpu.enqueue_indirect_dma source(%dma_start3A_214 : memref<128x32xf32, #tpu.memory_space<vmem>>) target(%dma_start3A_220 : memref<40016x32xf32, #tpu.memory_space<vmem_shared>>) offsets(%dma_start3A_217 : memref<128xi32, #tpu.memory_space<vmem>>) semaphore(%run_scoped3A_211 : memref<!tpu.dma_semaphore, #tpu.memory_space<semaphore_mem>>) {add = true}
        %dma_wait3A_221 = arith.constant 256 : i32
        %dma_wait3A_222 = arith.constant 0 : i32
        %dma_wait3A_223 = tpu.memref_slice %arg5[%run_scoped3A_205, %dma_wait3A_221, %dma_wait3A_222] : memref<2x512x32xf32, #tpu.memory_space<vmem>> -> memref<1x128x32xf32, #tpu.memory_space<vmem>>
        %dma_wait3A_224 = tpu.memref_squeeze %dma_wait3A_223 : memref<1x128x32xf32, #tpu.memory_space<vmem>> -> memref<128x32xf32, #tpu.memory_space<vmem>>
        %dma_wait3A_225 = arith.constant 0 : i32
        %dma_wait3A_226 = tpu.memref_slice %arg6[%run_scoped3A_206, %run_scoped3A_207, %dma_wait3A_225] : memref<2x4x128xi32, #tpu.memory_space<vmem>> -> memref<1x1x128xi32, #tpu.memory_space<vmem>>
        %dma_wait3A_227 = tpu.memref_squeeze %dma_wait3A_226 : memref<1x1x128xi32, #tpu.memory_space<vmem>> -> memref<128xi32, #tpu.memory_space<vmem>>
        %dma_wait3A_228 = arith.constant 0 : i32
        %dma_wait3A_229 = arith.constant 0 : i32
        %dma_wait3A_230 = tpu.memref_slice %arg8[%dma_wait3A_228, %dma_wait3A_229] : memref<40016x32xf32, #tpu.memory_space<vmem_shared>> -> memref<40016x32xf32, #tpu.memory_space<vmem_shared>>
        tpu.wait_indirect_dma semaphore(%run_scoped3A_211 : memref<!tpu.dma_semaphore, #tpu.memory_space<semaphore_mem>>) src(%dma_wait3A_224 : memref<128x32xf32, #tpu.memory_space<vmem>>) dst(%dma_wait3A_230 : memref<40016x32xf32, #tpu.memory_space<vmem_shared>>)
        tpu.yield
      }) : () -> ()
      %run_scoped3A_208 = arith.constant 1 : i32
      %run_scoped3A_209 = arith.constant 1 : i32
      %run_scoped3A_210 = arith.constant 3 : i32
      "tpu.region"() ({
        %run_scoped3A_211 = tpu.sem_alloc : memref<!tpu.dma_semaphore, #tpu.memory_space<semaphore_mem>>
        %dma_start3A = arith.constant 384 : i32
        %dma_start3A_212 = arith.constant 0 : i32
        %dma_start3A_213 = tpu.memref_slice %arg5[%run_scoped3A_208, %dma_start3A, %dma_start3A_212] : memref<2x512x32xf32, #tpu.memory_space<vmem>> -> memref<1x128x32xf32, #tpu.memory_space<vmem>>
        %dma_start3A_214 = tpu.memref_squeeze %dma_start3A_213 : memref<1x128x32xf32, #tpu.memory_space<vmem>> -> memref<128x32xf32, #tpu.memory_space<vmem>>
        %dma_start3A_215 = arith.constant 0 : i32
        %dma_start3A_216 = tpu.memref_slice %arg6[%run_scoped3A_209, %run_scoped3A_210, %dma_start3A_215] : memref<2x4x128xi32, #tpu.memory_space<vmem>> -> memref<1x1x128xi32, #tpu.memory_space<vmem>>
        %dma_start3A_217 = tpu.memref_squeeze %dma_start3A_216 : memref<1x1x128xi32, #tpu.memory_space<vmem>> -> memref<128xi32, #tpu.memory_space<vmem>>
        %dma_start3A_218 = arith.constant 0 : i32
        %dma_start3A_219 = arith.constant 0 : i32
        %dma_start3A_220 = tpu.memref_slice %arg8[%dma_start3A_218, %dma_start3A_219] : memref<40016x32xf32, #tpu.memory_space<vmem_shared>> -> memref<40016x32xf32, #tpu.memory_space<vmem_shared>>
        tpu.enqueue_indirect_dma source(%dma_start3A_214 : memref<128x32xf32, #tpu.memory_space<vmem>>) target(%dma_start3A_220 : memref<40016x32xf32, #tpu.memory_space<vmem_shared>>) offsets(%dma_start3A_217 : memref<128xi32, #tpu.memory_space<vmem>>) semaphore(%run_scoped3A_211 : memref<!tpu.dma_semaphore, #tpu.memory_space<semaphore_mem>>) {add = true}
        %dma_wait3A_221 = arith.constant 384 : i32
        %dma_wait3A_222 = arith.constant 0 : i32
        %dma_wait3A_223 = tpu.memref_slice %arg5[%run_scoped3A_208, %dma_wait3A_221, %dma_wait3A_222] : memref<2x512x32xf32, #tpu.memory_space<vmem>> -> memref<1x128x32xf32, #tpu.memory_space<vmem>>
        %dma_wait3A_224 = tpu.memref_squeeze %dma_wait3A_223 : memref<1x128x32xf32, #tpu.memory_space<vmem>> -> memref<128x32xf32, #tpu.memory_space<vmem>>
        %dma_wait3A_225 = arith.constant 0 : i32
        %dma_wait3A_226 = tpu.memref_slice %arg6[%run_scoped3A_209, %run_scoped3A_210, %dma_wait3A_225] : memref<2x4x128xi32, #tpu.memory_space<vmem>> -> memref<1x1x128xi32, #tpu.memory_space<vmem>>
        %dma_wait3A_227 = tpu.memref_squeeze %dma_wait3A_226 : memref<1x1x128xi32, #tpu.memory_space<vmem>> -> memref<128xi32, #tpu.memory_space<vmem>>
        %dma_wait3A_228 = arith.constant 0 : i32
        %dma_wait3A_229 = arith.constant 0 : i32
        %dma_wait3A_230 = tpu.memref_slice %arg8[%dma_wait3A_228, %dma_wait3A_229] : memref<40016x32xf32, #tpu.memory_space<vmem_shared>> -> memref<40016x32xf32, #tpu.memory_space<vmem_shared>>
        tpu.wait_indirect_dma semaphore(%run_scoped3A_211 : memref<!tpu.dma_semaphore, #tpu.memory_space<semaphore_mem>>) src(%dma_wait3A_224 : memref<128x32xf32, #tpu.memory_space<vmem>>) dst(%dma_wait3A_230 : memref<40016x32xf32, #tpu.memory_space<vmem_shared>>)
        tpu.yield
      }) : () -> ()
    } else {
    }
    %barrier3A_80 = arith.constant 0 : index
    tpu.barrier barrier_id(%barrier3A_80)
    %mul3A_81 = arith.constant 2500 : i32
    %mul3A_82 = arith.muli %arg1, %mul3A_81 : i32
    %run_scoped3A = arith.constant 0 : i32
    "tpu.region"() ({
      %run_scoped3A_168 = tpu.sem_alloc : memref<!tpu.dma_semaphore, #tpu.memory_space<semaphore_mem>>
      %dma_start3A = tpu.memref_slice %arg4[%run_scoped3A, %mul3A_82, %mul3A_0] : memref<2x40000x64xf32, #tpu.memory_space<hbm>> -> memref<1x2500x32xf32, #tpu.memory_space<hbm>>
      %dma_start3A_169 = tpu.memref_squeeze %dma_start3A : memref<1x2500x32xf32, #tpu.memory_space<hbm>> -> memref<2500x32xf32, #tpu.memory_space<hbm>>
      %dma_start3A_170 = arith.constant 0 : i32
      %dma_start3A_171 = tpu.memref_slice %arg8[%mul3A_82, %dma_start3A_170] : memref<40016x32xf32, #tpu.memory_space<vmem_shared>> -> memref<2500x32xf32, #tpu.memory_space<vmem_shared>>
      tpu.enqueue_dma source(%dma_start3A_171 : memref<2500x32xf32, #tpu.memory_space<vmem_shared>>) target(%dma_start3A_169 : memref<2500x32xf32, #tpu.memory_space<hbm>>) target_semaphore(%run_scoped3A_168 : memref<!tpu.dma_semaphore, #tpu.memory_space<semaphore_mem>>)
      %dma_wait3A = tpu.memref_slice %arg4[%run_scoped3A, %mul3A_82, %mul3A_0] : memref<2x40000x64xf32, #tpu.memory_space<hbm>> -> memref<1x2500x32xf32, #tpu.memory_space<hbm>>
      %dma_wait3A_172 = tpu.memref_squeeze %dma_wait3A : memref<1x2500x32xf32, #tpu.memory_space<hbm>> -> memref<2500x32xf32, #tpu.memory_space<hbm>>
      %dma_wait3A_173 = arith.constant 0 : i32
      %dma_wait3A_174 = tpu.memref_slice %arg8[%mul3A_82, %dma_wait3A_173] : memref<40016x32xf32, #tpu.memory_space<vmem_shared>> -> memref<2500x32xf32, #tpu.memory_space<vmem_shared>>
      tpu.wait_dma2 semaphore(%run_scoped3A_168 : memref<!tpu.dma_semaphore, #tpu.memory_space<semaphore_mem>>) src(%dma_wait3A_174 : memref<2500x32xf32, #tpu.memory_space<vmem_shared>>) dst(%dma_wait3A_172 : memref<2500x32xf32, #tpu.memory_space<hbm>>)
      tpu.yield
    }) : () -> ()
    %barrier3A_83 = arith.constant 0 : index
    tpu.barrier barrier_id(%barrier3A_83)
    %mul3A_84 = arith.constant 2501 : i32
    %mul3A_85 = arith.muli %arg1, %mul3A_84 : i32
    %add3A_86 = arith.constant 0 : i32
    %add3A_87 = arith.addi %mul3A_85, %add3A_86 : i32
    "tpu.region"() ({
      %run_scoped3A_168 = tpu.sem_alloc : memref<!tpu.dma_semaphore, #tpu.memory_space<semaphore_mem>>
      %dma_start3A = arith.constant 0 : i32
      %dma_start3A_169 = arith.constant 0 : i32
      %dma_start3A_170 = tpu.memref_slice %arg7[%dma_start3A, %dma_start3A_169] : memref<512x32xf32, #tpu.memory_space<vmem>> -> memref<512x32xf32, #tpu.memory_space<vmem>>
      %dma_start3A_171 = arith.constant 0 : i32
      %dma_start3A_172 = tpu.memref_slice %arg8[%add3A_87, %dma_start3A_171] : memref<40016x32xf32, #tpu.memory_space<vmem_shared>> -> memref<512x32xf32, #tpu.memory_space<vmem_shared>>
      %dma_start3A_173 = arith.constant 0 : i32
      %dma_start3A_174 = tpu.memref_slice %arg8[%add3A_87, %dma_start3A_173] : memref<40016x32xf32, #tpu.memory_space<vmem_shared>> -> memref<512x32xf32, #tpu.memory_space<vmem_shared>>
      %dma_start3A_175 = arith.constant 0 : i32
      %dma_start3A_176 = arith.constant 0 : i32
      %dma_start3A_177 = tpu.memref_slice %arg7[%dma_start3A_175, %dma_start3A_176] : memref<512x32xf32, #tpu.memory_space<vmem>> -> memref<512x32xf32, #tpu.memory_space<vmem>>
      tpu.enqueue_dma source(%dma_start3A_177 : memref<512x32xf32, #tpu.memory_space<vmem>>) target(%dma_start3A_174 : memref<512x32xf32, #tpu.memory_space<vmem_shared>>) target_semaphore(%run_scoped3A_168 : memref<!tpu.dma_semaphore, #tpu.memory_space<semaphore_mem>>)
      %dma_wait3A = arith.constant 0 : i32
      %dma_wait3A_178 = arith.constant 0 : i32
      %dma_wait3A_179 = tpu.memref_slice %arg7[%dma_wait3A, %dma_wait3A_178] : memref<512x32xf32, #tpu.memory_space<vmem>> -> memref<512x32xf32, #tpu.memory_space<vmem>>
      %dma_wait3A_180 = arith.constant 0 : i32
      %dma_wait3A_181 = tpu.memref_slice %arg8[%add3A_87, %dma_wait3A_180] : memref<40016x32xf32, #tpu.memory_space<vmem_shared>> -> memref<512x32xf32, #tpu.memory_space<vmem_shared>>
      %dma_wait3A_182 = arith.constant 0 : i32
      %dma_wait3A_183 = tpu.memref_slice %arg8[%add3A_87, %dma_wait3A_182] : memref<40016x32xf32, #tpu.memory_space<vmem_shared>> -> memref<512x32xf32, #tpu.memory_space<vmem_shared>>
      %dma_wait3A_184 = arith.constant 0 : i32
      %dma_wait3A_185 = arith.constant 0 : i32
      %dma_wait3A_186 = tpu.memref_slice %arg7[%dma_wait3A_184, %dma_wait3A_185] : memref<512x32xf32, #tpu.memory_space<vmem>> -> memref<512x32xf32, #tpu.memory_space<vmem>>
      tpu.wait_dma2 semaphore(%run_scoped3A_168 : memref<!tpu.dma_semaphore, #tpu.memory_space<semaphore_mem>>) src(%dma_wait3A_186 : memref<512x32xf32, #tpu.memory_space<vmem>>) dst(%dma_wait3A_183 : memref<512x32xf32, #tpu.memory_space<vmem_shared>>)
      tpu.yield
    }) : () -> ()
    %add3A_88 = arith.constant 512 : i32
    %add3A_89 = arith.addi %mul3A_85, %add3A_88 : i32
    "tpu.region"() ({
      %run_scoped3A_168 = tpu.sem_alloc : memref<!tpu.dma_semaphore, #tpu.memory_space<semaphore_mem>>
      %dma_start3A = arith.constant 0 : i32
      %dma_start3A_169 = arith.constant 0 : i32
      %dma_start3A_170 = tpu.memref_slice %arg7[%dma_start3A, %dma_start3A_169] : memref<512x32xf32, #tpu.memory_space<vmem>> -> memref<512x32xf32, #tpu.memory_space<vmem>>
      %dma_start3A_171 = arith.constant 0 : i32
      %dma_start3A_172 = tpu.memref_slice %arg8[%add3A_89, %dma_start3A_171] : memref<40016x32xf32, #tpu.memory_space<vmem_shared>> -> memref<512x32xf32, #tpu.memory_space<vmem_shared>>
      %dma_start3A_173 = arith.constant 0 : i32
      %dma_start3A_174 = tpu.memref_slice %arg8[%add3A_89, %dma_start3A_173] : memref<40016x32xf32, #tpu.memory_space<vmem_shared>> -> memref<512x32xf32, #tpu.memory_space<vmem_shared>>
      %dma_start3A_175 = arith.constant 0 : i32
      %dma_start3A_176 = arith.constant 0 : i32
      %dma_start3A_177 = tpu.memref_slice %arg7[%dma_start3A_175, %dma_start3A_176] : memref<512x32xf32, #tpu.memory_space<vmem>> -> memref<512x32xf32, #tpu.memory_space<vmem>>
      tpu.enqueue_dma source(%dma_start3A_177 : memref<512x32xf32, #tpu.memory_space<vmem>>) target(%dma_start3A_174 : memref<512x32xf32, #tpu.memory_space<vmem_shared>>) target_semaphore(%run_scoped3A_168 : memref<!tpu.dma_semaphore, #tpu.memory_space<semaphore_mem>>)
      %dma_wait3A = arith.constant 0 : i32
      %dma_wait3A_178 = arith.constant 0 : i32
      %dma_wait3A_179 = tpu.memref_slice %arg7[%dma_wait3A, %dma_wait3A_178] : memref<512x32xf32, #tpu.memory_space<vmem>> -> memref<512x32xf32, #tpu.memory_space<vmem>>
      %dma_wait3A_180 = arith.constant 0 : i32
      %dma_wait3A_181 = tpu.memref_slice %arg8[%add3A_89, %dma_wait3A_180] : memref<40016x32xf32, #tpu.memory_space<vmem_shared>> -> memref<512x32xf32, #tpu.memory_space<vmem_shared>>
      %dma_wait3A_182 = arith.constant 0 : i32
      %dma_wait3A_183 = tpu.memref_slice %arg8[%add3A_89, %dma_wait3A_182] : memref<40016x32xf32, #tpu.memory_space<vmem_shared>> -> memref<512x32xf32, #tpu.memory_space<vmem_shared>>
      %dma_wait3A_184 = arith.constant 0 : i32
      %dma_wait3A_185 = arith.constant 0 : i32
      %dma_wait3A_186 = tpu.memref_slice %arg7[%dma_wait3A_184, %dma_wait3A_185] : memref<512x32xf32, #tpu.memory_space<vmem>> -> memref<512x32xf32, #tpu.memory_space<vmem>>
      tpu.wait_dma2 semaphore(%run_scoped3A_168 : memref<!tpu.dma_semaphore, #tpu.memory_space<semaphore_mem>>) src(%dma_wait3A_186 : memref<512x32xf32, #tpu.memory_space<vmem>>) dst(%dma_wait3A_183 : memref<512x32xf32, #tpu.memory_space<vmem_shared>>)
      tpu.yield
    }) : () -> ()
    %add3A_90 = arith.constant 1024 : i32
    %add3A_91 = arith.addi %mul3A_85, %add3A_90 : i32
    "tpu.region"() ({
      %run_scoped3A_168 = tpu.sem_alloc : memref<!tpu.dma_semaphore, #tpu.memory_space<semaphore_mem>>
      %dma_start3A = arith.constant 0 : i32
      %dma_start3A_169 = arith.constant 0 : i32
      %dma_start3A_170 = tpu.memref_slice %arg7[%dma_start3A, %dma_start3A_169] : memref<512x32xf32, #tpu.memory_space<vmem>> -> memref<512x32xf32, #tpu.memory_space<vmem>>
      %dma_start3A_171 = arith.constant 0 : i32
      %dma_start3A_172 = tpu.memref_slice %arg8[%add3A_91, %dma_start3A_171] : memref<40016x32xf32, #tpu.memory_space<vmem_shared>> -> memref<512x32xf32, #tpu.memory_space<vmem_shared>>
      %dma_start3A_173 = arith.constant 0 : i32
      %dma_start3A_174 = tpu.memref_slice %arg8[%add3A_91, %dma_start3A_173] : memref<40016x32xf32, #tpu.memory_space<vmem_shared>> -> memref<512x32xf32, #tpu.memory_space<vmem_shared>>
      %dma_start3A_175 = arith.constant 0 : i32
      %dma_start3A_176 = arith.constant 0 : i32
      %dma_start3A_177 = tpu.memref_slice %arg7[%dma_start3A_175, %dma_start3A_176] : memref<512x32xf32, #tpu.memory_space<vmem>> -> memref<512x32xf32, #tpu.memory_space<vmem>>
      tpu.enqueue_dma source(%dma_start3A_177 : memref<512x32xf32, #tpu.memory_space<vmem>>) target(%dma_start3A_174 : memref<512x32xf32, #tpu.memory_space<vmem_shared>>) target_semaphore(%run_scoped3A_168 : memref<!tpu.dma_semaphore, #tpu.memory_space<semaphore_mem>>)
      %dma_wait3A = arith.constant 0 : i32
      %dma_wait3A_178 = arith.constant 0 : i32
      %dma_wait3A_179 = tpu.memref_slice %arg7[%dma_wait3A, %dma_wait3A_178] : memref<512x32xf32, #tpu.memory_space<vmem>> -> memref<512x32xf32, #tpu.memory_space<vmem>>
      %dma_wait3A_180 = arith.constant 0 : i32
      %dma_wait3A_181 = tpu.memref_slice %arg8[%add3A_91, %dma_wait3A_180] : memref<40016x32xf32, #tpu.memory_space<vmem_shared>> -> memref<512x32xf32, #tpu.memory_space<vmem_shared>>
      %dma_wait3A_182 = arith.constant 0 : i32
      %dma_wait3A_183 = tpu.memref_slice %arg8[%add3A_91, %dma_wait3A_182] : memref<40016x32xf32, #tpu.memory_space<vmem_shared>> -> memref<512x32xf32, #tpu.memory_space<vmem_shared>>
      %dma_wait3A_184 = arith.constant 0 : i32
      %dma_wait3A_185 = arith.constant 0 : i32
      %dma_wait3A_186 = tpu.memref_slice %arg7[%dma_wait3A_184, %dma_wait3A_185] : memref<512x32xf32, #tpu.memory_space<vmem>> -> memref<512x32xf32, #tpu.memory_space<vmem>>
      tpu.wait_dma2 semaphore(%run_scoped3A_168 : memref<!tpu.dma_semaphore, #tpu.memory_space<semaphore_mem>>) src(%dma_wait3A_186 : memref<512x32xf32, #tpu.memory_space<vmem>>) dst(%dma_wait3A_183 : memref<512x32xf32, #tpu.memory_space<vmem_shared>>)
      tpu.yield
    }) : () -> ()
    %add3A_92 = arith.constant 1536 : i32
    %add3A_93 = arith.addi %mul3A_85, %add3A_92 : i32
    "tpu.region"() ({
      %run_scoped3A_168 = tpu.sem_alloc : memref<!tpu.dma_semaphore, #tpu.memory_space<semaphore_mem>>
      %dma_start3A = arith.constant 0 : i32
      %dma_start3A_169 = arith.constant 0 : i32
      %dma_start3A_170 = tpu.memref_slice %arg7[%dma_start3A, %dma_start3A_169] : memref<512x32xf32, #tpu.memory_space<vmem>> -> memref<512x32xf32, #tpu.memory_space<vmem>>
      %dma_start3A_171 = arith.constant 0 : i32
      %dma_start3A_172 = tpu.memref_slice %arg8[%add3A_93, %dma_start3A_171] : memref<40016x32xf32, #tpu.memory_space<vmem_shared>> -> memref<512x32xf32, #tpu.memory_space<vmem_shared>>
      %dma_start3A_173 = arith.constant 0 : i32
      %dma_start3A_174 = tpu.memref_slice %arg8[%add3A_93, %dma_start3A_173] : memref<40016x32xf32, #tpu.memory_space<vmem_shared>> -> memref<512x32xf32, #tpu.memory_space<vmem_shared>>
      %dma_start3A_175 = arith.constant 0 : i32
      %dma_start3A_176 = arith.constant 0 : i32
      %dma_start3A_177 = tpu.memref_slice %arg7[%dma_start3A_175, %dma_start3A_176] : memref<512x32xf32, #tpu.memory_space<vmem>> -> memref<512x32xf32, #tpu.memory_space<vmem>>
      tpu.enqueue_dma source(%dma_start3A_177 : memref<512x32xf32, #tpu.memory_space<vmem>>) target(%dma_start3A_174 : memref<512x32xf32, #tpu.memory_space<vmem_shared>>) target_semaphore(%run_scoped3A_168 : memref<!tpu.dma_semaphore, #tpu.memory_space<semaphore_mem>>)
      %dma_wait3A = arith.constant 0 : i32
      %dma_wait3A_178 = arith.constant 0 : i32
      %dma_wait3A_179 = tpu.memref_slice %arg7[%dma_wait3A, %dma_wait3A_178] : memref<512x32xf32, #tpu.memory_space<vmem>> -> memref<512x32xf32, #tpu.memory_space<vmem>>
      %dma_wait3A_180 = arith.constant 0 : i32
      %dma_wait3A_181 = tpu.memref_slice %arg8[%add3A_93, %dma_wait3A_180] : memref<40016x32xf32, #tpu.memory_space<vmem_shared>> -> memref<512x32xf32, #tpu.memory_space<vmem_shared>>
      %dma_wait3A_182 = arith.constant 0 : i32
      %dma_wait3A_183 = tpu.memref_slice %arg8[%add3A_93, %dma_wait3A_182] : memref<40016x32xf32, #tpu.memory_space<vmem_shared>> -> memref<512x32xf32, #tpu.memory_space<vmem_shared>>
      %dma_wait3A_184 = arith.constant 0 : i32
      %dma_wait3A_185 = arith.constant 0 : i32
      %dma_wait3A_186 = tpu.memref_slice %arg7[%dma_wait3A_184, %dma_wait3A_185] : memref<512x32xf32, #tpu.memory_space<vmem>> -> memref<512x32xf32, #tpu.memory_space<vmem>>
      tpu.wait_dma2 semaphore(%run_scoped3A_168 : memref<!tpu.dma_semaphore, #tpu.memory_space<semaphore_mem>>) src(%dma_wait3A_186 : memref<512x32xf32, #tpu.memory_space<vmem>>) dst(%dma_wait3A_183 : memref<512x32xf32, #tpu.memory_space<vmem_shared>>)
      tpu.yield
    }) : () -> ()
    %add3A_94 = arith.constant 2048 : i32
    %add3A_95 = arith.addi %mul3A_85, %add3A_94 : i32
    "tpu.region"() ({
      %run_scoped3A_168 = tpu.sem_alloc : memref<!tpu.dma_semaphore, #tpu.memory_space<semaphore_mem>>
      %dma_start3A = arith.constant 0 : i32
      %dma_start3A_169 = arith.constant 0 : i32
      %dma_start3A_170 = tpu.memref_slice %arg7[%dma_start3A, %dma_start3A_169] : memref<512x32xf32, #tpu.memory_space<vmem>> -> memref<453x32xf32, #tpu.memory_space<vmem>>
      %dma_start3A_171 = arith.constant 0 : i32
      %dma_start3A_172 = tpu.memref_slice %arg8[%add3A_95, %dma_start3A_171] : memref<40016x32xf32, #tpu.memory_space<vmem_shared>> -> memref<453x32xf32, #tpu.memory_space<vmem_shared>>
      %dma_start3A_173 = arith.constant 0 : i32
      %dma_start3A_174 = tpu.memref_slice %arg8[%add3A_95, %dma_start3A_173] : memref<40016x32xf32, #tpu.memory_space<vmem_shared>> -> memref<453x32xf32, #tpu.memory_space<vmem_shared>>
      %dma_start3A_175 = arith.constant 0 : i32
      %dma_start3A_176 = arith.constant 0 : i32
      %dma_start3A_177 = tpu.memref_slice %arg7[%dma_start3A_175, %dma_start3A_176] : memref<512x32xf32, #tpu.memory_space<vmem>> -> memref<453x32xf32, #tpu.memory_space<vmem>>
      tpu.enqueue_dma source(%dma_start3A_177 : memref<453x32xf32, #tpu.memory_space<vmem>>) target(%dma_start3A_174 : memref<453x32xf32, #tpu.memory_space<vmem_shared>>) target_semaphore(%run_scoped3A_168 : memref<!tpu.dma_semaphore, #tpu.memory_space<semaphore_mem>>)
      %dma_wait3A = arith.constant 0 : i32
      %dma_wait3A_178 = arith.constant 0 : i32
      %dma_wait3A_179 = tpu.memref_slice %arg7[%dma_wait3A, %dma_wait3A_178] : memref<512x32xf32, #tpu.memory_space<vmem>> -> memref<453x32xf32, #tpu.memory_space<vmem>>
      %dma_wait3A_180 = arith.constant 0 : i32
      %dma_wait3A_181 = tpu.memref_slice %arg8[%add3A_95, %dma_wait3A_180] : memref<40016x32xf32, #tpu.memory_space<vmem_shared>> -> memref<453x32xf32, #tpu.memory_space<vmem_shared>>
      %dma_wait3A_182 = arith.constant 0 : i32
      %dma_wait3A_183 = tpu.memref_slice %arg8[%add3A_95, %dma_wait3A_182] : memref<40016x32xf32, #tpu.memory_space<vmem_shared>> -> memref<453x32xf32, #tpu.memory_space<vmem_shared>>
      %dma_wait3A_184 = arith.constant 0 : i32
      %dma_wait3A_185 = arith.constant 0 : i32
      %dma_wait3A_186 = tpu.memref_slice %arg7[%dma_wait3A_184, %dma_wait3A_185] : memref<512x32xf32, #tpu.memory_space<vmem>> -> memref<453x32xf32, #tpu.memory_space<vmem>>
      tpu.wait_dma2 semaphore(%run_scoped3A_168 : memref<!tpu.dma_semaphore, #tpu.memory_space<semaphore_mem>>) src(%dma_wait3A_186 : memref<453x32xf32, #tpu.memory_space<vmem>>) dst(%dma_wait3A_183 : memref<453x32xf32, #tpu.memory_space<vmem_shared>>)
      tpu.yield
    }) : () -> ()
    %barrier3A_96 = arith.constant 0 : index
    tpu.barrier barrier_id(%barrier3A_96)
    %add3A_97 = arith.constant 0 : i32
    %add3A_98 = arith.addi %add3A_97, %arg1 : i32
    %mul3A_99 = arith.constant 512 : i32
    %mul3A_100 = arith.muli %add3A_98, %mul3A_99 : i32
    %lt3A_101 = arith.constant 945 : i32
    %lt3A_102 = arith.cmpi slt, %add3A_98, %lt3A_101 : i32
    %convert_element_type3A_103 = arith.extui %lt3A_102 : i1 to i32
    %cond3A_104 = arith.constant 1 : i32
    %cond3A_105 = arith.constant 0 : i32
    %cond3A_106 = arith.constant 0 : i32
    %cond3A_107 = arith.constant 1 : i32
    %cond3A_108 = arith.constant 0 : i32
    %cond3A_109 = arith.constant 0 : i32
    %cond3A_110 = arith.constant 0 : i32
    %cond3A_111 = arith.cmpi ne, %convert_element_type3A_103, %cond3A_110 : i32
    scf.if %cond3A_111 {
      %dma_start3A = arith.constant 0 : i32
      %dma_start3A_168 = arith.constant 0 : i32
      %dma_start3A_169 = tpu.memref_slice %arg5[%cond3A_105, %dma_start3A, %dma_start3A_168] : memref<2x512x32xf32, #tpu.memory_space<vmem>> -> memref<1x512x32xf32, #tpu.memory_space<vmem>>
      %dma_start3A_170 = tpu.memref_squeeze %dma_start3A_169 : memref<1x512x32xf32, #tpu.memory_space<vmem>> -> memref<512x32xf32, #tpu.memory_space<vmem>>
      %dma_start3A_171 = tpu.memref_slice %arg2[%cond3A_104, %mul3A_100, %mul3A_0] : memref<2x483840x64xf32, #tpu.memory_space<hbm>> -> memref<1x512x32xf32, #tpu.memory_space<hbm>>
      %dma_start3A_172 = tpu.memref_squeeze %dma_start3A_171 : memref<1x512x32xf32, #tpu.memory_space<hbm>> -> memref<512x32xf32, #tpu.memory_space<hbm>>
      %dma_start3A_173 = tpu.memref_slice %arg9[%cond3A_106] : memref<2x!tpu.dma_semaphore, #tpu.memory_space<semaphore_mem>> -> memref<1x!tpu.dma_semaphore, #tpu.memory_space<semaphore_mem>>
      %dma_start3A_174 = tpu.memref_squeeze %dma_start3A_173 : memref<1x!tpu.dma_semaphore, #tpu.memory_space<semaphore_mem>> -> memref<!tpu.dma_semaphore, #tpu.memory_space<semaphore_mem>>
      %dma_start3A_175 = arith.constant 0 : i32
      %dma_start3A_176 = arith.constant 0 : i32
      %dma_start3A_177 = tpu.memref_slice %arg5[%cond3A_105, %dma_start3A_175, %dma_start3A_176] : memref<2x512x32xf32, #tpu.memory_space<vmem>> -> memref<1x512x32xf32, #tpu.memory_space<vmem>>
      %dma_start3A_178 = tpu.memref_squeeze %dma_start3A_177 : memref<1x512x32xf32, #tpu.memory_space<vmem>> -> memref<512x32xf32, #tpu.memory_space<vmem>>
      %dma_start3A_179 = tpu.memref_slice %arg2[%cond3A_104, %mul3A_100, %mul3A_0] : memref<2x483840x64xf32, #tpu.memory_space<hbm>> -> memref<1x512x32xf32, #tpu.memory_space<hbm>>
      %dma_start3A_180 = tpu.memref_squeeze %dma_start3A_179 : memref<1x512x32xf32, #tpu.memory_space<hbm>> -> memref<512x32xf32, #tpu.memory_space<hbm>>
      tpu.enqueue_dma source(%dma_start3A_180 : memref<512x32xf32, #tpu.memory_space<hbm>>) target(%dma_start3A_178 : memref<512x32xf32, #tpu.memory_space<vmem>>) target_semaphore(%dma_start3A_174 : memref<!tpu.dma_semaphore, #tpu.memory_space<semaphore_mem>>)
      %dma_start3A_181 = arith.constant 0 : i32
      %dma_start3A_182 = arith.constant 0 : i32
      %dma_start3A_183 = tpu.memref_slice %arg6[%cond3A_108, %dma_start3A_181, %dma_start3A_182] : memref<2x4x128xi32, #tpu.memory_space<vmem>> -> memref<1x4x128xi32, #tpu.memory_space<vmem>>
      %dma_start3A_184 = tpu.memref_squeeze %dma_start3A_183 : memref<1x4x128xi32, #tpu.memory_space<vmem>> -> memref<4x128xi32, #tpu.memory_space<vmem>>
      %dma_start3A_185 = arith.constant 0 : i32
      %dma_start3A_186 = arith.constant 0 : i32
      %dma_start3A_187 = tpu.memref_slice %arg3[%cond3A_107, %add3A_98, %dma_start3A_185, %dma_start3A_186] : memref<2x945x4x128xi32, #tpu.memory_space<hbm>> -> memref<1x1x4x128xi32, #tpu.memory_space<hbm>>
      %dma_start3A_188 = tpu.memref_squeeze %dma_start3A_187 : memref<1x1x4x128xi32, #tpu.memory_space<hbm>> -> memref<4x128xi32, #tpu.memory_space<hbm>>
      %dma_start3A_189 = tpu.memref_slice %arg10[%cond3A_109] : memref<2x!tpu.dma_semaphore, #tpu.memory_space<semaphore_mem>> -> memref<1x!tpu.dma_semaphore, #tpu.memory_space<semaphore_mem>>
      %dma_start3A_190 = tpu.memref_squeeze %dma_start3A_189 : memref<1x!tpu.dma_semaphore, #tpu.memory_space<semaphore_mem>> -> memref<!tpu.dma_semaphore, #tpu.memory_space<semaphore_mem>>
      %dma_start3A_191 = arith.constant 0 : i32
      %dma_start3A_192 = arith.constant 0 : i32
      %dma_start3A_193 = tpu.memref_slice %arg6[%cond3A_108, %dma_start3A_191, %dma_start3A_192] : memref<2x4x128xi32, #tpu.memory_space<vmem>> -> memref<1x4x128xi32, #tpu.memory_space<vmem>>
      %dma_start3A_194 = tpu.memref_squeeze %dma_start3A_193 : memref<1x4x128xi32, #tpu.memory_space<vmem>> -> memref<4x128xi32, #tpu.memory_space<vmem>>
      %dma_start3A_195 = arith.constant 0 : i32
      %dma_start3A_196 = arith.constant 0 : i32
      %dma_start3A_197 = tpu.memref_slice %arg3[%cond3A_107, %add3A_98, %dma_start3A_195, %dma_start3A_196] : memref<2x945x4x128xi32, #tpu.memory_space<hbm>> -> memref<1x1x4x128xi32, #tpu.memory_space<hbm>>
      %dma_start3A_198 = tpu.memref_squeeze %dma_start3A_197 : memref<1x1x4x128xi32, #tpu.memory_space<hbm>> -> memref<4x128xi32, #tpu.memory_space<hbm>>
      tpu.enqueue_dma source(%dma_start3A_198 : memref<4x128xi32, #tpu.memory_space<hbm>>) target(%dma_start3A_194 : memref<4x128xi32, #tpu.memory_space<vmem>>) target_semaphore(%dma_start3A_190 : memref<!tpu.dma_semaphore, #tpu.memory_space<semaphore_mem>>)
    } else {
    }
    %scan3A_112 = arith.constant 0 : i32
    %scan3A_113 = arith.constant 0 : i32
    %scan3A_114 = arith.constant 29 : i32
    %scan3A_115 = arith.addi %scan3A_113, %scan3A_114 : i32
    %scan3A_116 = arith.constant 1 : i32
    scf.for %scan3A_168 = %scan3A_113 to %scan3A_115 step %scan3A_116  : i32 {
      %mul3A_169 = arith.constant 2 : i32
      %mul3A_170 = arith.muli %scan3A_168, %mul3A_169 : i32
      %add3A_171 = arith.constant 1 : i32
      %add3A_172 = arith.addi %mul3A_170, %add3A_171 : i32
      %mul3A_173 = arith.constant 16 : i32
      %mul3A_174 = arith.muli %add3A_172, %mul3A_173 : i32
      %add3A_175 = arith.addi %mul3A_174, %arg1 : i32
      %mul3A_176 = arith.constant 512 : i32
      %mul3A_177 = arith.muli %add3A_175, %mul3A_176 : i32
      %lt3A_178 = arith.constant 945 : i32
      %lt3A_179 = arith.cmpi slt, %add3A_175, %lt3A_178 : i32
      %convert_element_type3A_180 = arith.extui %lt3A_179 : i1 to i32
      %cond3A_181 = arith.constant 1 : i32
      %cond3A_182 = arith.constant 1 : i32
      %cond3A_183 = arith.constant 1 : i32
      %cond3A_184 = arith.constant 1 : i32
      %cond3A_185 = arith.constant 1 : i32
      %cond3A_186 = arith.constant 1 : i32
      %cond3A_187 = arith.constant 0 : i32
      %cond3A_188 = arith.cmpi ne, %convert_element_type3A_180, %cond3A_187 : i32
      scf.if %cond3A_188 {
        %dma_start3A = arith.constant 0 : i32
        %dma_start3A_241 = arith.constant 0 : i32
        %dma_start3A_242 = tpu.memref_slice %arg5[%cond3A_182, %dma_start3A, %dma_start3A_241] : memref<2x512x32xf32, #tpu.memory_space<vmem>> -> memref<1x512x32xf32, #tpu.memory_space<vmem>>
        %dma_start3A_243 = tpu.memref_squeeze %dma_start3A_242 : memref<1x512x32xf32, #tpu.memory_space<vmem>> -> memref<512x32xf32, #tpu.memory_space<vmem>>
        %dma_start3A_244 = tpu.memref_slice %arg2[%cond3A_181, %mul3A_177, %mul3A_0] : memref<2x483840x64xf32, #tpu.memory_space<hbm>> -> memref<1x512x32xf32, #tpu.memory_space<hbm>>
        %dma_start3A_245 = tpu.memref_squeeze %dma_start3A_244 : memref<1x512x32xf32, #tpu.memory_space<hbm>> -> memref<512x32xf32, #tpu.memory_space<hbm>>
        %dma_start3A_246 = tpu.memref_slice %arg9[%cond3A_183] : memref<2x!tpu.dma_semaphore, #tpu.memory_space<semaphore_mem>> -> memref<1x!tpu.dma_semaphore, #tpu.memory_space<semaphore_mem>>
        %dma_start3A_247 = tpu.memref_squeeze %dma_start3A_246 : memref<1x!tpu.dma_semaphore, #tpu.memory_space<semaphore_mem>> -> memref<!tpu.dma_semaphore, #tpu.memory_space<semaphore_mem>>
        %dma_start3A_248 = arith.constant 0 : i32
        %dma_start3A_249 = arith.constant 0 : i32
        %dma_start3A_250 = tpu.memref_slice %arg5[%cond3A_182, %dma_start3A_248, %dma_start3A_249] : memref<2x512x32xf32, #tpu.memory_space<vmem>> -> memref<1x512x32xf32, #tpu.memory_space<vmem>>
        %dma_start3A_251 = tpu.memref_squeeze %dma_start3A_250 : memref<1x512x32xf32, #tpu.memory_space<vmem>> -> memref<512x32xf32, #tpu.memory_space<vmem>>
        %dma_start3A_252 = tpu.memref_slice %arg2[%cond3A_181, %mul3A_177, %mul3A_0] : memref<2x483840x64xf32, #tpu.memory_space<hbm>> -> memref<1x512x32xf32, #tpu.memory_space<hbm>>
        %dma_start3A_253 = tpu.memref_squeeze %dma_start3A_252 : memref<1x512x32xf32, #tpu.memory_space<hbm>> -> memref<512x32xf32, #tpu.memory_space<hbm>>
        tpu.enqueue_dma source(%dma_start3A_253 : memref<512x32xf32, #tpu.memory_space<hbm>>) target(%dma_start3A_251 : memref<512x32xf32, #tpu.memory_space<vmem>>) target_semaphore(%dma_start3A_247 : memref<!tpu.dma_semaphore, #tpu.memory_space<semaphore_mem>>)
        %dma_start3A_254 = arith.constant 0 : i32
        %dma_start3A_255 = arith.constant 0 : i32
        %dma_start3A_256 = tpu.memref_slice %arg6[%cond3A_185, %dma_start3A_254, %dma_start3A_255] : memref<2x4x128xi32, #tpu.memory_space<vmem>> -> memref<1x4x128xi32, #tpu.memory_space<vmem>>
        %dma_start3A_257 = tpu.memref_squeeze %dma_start3A_256 : memref<1x4x128xi32, #tpu.memory_space<vmem>> -> memref<4x128xi32, #tpu.memory_space<vmem>>
        %dma_start3A_258 = arith.constant 0 : i32
        %dma_start3A_259 = arith.constant 0 : i32
        %dma_start3A_260 = tpu.memref_slice %arg3[%cond3A_184, %add3A_175, %dma_start3A_258, %dma_start3A_259] : memref<2x945x4x128xi32, #tpu.memory_space<hbm>> -> memref<1x1x4x128xi32, #tpu.memory_space<hbm>>
        %dma_start3A_261 = tpu.memref_squeeze %dma_start3A_260 : memref<1x1x4x128xi32, #tpu.memory_space<hbm>> -> memref<4x128xi32, #tpu.memory_space<hbm>>
        %dma_start3A_262 = tpu.memref_slice %arg10[%cond3A_186] : memref<2x!tpu.dma_semaphore, #tpu.memory_space<semaphore_mem>> -> memref<1x!tpu.dma_semaphore, #tpu.memory_space<semaphore_mem>>
        %dma_start3A_263 = tpu.memref_squeeze %dma_start3A_262 : memref<1x!tpu.dma_semaphore, #tpu.memory_space<semaphore_mem>> -> memref<!tpu.dma_semaphore, #tpu.memory_space<semaphore_mem>>
        %dma_start3A_264 = arith.constant 0 : i32
        %dma_start3A_265 = arith.constant 0 : i32
        %dma_start3A_266 = tpu.memref_slice %arg6[%cond3A_185, %dma_start3A_264, %dma_start3A_265] : memref<2x4x128xi32, #tpu.memory_space<vmem>> -> memref<1x4x128xi32, #tpu.memory_space<vmem>>
        %dma_start3A_267 = tpu.memref_squeeze %dma_start3A_266 : memref<1x4x128xi32, #tpu.memory_space<vmem>> -> memref<4x128xi32, #tpu.memory_space<vmem>>
        %dma_start3A_268 = arith.constant 0 : i32
        %dma_start3A_269 = arith.constant 0 : i32
        %dma_start3A_270 = tpu.memref_slice %arg3[%cond3A_184, %add3A_175, %dma_start3A_268, %dma_start3A_269] : memref<2x945x4x128xi32, #tpu.memory_space<hbm>> -> memref<1x1x4x128xi32, #tpu.memory_space<hbm>>
        %dma_start3A_271 = tpu.memref_squeeze %dma_start3A_270 : memref<1x1x4x128xi32, #tpu.memory_space<hbm>> -> memref<4x128xi32, #tpu.memory_space<hbm>>
        tpu.enqueue_dma source(%dma_start3A_271 : memref<4x128xi32, #tpu.memory_space<hbm>>) target(%dma_start3A_267 : memref<4x128xi32, #tpu.memory_space<vmem>>) target_semaphore(%dma_start3A_263 : memref<!tpu.dma_semaphore, #tpu.memory_space<semaphore_mem>>)
      } else {
      }
      %mul3A_189 = arith.constant 16 : i32
      %mul3A_190 = arith.muli %mul3A_170, %mul3A_189 : i32
      %add3A_191 = arith.addi %mul3A_190, %arg1 : i32
      %mul3A_192 = arith.constant 512 : i32
      %mul3A_193 = arith.muli %add3A_191, %mul3A_192 : i32
      %lt3A_194 = arith.constant 945 : i32
      %lt3A_195 = arith.cmpi slt, %add3A_191, %lt3A_194 : i32
      %convert_element_type3A_196 = arith.extui %lt3A_195 : i1 to i32
      %cond3A_197 = arith.constant 1 : i32
      %cond3A_198 = arith.constant 0 : i32
      %cond3A_199 = arith.constant 0 : i32
      %cond3A_200 = arith.constant 1 : i32
      %cond3A_201 = arith.constant 0 : i32
      %cond3A_202 = arith.constant 0 : i32
      %cond3A_203 = arith.constant 0 : i32
      %cond3A_204 = arith.cmpi ne, %convert_element_type3A_196, %cond3A_203 : i32
      scf.if %cond3A_204 {
        %dma_wait3A = arith.constant 0 : i32
        %dma_wait3A_241 = arith.constant 0 : i32
        %dma_wait3A_242 = tpu.memref_slice %arg5[%cond3A_198, %dma_wait3A, %dma_wait3A_241] : memref<2x512x32xf32, #tpu.memory_space<vmem>> -> memref<1x512x32xf32, #tpu.memory_space<vmem>>
        %dma_wait3A_243 = tpu.memref_squeeze %dma_wait3A_242 : memref<1x512x32xf32, #tpu.memory_space<vmem>> -> memref<512x32xf32, #tpu.memory_space<vmem>>
        %dma_wait3A_244 = tpu.memref_slice %arg2[%cond3A_197, %mul3A_193, %mul3A_0] : memref<2x483840x64xf32, #tpu.memory_space<hbm>> -> memref<1x512x32xf32, #tpu.memory_space<hbm>>
        %dma_wait3A_245 = tpu.memref_squeeze %dma_wait3A_244 : memref<1x512x32xf32, #tpu.memory_space<hbm>> -> memref<512x32xf32, #tpu.memory_space<hbm>>
        %dma_wait3A_246 = tpu.memref_slice %arg9[%cond3A_199] : memref<2x!tpu.dma_semaphore, #tpu.memory_space<semaphore_mem>> -> memref<1x!tpu.dma_semaphore, #tpu.memory_space<semaphore_mem>>
        %dma_wait3A_247 = tpu.memref_squeeze %dma_wait3A_246 : memref<1x!tpu.dma_semaphore, #tpu.memory_space<semaphore_mem>> -> memref<!tpu.dma_semaphore, #tpu.memory_space<semaphore_mem>>
        %dma_wait3A_248 = arith.constant 0 : i32
        %dma_wait3A_249 = arith.constant 0 : i32
        %dma_wait3A_250 = tpu.memref_slice %arg5[%cond3A_198, %dma_wait3A_248, %dma_wait3A_249] : memref<2x512x32xf32, #tpu.memory_space<vmem>> -> memref<1x512x32xf32, #tpu.memory_space<vmem>>
        %dma_wait3A_251 = tpu.memref_squeeze %dma_wait3A_250 : memref<1x512x32xf32, #tpu.memory_space<vmem>> -> memref<512x32xf32, #tpu.memory_space<vmem>>
        %dma_wait3A_252 = tpu.memref_slice %arg2[%cond3A_197, %mul3A_193, %mul3A_0] : memref<2x483840x64xf32, #tpu.memory_space<hbm>> -> memref<1x512x32xf32, #tpu.memory_space<hbm>>
        %dma_wait3A_253 = tpu.memref_squeeze %dma_wait3A_252 : memref<1x512x32xf32, #tpu.memory_space<hbm>> -> memref<512x32xf32, #tpu.memory_space<hbm>>
        tpu.wait_dma2 semaphore(%dma_wait3A_247 : memref<!tpu.dma_semaphore, #tpu.memory_space<semaphore_mem>>) src(%dma_wait3A_253 : memref<512x32xf32, #tpu.memory_space<hbm>>) dst(%dma_wait3A_251 : memref<512x32xf32, #tpu.memory_space<vmem>>)
        %dma_wait3A_254 = arith.constant 0 : i32
        %dma_wait3A_255 = arith.constant 0 : i32
        %dma_wait3A_256 = tpu.memref_slice %arg6[%cond3A_201, %dma_wait3A_254, %dma_wait3A_255] : memref<2x4x128xi32, #tpu.memory_space<vmem>> -> memref<1x4x128xi32, #tpu.memory_space<vmem>>
        %dma_wait3A_257 = tpu.memref_squeeze %dma_wait3A_256 : memref<1x4x128xi32, #tpu.memory_space<vmem>> -> memref<4x128xi32, #tpu.memory_space<vmem>>
        %dma_wait3A_258 = arith.constant 0 : i32
        %dma_wait3A_259 = arith.constant 0 : i32
        %dma_wait3A_260 = tpu.memref_slice %arg3[%cond3A_200, %add3A_191, %dma_wait3A_258, %dma_wait3A_259] : memref<2x945x4x128xi32, #tpu.memory_space<hbm>> -> memref<1x1x4x128xi32, #tpu.memory_space<hbm>>
        %dma_wait3A_261 = tpu.memref_squeeze %dma_wait3A_260 : memref<1x1x4x128xi32, #tpu.memory_space<hbm>> -> memref<4x128xi32, #tpu.memory_space<hbm>>
        %dma_wait3A_262 = tpu.memref_slice %arg10[%cond3A_202] : memref<2x!tpu.dma_semaphore, #tpu.memory_space<semaphore_mem>> -> memref<1x!tpu.dma_semaphore, #tpu.memory_space<semaphore_mem>>
        %dma_wait3A_263 = tpu.memref_squeeze %dma_wait3A_262 : memref<1x!tpu.dma_semaphore, #tpu.memory_space<semaphore_mem>> -> memref<!tpu.dma_semaphore, #tpu.memory_space<semaphore_mem>>
        %dma_wait3A_264 = arith.constant 0 : i32
        %dma_wait3A_265 = arith.constant 0 : i32
        %dma_wait3A_266 = tpu.memref_slice %arg6[%cond3A_201, %dma_wait3A_264, %dma_wait3A_265] : memref<2x4x128xi32, #tpu.memory_space<vmem>> -> memref<1x4x128xi32, #tpu.memory_space<vmem>>
        %dma_wait3A_267 = tpu.memref_squeeze %dma_wait3A_266 : memref<1x4x128xi32, #tpu.memory_space<vmem>> -> memref<4x128xi32, #tpu.memory_space<vmem>>
        %dma_wait3A_268 = arith.constant 0 : i32
        %dma_wait3A_269 = arith.constant 0 : i32
        %dma_wait3A_270 = tpu.memref_slice %arg3[%cond3A_200, %add3A_191, %dma_wait3A_268, %dma_wait3A_269] : memref<2x945x4x128xi32, #tpu.memory_space<hbm>> -> memref<1x1x4x128xi32, #tpu.memory_space<hbm>>
        %dma_wait3A_271 = tpu.memref_squeeze %dma_wait3A_270 : memref<1x1x4x128xi32, #tpu.memory_space<hbm>> -> memref<4x128xi32, #tpu.memory_space<hbm>>
        tpu.wait_dma2 semaphore(%dma_wait3A_263 : memref<!tpu.dma_semaphore, #tpu.memory_space<semaphore_mem>>) src(%dma_wait3A_271 : memref<4x128xi32, #tpu.memory_space<hbm>>) dst(%dma_wait3A_267 : memref<4x128xi32, #tpu.memory_space<vmem>>)
        %run_scoped3A_272 = arith.constant 0 : i32
        %run_scoped3A_273 = arith.constant 0 : i32
        %run_scoped3A_274 = arith.constant 0 : i32
        "tpu.region"() ({
          %run_scoped3A_284 = tpu.sem_alloc : memref<!tpu.dma_semaphore, #tpu.memory_space<semaphore_mem>>
          %dma_start3A = arith.constant 0 : i32
          %dma_start3A_285 = arith.constant 0 : i32
          %dma_start3A_286 = tpu.memref_slice %arg5[%run_scoped3A_272, %dma_start3A, %dma_start3A_285] : memref<2x512x32xf32, #tpu.memory_space<vmem>> -> memref<1x128x32xf32, #tpu.memory_space<vmem>>
          %dma_start3A_287 = tpu.memref_squeeze %dma_start3A_286 : memref<1x128x32xf32, #tpu.memory_space<vmem>> -> memref<128x32xf32, #tpu.memory_space<vmem>>
          %dma_start3A_288 = arith.constant 0 : i32
          %dma_start3A_289 = tpu.memref_slice %arg6[%run_scoped3A_273, %run_scoped3A_274, %dma_start3A_288] : memref<2x4x128xi32, #tpu.memory_space<vmem>> -> memref<1x1x128xi32, #tpu.memory_space<vmem>>
          %dma_start3A_290 = tpu.memref_squeeze %dma_start3A_289 : memref<1x1x128xi32, #tpu.memory_space<vmem>> -> memref<128xi32, #tpu.memory_space<vmem>>
          %dma_start3A_291 = arith.constant 0 : i32
          %dma_start3A_292 = arith.constant 0 : i32
          %dma_start3A_293 = tpu.memref_slice %arg8[%dma_start3A_291, %dma_start3A_292] : memref<40016x32xf32, #tpu.memory_space<vmem_shared>> -> memref<40016x32xf32, #tpu.memory_space<vmem_shared>>
          tpu.enqueue_indirect_dma source(%dma_start3A_287 : memref<128x32xf32, #tpu.memory_space<vmem>>) target(%dma_start3A_293 : memref<40016x32xf32, #tpu.memory_space<vmem_shared>>) offsets(%dma_start3A_290 : memref<128xi32, #tpu.memory_space<vmem>>) semaphore(%run_scoped3A_284 : memref<!tpu.dma_semaphore, #tpu.memory_space<semaphore_mem>>) {add = true}
          %dma_wait3A_294 = arith.constant 0 : i32
          %dma_wait3A_295 = arith.constant 0 : i32
          %dma_wait3A_296 = tpu.memref_slice %arg5[%run_scoped3A_272, %dma_wait3A_294, %dma_wait3A_295] : memref<2x512x32xf32, #tpu.memory_space<vmem>> -> memref<1x128x32xf32, #tpu.memory_space<vmem>>
          %dma_wait3A_297 = tpu.memref_squeeze %dma_wait3A_296 : memref<1x128x32xf32, #tpu.memory_space<vmem>> -> memref<128x32xf32, #tpu.memory_space<vmem>>
          %dma_wait3A_298 = arith.constant 0 : i32
          %dma_wait3A_299 = tpu.memref_slice %arg6[%run_scoped3A_273, %run_scoped3A_274, %dma_wait3A_298] : memref<2x4x128xi32, #tpu.memory_space<vmem>> -> memref<1x1x128xi32, #tpu.memory_space<vmem>>
          %dma_wait3A_300 = tpu.memref_squeeze %dma_wait3A_299 : memref<1x1x128xi32, #tpu.memory_space<vmem>> -> memref<128xi32, #tpu.memory_space<vmem>>
          %dma_wait3A_301 = arith.constant 0 : i32
          %dma_wait3A_302 = arith.constant 0 : i32
          %dma_wait3A_303 = tpu.memref_slice %arg8[%dma_wait3A_301, %dma_wait3A_302] : memref<40016x32xf32, #tpu.memory_space<vmem_shared>> -> memref<40016x32xf32, #tpu.memory_space<vmem_shared>>
          tpu.wait_indirect_dma semaphore(%run_scoped3A_284 : memref<!tpu.dma_semaphore, #tpu.memory_space<semaphore_mem>>) src(%dma_wait3A_297 : memref<128x32xf32, #tpu.memory_space<vmem>>) dst(%dma_wait3A_303 : memref<40016x32xf32, #tpu.memory_space<vmem_shared>>)
          tpu.yield
        }) : () -> ()
        %run_scoped3A_275 = arith.constant 0 : i32
        %run_scoped3A_276 = arith.constant 0 : i32
        %run_scoped3A_277 = arith.constant 1 : i32
        "tpu.region"() ({
          %run_scoped3A_284 = tpu.sem_alloc : memref<!tpu.dma_semaphore, #tpu.memory_space<semaphore_mem>>
          %dma_start3A = arith.constant 128 : i32
          %dma_start3A_285 = arith.constant 0 : i32
          %dma_start3A_286 = tpu.memref_slice %arg5[%run_scoped3A_275, %dma_start3A, %dma_start3A_285] : memref<2x512x32xf32, #tpu.memory_space<vmem>> -> memref<1x128x32xf32, #tpu.memory_space<vmem>>
          %dma_start3A_287 = tpu.memref_squeeze %dma_start3A_286 : memref<1x128x32xf32, #tpu.memory_space<vmem>> -> memref<128x32xf32, #tpu.memory_space<vmem>>
          %dma_start3A_288 = arith.constant 0 : i32
          %dma_start3A_289 = tpu.memref_slice %arg6[%run_scoped3A_276, %run_scoped3A_277, %dma_start3A_288] : memref<2x4x128xi32, #tpu.memory_space<vmem>> -> memref<1x1x128xi32, #tpu.memory_space<vmem>>
          %dma_start3A_290 = tpu.memref_squeeze %dma_start3A_289 : memref<1x1x128xi32, #tpu.memory_space<vmem>> -> memref<128xi32, #tpu.memory_space<vmem>>
          %dma_start3A_291 = arith.constant 0 : i32
          %dma_start3A_292 = arith.constant 0 : i32
          %dma_start3A_293 = tpu.memref_slice %arg8[%dma_start3A_291, %dma_start3A_292] : memref<40016x32xf32, #tpu.memory_space<vmem_shared>> -> memref<40016x32xf32, #tpu.memory_space<vmem_shared>>
          tpu.enqueue_indirect_dma source(%dma_start3A_287 : memref<128x32xf32, #tpu.memory_space<vmem>>) target(%dma_start3A_293 : memref<40016x32xf32, #tpu.memory_space<vmem_shared>>) offsets(%dma_start3A_290 : memref<128xi32, #tpu.memory_space<vmem>>) semaphore(%run_scoped3A_284 : memref<!tpu.dma_semaphore, #tpu.memory_space<semaphore_mem>>) {add = true}
          %dma_wait3A_294 = arith.constant 128 : i32
          %dma_wait3A_295 = arith.constant 0 : i32
          %dma_wait3A_296 = tpu.memref_slice %arg5[%run_scoped3A_275, %dma_wait3A_294, %dma_wait3A_295] : memref<2x512x32xf32, #tpu.memory_space<vmem>> -> memref<1x128x32xf32, #tpu.memory_space<vmem>>
          %dma_wait3A_297 = tpu.memref_squeeze %dma_wait3A_296 : memref<1x128x32xf32, #tpu.memory_space<vmem>> -> memref<128x32xf32, #tpu.memory_space<vmem>>
          %dma_wait3A_298 = arith.constant 0 : i32
          %dma_wait3A_299 = tpu.memref_slice %arg6[%run_scoped3A_276, %run_scoped3A_277, %dma_wait3A_298] : memref<2x4x128xi32, #tpu.memory_space<vmem>> -> memref<1x1x128xi32, #tpu.memory_space<vmem>>
          %dma_wait3A_300 = tpu.memref_squeeze %dma_wait3A_299 : memref<1x1x128xi32, #tpu.memory_space<vmem>> -> memref<128xi32, #tpu.memory_space<vmem>>
          %dma_wait3A_301 = arith.constant 0 : i32
          %dma_wait3A_302 = arith.constant 0 : i32
          %dma_wait3A_303 = tpu.memref_slice %arg8[%dma_wait3A_301, %dma_wait3A_302] : memref<40016x32xf32, #tpu.memory_space<vmem_shared>> -> memref<40016x32xf32, #tpu.memory_space<vmem_shared>>
          tpu.wait_indirect_dma semaphore(%run_scoped3A_284 : memref<!tpu.dma_semaphore, #tpu.memory_space<semaphore_mem>>) src(%dma_wait3A_297 : memref<128x32xf32, #tpu.memory_space<vmem>>) dst(%dma_wait3A_303 : memref<40016x32xf32, #tpu.memory_space<vmem_shared>>)
          tpu.yield
        }) : () -> ()
        %run_scoped3A_278 = arith.constant 0 : i32
        %run_scoped3A_279 = arith.constant 0 : i32
        %run_scoped3A_280 = arith.constant 2 : i32
        "tpu.region"() ({
          %run_scoped3A_284 = tpu.sem_alloc : memref<!tpu.dma_semaphore, #tpu.memory_space<semaphore_mem>>
          %dma_start3A = arith.constant 256 : i32
          %dma_start3A_285 = arith.constant 0 : i32
          %dma_start3A_286 = tpu.memref_slice %arg5[%run_scoped3A_278, %dma_start3A, %dma_start3A_285] : memref<2x512x32xf32, #tpu.memory_space<vmem>> -> memref<1x128x32xf32, #tpu.memory_space<vmem>>
          %dma_start3A_287 = tpu.memref_squeeze %dma_start3A_286 : memref<1x128x32xf32, #tpu.memory_space<vmem>> -> memref<128x32xf32, #tpu.memory_space<vmem>>
          %dma_start3A_288 = arith.constant 0 : i32
          %dma_start3A_289 = tpu.memref_slice %arg6[%run_scoped3A_279, %run_scoped3A_280, %dma_start3A_288] : memref<2x4x128xi32, #tpu.memory_space<vmem>> -> memref<1x1x128xi32, #tpu.memory_space<vmem>>
          %dma_start3A_290 = tpu.memref_squeeze %dma_start3A_289 : memref<1x1x128xi32, #tpu.memory_space<vmem>> -> memref<128xi32, #tpu.memory_space<vmem>>
          %dma_start3A_291 = arith.constant 0 : i32
          %dma_start3A_292 = arith.constant 0 : i32
          %dma_start3A_293 = tpu.memref_slice %arg8[%dma_start3A_291, %dma_start3A_292] : memref<40016x32xf32, #tpu.memory_space<vmem_shared>> -> memref<40016x32xf32, #tpu.memory_space<vmem_shared>>
          tpu.enqueue_indirect_dma source(%dma_start3A_287 : memref<128x32xf32, #tpu.memory_space<vmem>>) target(%dma_start3A_293 : memref<40016x32xf32, #tpu.memory_space<vmem_shared>>) offsets(%dma_start3A_290 : memref<128xi32, #tpu.memory_space<vmem>>) semaphore(%run_scoped3A_284 : memref<!tpu.dma_semaphore, #tpu.memory_space<semaphore_mem>>) {add = true}
          %dma_wait3A_294 = arith.constant 256 : i32
          %dma_wait3A_295 = arith.constant 0 : i32
          %dma_wait3A_296 = tpu.memref_slice %arg5[%run_scoped3A_278, %dma_wait3A_294, %dma_wait3A_295] : memref<2x512x32xf32, #tpu.memory_space<vmem>> -> memref<1x128x32xf32, #tpu.memory_space<vmem>>
          %dma_wait3A_297 = tpu.memref_squeeze %dma_wait3A_296 : memref<1x128x32xf32, #tpu.memory_space<vmem>> -> memref<128x32xf32, #tpu.memory_space<vmem>>
          %dma_wait3A_298 = arith.constant 0 : i32
          %dma_wait3A_299 = tpu.memref_slice %arg6[%run_scoped3A_279, %run_scoped3A_280, %dma_wait3A_298] : memref<2x4x128xi32, #tpu.memory_space<vmem>> -> memref<1x1x128xi32, #tpu.memory_space<vmem>>
          %dma_wait3A_300 = tpu.memref_squeeze %dma_wait3A_299 : memref<1x1x128xi32, #tpu.memory_space<vmem>> -> memref<128xi32, #tpu.memory_space<vmem>>
          %dma_wait3A_301 = arith.constant 0 : i32
          %dma_wait3A_302 = arith.constant 0 : i32
          %dma_wait3A_303 = tpu.memref_slice %arg8[%dma_wait3A_301, %dma_wait3A_302] : memref<40016x32xf32, #tpu.memory_space<vmem_shared>> -> memref<40016x32xf32, #tpu.memory_space<vmem_shared>>
          tpu.wait_indirect_dma semaphore(%run_scoped3A_284 : memref<!tpu.dma_semaphore, #tpu.memory_space<semaphore_mem>>) src(%dma_wait3A_297 : memref<128x32xf32, #tpu.memory_space<vmem>>) dst(%dma_wait3A_303 : memref<40016x32xf32, #tpu.memory_space<vmem_shared>>)
          tpu.yield
        }) : () -> ()
        %run_scoped3A_281 = arith.constant 0 : i32
        %run_scoped3A_282 = arith.constant 0 : i32
        %run_scoped3A_283 = arith.constant 3 : i32
        "tpu.region"() ({
          %run_scoped3A_284 = tpu.sem_alloc : memref<!tpu.dma_semaphore, #tpu.memory_space<semaphore_mem>>
          %dma_start3A = arith.constant 384 : i32
          %dma_start3A_285 = arith.constant 0 : i32
          %dma_start3A_286 = tpu.memref_slice %arg5[%run_scoped3A_281, %dma_start3A, %dma_start3A_285] : memref<2x512x32xf32, #tpu.memory_space<vmem>> -> memref<1x128x32xf32, #tpu.memory_space<vmem>>
          %dma_start3A_287 = tpu.memref_squeeze %dma_start3A_286 : memref<1x128x32xf32, #tpu.memory_space<vmem>> -> memref<128x32xf32, #tpu.memory_space<vmem>>
          %dma_start3A_288 = arith.constant 0 : i32
          %dma_start3A_289 = tpu.memref_slice %arg6[%run_scoped3A_282, %run_scoped3A_283, %dma_start3A_288] : memref<2x4x128xi32, #tpu.memory_space<vmem>> -> memref<1x1x128xi32, #tpu.memory_space<vmem>>
          %dma_start3A_290 = tpu.memref_squeeze %dma_start3A_289 : memref<1x1x128xi32, #tpu.memory_space<vmem>> -> memref<128xi32, #tpu.memory_space<vmem>>
          %dma_start3A_291 = arith.constant 0 : i32
          %dma_start3A_292 = arith.constant 0 : i32
          %dma_start3A_293 = tpu.memref_slice %arg8[%dma_start3A_291, %dma_start3A_292] : memref<40016x32xf32, #tpu.memory_space<vmem_shared>> -> memref<40016x32xf32, #tpu.memory_space<vmem_shared>>
          tpu.enqueue_indirect_dma source(%dma_start3A_287 : memref<128x32xf32, #tpu.memory_space<vmem>>) target(%dma_start3A_293 : memref<40016x32xf32, #tpu.memory_space<vmem_shared>>) offsets(%dma_start3A_290 : memref<128xi32, #tpu.memory_space<vmem>>) semaphore(%run_scoped3A_284 : memref<!tpu.dma_semaphore, #tpu.memory_space<semaphore_mem>>) {add = true}
          %dma_wait3A_294 = arith.constant 384 : i32
          %dma_wait3A_295 = arith.constant 0 : i32
          %dma_wait3A_296 = tpu.memref_slice %arg5[%run_scoped3A_281, %dma_wait3A_294, %dma_wait3A_295] : memref<2x512x32xf32, #tpu.memory_space<vmem>> -> memref<1x128x32xf32, #tpu.memory_space<vmem>>
          %dma_wait3A_297 = tpu.memref_squeeze %dma_wait3A_296 : memref<1x128x32xf32, #tpu.memory_space<vmem>> -> memref<128x32xf32, #tpu.memory_space<vmem>>
          %dma_wait3A_298 = arith.constant 0 : i32
          %dma_wait3A_299 = tpu.memref_slice %arg6[%run_scoped3A_282, %run_scoped3A_283, %dma_wait3A_298] : memref<2x4x128xi32, #tpu.memory_space<vmem>> -> memref<1x1x128xi32, #tpu.memory_space<vmem>>
          %dma_wait3A_300 = tpu.memref_squeeze %dma_wait3A_299 : memref<1x1x128xi32, #tpu.memory_space<vmem>> -> memref<128xi32, #tpu.memory_space<vmem>>
          %dma_wait3A_301 = arith.constant 0 : i32
          %dma_wait3A_302 = arith.constant 0 : i32
          %dma_wait3A_303 = tpu.memref_slice %arg8[%dma_wait3A_301, %dma_wait3A_302] : memref<40016x32xf32, #tpu.memory_space<vmem_shared>> -> memref<40016x32xf32, #tpu.memory_space<vmem_shared>>
          tpu.wait_indirect_dma semaphore(%run_scoped3A_284 : memref<!tpu.dma_semaphore, #tpu.memory_space<semaphore_mem>>) src(%dma_wait3A_297 : memref<128x32xf32, #tpu.memory_space<vmem>>) dst(%dma_wait3A_303 : memref<40016x32xf32, #tpu.memory_space<vmem_shared>>)
          tpu.yield
        }) : () -> ()
      } else {
      }
      %add3A_205 = arith.constant 2 : i32
      %add3A_206 = arith.addi %mul3A_170, %add3A_205 : i32
      %mul3A_207 = arith.constant 16 : i32
      %mul3A_208 = arith.muli %add3A_206, %mul3A_207 : i32
      %add3A_209 = arith.addi %mul3A_208, %arg1 : i32
      %mul3A_210 = arith.constant 512 : i32
      %mul3A_211 = arith.muli %add3A_209, %mul3A_210 : i32
      %lt3A_212 = arith.constant 945 : i32
      %lt3A_213 = arith.cmpi slt, %add3A_209, %lt3A_212 : i32
      %convert_element_type3A_214 = arith.extui %lt3A_213 : i1 to i32
      %cond3A_215 = arith.constant 1 : i32
      %cond3A_216 = arith.constant 0 : i32
      %cond3A_217 = arith.constant 0 : i32
      %cond3A_218 = arith.constant 1 : i32
      %cond3A_219 = arith.constant 0 : i32
      %cond3A_220 = arith.constant 0 : i32
      %cond3A_221 = arith.constant 0 : i32
      %cond3A_222 = arith.cmpi ne, %convert_element_type3A_214, %cond3A_221 : i32
      scf.if %cond3A_222 {
        %dma_start3A = arith.constant 0 : i32
        %dma_start3A_241 = arith.constant 0 : i32
        %dma_start3A_242 = tpu.memref_slice %arg5[%cond3A_216, %dma_start3A, %dma_start3A_241] : memref<2x512x32xf32, #tpu.memory_space<vmem>> -> memref<1x512x32xf32, #tpu.memory_space<vmem>>
        %dma_start3A_243 = tpu.memref_squeeze %dma_start3A_242 : memref<1x512x32xf32, #tpu.memory_space<vmem>> -> memref<512x32xf32, #tpu.memory_space<vmem>>
        %dma_start3A_244 = tpu.memref_slice %arg2[%cond3A_215, %mul3A_211, %mul3A_0] : memref<2x483840x64xf32, #tpu.memory_space<hbm>> -> memref<1x512x32xf32, #tpu.memory_space<hbm>>
        %dma_start3A_245 = tpu.memref_squeeze %dma_start3A_244 : memref<1x512x32xf32, #tpu.memory_space<hbm>> -> memref<512x32xf32, #tpu.memory_space<hbm>>
        %dma_start3A_246 = tpu.memref_slice %arg9[%cond3A_217] : memref<2x!tpu.dma_semaphore, #tpu.memory_space<semaphore_mem>> -> memref<1x!tpu.dma_semaphore, #tpu.memory_space<semaphore_mem>>
        %dma_start3A_247 = tpu.memref_squeeze %dma_start3A_246 : memref<1x!tpu.dma_semaphore, #tpu.memory_space<semaphore_mem>> -> memref<!tpu.dma_semaphore, #tpu.memory_space<semaphore_mem>>
        %dma_start3A_248 = arith.constant 0 : i32
        %dma_start3A_249 = arith.constant 0 : i32
        %dma_start3A_250 = tpu.memref_slice %arg5[%cond3A_216, %dma_start3A_248, %dma_start3A_249] : memref<2x512x32xf32, #tpu.memory_space<vmem>> -> memref<1x512x32xf32, #tpu.memory_space<vmem>>
        %dma_start3A_251 = tpu.memref_squeeze %dma_start3A_250 : memref<1x512x32xf32, #tpu.memory_space<vmem>> -> memref<512x32xf32, #tpu.memory_space<vmem>>
        %dma_start3A_252 = tpu.memref_slice %arg2[%cond3A_215, %mul3A_211, %mul3A_0] : memref<2x483840x64xf32, #tpu.memory_space<hbm>> -> memref<1x512x32xf32, #tpu.memory_space<hbm>>
        %dma_start3A_253 = tpu.memref_squeeze %dma_start3A_252 : memref<1x512x32xf32, #tpu.memory_space<hbm>> -> memref<512x32xf32, #tpu.memory_space<hbm>>
        tpu.enqueue_dma source(%dma_start3A_253 : memref<512x32xf32, #tpu.memory_space<hbm>>) target(%dma_start3A_251 : memref<512x32xf32, #tpu.memory_space<vmem>>) target_semaphore(%dma_start3A_247 : memref<!tpu.dma_semaphore, #tpu.memory_space<semaphore_mem>>)
        %dma_start3A_254 = arith.constant 0 : i32
        %dma_start3A_255 = arith.constant 0 : i32
        %dma_start3A_256 = tpu.memref_slice %arg6[%cond3A_219, %dma_start3A_254, %dma_start3A_255] : memref<2x4x128xi32, #tpu.memory_space<vmem>> -> memref<1x4x128xi32, #tpu.memory_space<vmem>>
        %dma_start3A_257 = tpu.memref_squeeze %dma_start3A_256 : memref<1x4x128xi32, #tpu.memory_space<vmem>> -> memref<4x128xi32, #tpu.memory_space<vmem>>
        %dma_start3A_258 = arith.constant 0 : i32
        %dma_start3A_259 = arith.constant 0 : i32
        %dma_start3A_260 = tpu.memref_slice %arg3[%cond3A_218, %add3A_209, %dma_start3A_258, %dma_start3A_259] : memref<2x945x4x128xi32, #tpu.memory_space<hbm>> -> memref<1x1x4x128xi32, #tpu.memory_space<hbm>>
        %dma_start3A_261 = tpu.memref_squeeze %dma_start3A_260 : memref<1x1x4x128xi32, #tpu.memory_space<hbm>> -> memref<4x128xi32, #tpu.memory_space<hbm>>
        %dma_start3A_262 = tpu.memref_slice %arg10[%cond3A_220] : memref<2x!tpu.dma_semaphore, #tpu.memory_space<semaphore_mem>> -> memref<1x!tpu.dma_semaphore, #tpu.memory_space<semaphore_mem>>
        %dma_start3A_263 = tpu.memref_squeeze %dma_start3A_262 : memref<1x!tpu.dma_semaphore, #tpu.memory_space<semaphore_mem>> -> memref<!tpu.dma_semaphore, #tpu.memory_space<semaphore_mem>>
        %dma_start3A_264 = arith.constant 0 : i32
        %dma_start3A_265 = arith.constant 0 : i32
        %dma_start3A_266 = tpu.memref_slice %arg6[%cond3A_219, %dma_start3A_264, %dma_start3A_265] : memref<2x4x128xi32, #tpu.memory_space<vmem>> -> memref<1x4x128xi32, #tpu.memory_space<vmem>>
        %dma_start3A_267 = tpu.memref_squeeze %dma_start3A_266 : memref<1x4x128xi32, #tpu.memory_space<vmem>> -> memref<4x128xi32, #tpu.memory_space<vmem>>
        %dma_start3A_268 = arith.constant 0 : i32
        %dma_start3A_269 = arith.constant 0 : i32
        %dma_start3A_270 = tpu.memref_slice %arg3[%cond3A_218, %add3A_209, %dma_start3A_268, %dma_start3A_269] : memref<2x945x4x128xi32, #tpu.memory_space<hbm>> -> memref<1x1x4x128xi32, #tpu.memory_space<hbm>>
        %dma_start3A_271 = tpu.memref_squeeze %dma_start3A_270 : memref<1x1x4x128xi32, #tpu.memory_space<hbm>> -> memref<4x128xi32, #tpu.memory_space<hbm>>
        tpu.enqueue_dma source(%dma_start3A_271 : memref<4x128xi32, #tpu.memory_space<hbm>>) target(%dma_start3A_267 : memref<4x128xi32, #tpu.memory_space<vmem>>) target_semaphore(%dma_start3A_263 : memref<!tpu.dma_semaphore, #tpu.memory_space<semaphore_mem>>)
      } else {
      }
      %add3A_223 = arith.constant 1 : i32
      %add3A_224 = arith.addi %mul3A_170, %add3A_223 : i32
      %mul3A_225 = arith.constant 16 : i32
      %mul3A_226 = arith.muli %add3A_224, %mul3A_225 : i32
      %add3A_227 = arith.addi %mul3A_226, %arg1 : i32
      %mul3A_228 = arith.constant 512 : i32
      %mul3A_229 = arith.muli %add3A_227, %mul3A_228 : i32
      %lt3A_230 = arith.constant 945 : i32
      %lt3A_231 = arith.cmpi slt, %add3A_227, %lt3A_230 : i32
      %convert_element_type3A_232 = arith.extui %lt3A_231 : i1 to i32
      %cond3A_233 = arith.constant 1 : i32
      %cond3A_234 = arith.constant 1 : i32
      %cond3A_235 = arith.constant 1 : i32
      %cond3A_236 = arith.constant 1 : i32
      %cond3A_237 = arith.constant 1 : i32
      %cond3A_238 = arith.constant 1 : i32
      %cond3A_239 = arith.constant 0 : i32
      %cond3A_240 = arith.cmpi ne, %convert_element_type3A_232, %cond3A_239 : i32
      scf.if %cond3A_240 {
        %dma_wait3A = arith.constant 0 : i32
        %dma_wait3A_241 = arith.constant 0 : i32
        %dma_wait3A_242 = tpu.memref_slice %arg5[%cond3A_234, %dma_wait3A, %dma_wait3A_241] : memref<2x512x32xf32, #tpu.memory_space<vmem>> -> memref<1x512x32xf32, #tpu.memory_space<vmem>>
        %dma_wait3A_243 = tpu.memref_squeeze %dma_wait3A_242 : memref<1x512x32xf32, #tpu.memory_space<vmem>> -> memref<512x32xf32, #tpu.memory_space<vmem>>
        %dma_wait3A_244 = tpu.memref_slice %arg2[%cond3A_233, %mul3A_229, %mul3A_0] : memref<2x483840x64xf32, #tpu.memory_space<hbm>> -> memref<1x512x32xf32, #tpu.memory_space<hbm>>
        %dma_wait3A_245 = tpu.memref_squeeze %dma_wait3A_244 : memref<1x512x32xf32, #tpu.memory_space<hbm>> -> memref<512x32xf32, #tpu.memory_space<hbm>>
        %dma_wait3A_246 = tpu.memref_slice %arg9[%cond3A_235] : memref<2x!tpu.dma_semaphore, #tpu.memory_space<semaphore_mem>> -> memref<1x!tpu.dma_semaphore, #tpu.memory_space<semaphore_mem>>
        %dma_wait3A_247 = tpu.memref_squeeze %dma_wait3A_246 : memref<1x!tpu.dma_semaphore, #tpu.memory_space<semaphore_mem>> -> memref<!tpu.dma_semaphore, #tpu.memory_space<semaphore_mem>>
        %dma_wait3A_248 = arith.constant 0 : i32
        %dma_wait3A_249 = arith.constant 0 : i32
        %dma_wait3A_250 = tpu.memref_slice %arg5[%cond3A_234, %dma_wait3A_248, %dma_wait3A_249] : memref<2x512x32xf32, #tpu.memory_space<vmem>> -> memref<1x512x32xf32, #tpu.memory_space<vmem>>
        %dma_wait3A_251 = tpu.memref_squeeze %dma_wait3A_250 : memref<1x512x32xf32, #tpu.memory_space<vmem>> -> memref<512x32xf32, #tpu.memory_space<vmem>>
        %dma_wait3A_252 = tpu.memref_slice %arg2[%cond3A_233, %mul3A_229, %mul3A_0] : memref<2x483840x64xf32, #tpu.memory_space<hbm>> -> memref<1x512x32xf32, #tpu.memory_space<hbm>>
        %dma_wait3A_253 = tpu.memref_squeeze %dma_wait3A_252 : memref<1x512x32xf32, #tpu.memory_space<hbm>> -> memref<512x32xf32, #tpu.memory_space<hbm>>
        tpu.wait_dma2 semaphore(%dma_wait3A_247 : memref<!tpu.dma_semaphore, #tpu.memory_space<semaphore_mem>>) src(%dma_wait3A_253 : memref<512x32xf32, #tpu.memory_space<hbm>>) dst(%dma_wait3A_251 : memref<512x32xf32, #tpu.memory_space<vmem>>)
        %dma_wait3A_254 = arith.constant 0 : i32
        %dma_wait3A_255 = arith.constant 0 : i32
        %dma_wait3A_256 = tpu.memref_slice %arg6[%cond3A_237, %dma_wait3A_254, %dma_wait3A_255] : memref<2x4x128xi32, #tpu.memory_space<vmem>> -> memref<1x4x128xi32, #tpu.memory_space<vmem>>
        %dma_wait3A_257 = tpu.memref_squeeze %dma_wait3A_256 : memref<1x4x128xi32, #tpu.memory_space<vmem>> -> memref<4x128xi32, #tpu.memory_space<vmem>>
        %dma_wait3A_258 = arith.constant 0 : i32
        %dma_wait3A_259 = arith.constant 0 : i32
        %dma_wait3A_260 = tpu.memref_slice %arg3[%cond3A_236, %add3A_227, %dma_wait3A_258, %dma_wait3A_259] : memref<2x945x4x128xi32, #tpu.memory_space<hbm>> -> memref<1x1x4x128xi32, #tpu.memory_space<hbm>>
        %dma_wait3A_261 = tpu.memref_squeeze %dma_wait3A_260 : memref<1x1x4x128xi32, #tpu.memory_space<hbm>> -> memref<4x128xi32, #tpu.memory_space<hbm>>
        %dma_wait3A_262 = tpu.memref_slice %arg10[%cond3A_238] : memref<2x!tpu.dma_semaphore, #tpu.memory_space<semaphore_mem>> -> memref<1x!tpu.dma_semaphore, #tpu.memory_space<semaphore_mem>>
        %dma_wait3A_263 = tpu.memref_squeeze %dma_wait3A_262 : memref<1x!tpu.dma_semaphore, #tpu.memory_space<semaphore_mem>> -> memref<!tpu.dma_semaphore, #tpu.memory_space<semaphore_mem>>
        %dma_wait3A_264 = arith.constant 0 : i32
        %dma_wait3A_265 = arith.constant 0 : i32
        %dma_wait3A_266 = tpu.memref_slice %arg6[%cond3A_237, %dma_wait3A_264, %dma_wait3A_265] : memref<2x4x128xi32, #tpu.memory_space<vmem>> -> memref<1x4x128xi32, #tpu.memory_space<vmem>>
        %dma_wait3A_267 = tpu.memref_squeeze %dma_wait3A_266 : memref<1x4x128xi32, #tpu.memory_space<vmem>> -> memref<4x128xi32, #tpu.memory_space<vmem>>
        %dma_wait3A_268 = arith.constant 0 : i32
        %dma_wait3A_269 = arith.constant 0 : i32
        %dma_wait3A_270 = tpu.memref_slice %arg3[%cond3A_236, %add3A_227, %dma_wait3A_268, %dma_wait3A_269] : memref<2x945x4x128xi32, #tpu.memory_space<hbm>> -> memref<1x1x4x128xi32, #tpu.memory_space<hbm>>
        %dma_wait3A_271 = tpu.memref_squeeze %dma_wait3A_270 : memref<1x1x4x128xi32, #tpu.memory_space<hbm>> -> memref<4x128xi32, #tpu.memory_space<hbm>>
        tpu.wait_dma2 semaphore(%dma_wait3A_263 : memref<!tpu.dma_semaphore, #tpu.memory_space<semaphore_mem>>) src(%dma_wait3A_271 : memref<4x128xi32, #tpu.memory_space<hbm>>) dst(%dma_wait3A_267 : memref<4x128xi32, #tpu.memory_space<vmem>>)
        %run_scoped3A_272 = arith.constant 1 : i32
        %run_scoped3A_273 = arith.constant 1 : i32
        %run_scoped3A_274 = arith.constant 0 : i32
        "tpu.region"() ({
          %run_scoped3A_284 = tpu.sem_alloc : memref<!tpu.dma_semaphore, #tpu.memory_space<semaphore_mem>>
          %dma_start3A = arith.constant 0 : i32
          %dma_start3A_285 = arith.constant 0 : i32
          %dma_start3A_286 = tpu.memref_slice %arg5[%run_scoped3A_272, %dma_start3A, %dma_start3A_285] : memref<2x512x32xf32, #tpu.memory_space<vmem>> -> memref<1x128x32xf32, #tpu.memory_space<vmem>>
          %dma_start3A_287 = tpu.memref_squeeze %dma_start3A_286 : memref<1x128x32xf32, #tpu.memory_space<vmem>> -> memref<128x32xf32, #tpu.memory_space<vmem>>
          %dma_start3A_288 = arith.constant 0 : i32
          %dma_start3A_289 = tpu.memref_slice %arg6[%run_scoped3A_273, %run_scoped3A_274, %dma_start3A_288] : memref<2x4x128xi32, #tpu.memory_space<vmem>> -> memref<1x1x128xi32, #tpu.memory_space<vmem>>
          %dma_start3A_290 = tpu.memref_squeeze %dma_start3A_289 : memref<1x1x128xi32, #tpu.memory_space<vmem>> -> memref<128xi32, #tpu.memory_space<vmem>>
          %dma_start3A_291 = arith.constant 0 : i32
          %dma_start3A_292 = arith.constant 0 : i32
          %dma_start3A_293 = tpu.memref_slice %arg8[%dma_start3A_291, %dma_start3A_292] : memref<40016x32xf32, #tpu.memory_space<vmem_shared>> -> memref<40016x32xf32, #tpu.memory_space<vmem_shared>>
          tpu.enqueue_indirect_dma source(%dma_start3A_287 : memref<128x32xf32, #tpu.memory_space<vmem>>) target(%dma_start3A_293 : memref<40016x32xf32, #tpu.memory_space<vmem_shared>>) offsets(%dma_start3A_290 : memref<128xi32, #tpu.memory_space<vmem>>) semaphore(%run_scoped3A_284 : memref<!tpu.dma_semaphore, #tpu.memory_space<semaphore_mem>>) {add = true}
          %dma_wait3A_294 = arith.constant 0 : i32
          %dma_wait3A_295 = arith.constant 0 : i32
          %dma_wait3A_296 = tpu.memref_slice %arg5[%run_scoped3A_272, %dma_wait3A_294, %dma_wait3A_295] : memref<2x512x32xf32, #tpu.memory_space<vmem>> -> memref<1x128x32xf32, #tpu.memory_space<vmem>>
          %dma_wait3A_297 = tpu.memref_squeeze %dma_wait3A_296 : memref<1x128x32xf32, #tpu.memory_space<vmem>> -> memref<128x32xf32, #tpu.memory_space<vmem>>
          %dma_wait3A_298 = arith.constant 0 : i32
          %dma_wait3A_299 = tpu.memref_slice %arg6[%run_scoped3A_273, %run_scoped3A_274, %dma_wait3A_298] : memref<2x4x128xi32, #tpu.memory_space<vmem>> -> memref<1x1x128xi32, #tpu.memory_space<vmem>>
          %dma_wait3A_300 = tpu.memref_squeeze %dma_wait3A_299 : memref<1x1x128xi32, #tpu.memory_space<vmem>> -> memref<128xi32, #tpu.memory_space<vmem>>
          %dma_wait3A_301 = arith.constant 0 : i32
          %dma_wait3A_302 = arith.constant 0 : i32
          %dma_wait3A_303 = tpu.memref_slice %arg8[%dma_wait3A_301, %dma_wait3A_302] : memref<40016x32xf32, #tpu.memory_space<vmem_shared>> -> memref<40016x32xf32, #tpu.memory_space<vmem_shared>>
          tpu.wait_indirect_dma semaphore(%run_scoped3A_284 : memref<!tpu.dma_semaphore, #tpu.memory_space<semaphore_mem>>) src(%dma_wait3A_297 : memref<128x32xf32, #tpu.memory_space<vmem>>) dst(%dma_wait3A_303 : memref<40016x32xf32, #tpu.memory_space<vmem_shared>>)
          tpu.yield
        }) : () -> ()
        %run_scoped3A_275 = arith.constant 1 : i32
        %run_scoped3A_276 = arith.constant 1 : i32
        %run_scoped3A_277 = arith.constant 1 : i32
        "tpu.region"() ({
          %run_scoped3A_284 = tpu.sem_alloc : memref<!tpu.dma_semaphore, #tpu.memory_space<semaphore_mem>>
          %dma_start3A = arith.constant 128 : i32
          %dma_start3A_285 = arith.constant 0 : i32
          %dma_start3A_286 = tpu.memref_slice %arg5[%run_scoped3A_275, %dma_start3A, %dma_start3A_285] : memref<2x512x32xf32, #tpu.memory_space<vmem>> -> memref<1x128x32xf32, #tpu.memory_space<vmem>>
          %dma_start3A_287 = tpu.memref_squeeze %dma_start3A_286 : memref<1x128x32xf32, #tpu.memory_space<vmem>> -> memref<128x32xf32, #tpu.memory_space<vmem>>
          %dma_start3A_288 = arith.constant 0 : i32
          %dma_start3A_289 = tpu.memref_slice %arg6[%run_scoped3A_276, %run_scoped3A_277, %dma_start3A_288] : memref<2x4x128xi32, #tpu.memory_space<vmem>> -> memref<1x1x128xi32, #tpu.memory_space<vmem>>
          %dma_start3A_290 = tpu.memref_squeeze %dma_start3A_289 : memref<1x1x128xi32, #tpu.memory_space<vmem>> -> memref<128xi32, #tpu.memory_space<vmem>>
          %dma_start3A_291 = arith.constant 0 : i32
          %dma_start3A_292 = arith.constant 0 : i32
          %dma_start3A_293 = tpu.memref_slice %arg8[%dma_start3A_291, %dma_start3A_292] : memref<40016x32xf32, #tpu.memory_space<vmem_shared>> -> memref<40016x32xf32, #tpu.memory_space<vmem_shared>>
          tpu.enqueue_indirect_dma source(%dma_start3A_287 : memref<128x32xf32, #tpu.memory_space<vmem>>) target(%dma_start3A_293 : memref<40016x32xf32, #tpu.memory_space<vmem_shared>>) offsets(%dma_start3A_290 : memref<128xi32, #tpu.memory_space<vmem>>) semaphore(%run_scoped3A_284 : memref<!tpu.dma_semaphore, #tpu.memory_space<semaphore_mem>>) {add = true}
          %dma_wait3A_294 = arith.constant 128 : i32
          %dma_wait3A_295 = arith.constant 0 : i32
          %dma_wait3A_296 = tpu.memref_slice %arg5[%run_scoped3A_275, %dma_wait3A_294, %dma_wait3A_295] : memref<2x512x32xf32, #tpu.memory_space<vmem>> -> memref<1x128x32xf32, #tpu.memory_space<vmem>>
          %dma_wait3A_297 = tpu.memref_squeeze %dma_wait3A_296 : memref<1x128x32xf32, #tpu.memory_space<vmem>> -> memref<128x32xf32, #tpu.memory_space<vmem>>
          %dma_wait3A_298 = arith.constant 0 : i32
          %dma_wait3A_299 = tpu.memref_slice %arg6[%run_scoped3A_276, %run_scoped3A_277, %dma_wait3A_298] : memref<2x4x128xi32, #tpu.memory_space<vmem>> -> memref<1x1x128xi32, #tpu.memory_space<vmem>>
          %dma_wait3A_300 = tpu.memref_squeeze %dma_wait3A_299 : memref<1x1x128xi32, #tpu.memory_space<vmem>> -> memref<128xi32, #tpu.memory_space<vmem>>
          %dma_wait3A_301 = arith.constant 0 : i32
          %dma_wait3A_302 = arith.constant 0 : i32
          %dma_wait3A_303 = tpu.memref_slice %arg8[%dma_wait3A_301, %dma_wait3A_302] : memref<40016x32xf32, #tpu.memory_space<vmem_shared>> -> memref<40016x32xf32, #tpu.memory_space<vmem_shared>>
          tpu.wait_indirect_dma semaphore(%run_scoped3A_284 : memref<!tpu.dma_semaphore, #tpu.memory_space<semaphore_mem>>) src(%dma_wait3A_297 : memref<128x32xf32, #tpu.memory_space<vmem>>) dst(%dma_wait3A_303 : memref<40016x32xf32, #tpu.memory_space<vmem_shared>>)
          tpu.yield
        }) : () -> ()
        %run_scoped3A_278 = arith.constant 1 : i32
        %run_scoped3A_279 = arith.constant 1 : i32
        %run_scoped3A_280 = arith.constant 2 : i32
        "tpu.region"() ({
          %run_scoped3A_284 = tpu.sem_alloc : memref<!tpu.dma_semaphore, #tpu.memory_space<semaphore_mem>>
          %dma_start3A = arith.constant 256 : i32
          %dma_start3A_285 = arith.constant 0 : i32
          %dma_start3A_286 = tpu.memref_slice %arg5[%run_scoped3A_278, %dma_start3A, %dma_start3A_285] : memref<2x512x32xf32, #tpu.memory_space<vmem>> -> memref<1x128x32xf32, #tpu.memory_space<vmem>>
          %dma_start3A_287 = tpu.memref_squeeze %dma_start3A_286 : memref<1x128x32xf32, #tpu.memory_space<vmem>> -> memref<128x32xf32, #tpu.memory_space<vmem>>
          %dma_start3A_288 = arith.constant 0 : i32
          %dma_start3A_289 = tpu.memref_slice %arg6[%run_scoped3A_279, %run_scoped3A_280, %dma_start3A_288] : memref<2x4x128xi32, #tpu.memory_space<vmem>> -> memref<1x1x128xi32, #tpu.memory_space<vmem>>
          %dma_start3A_290 = tpu.memref_squeeze %dma_start3A_289 : memref<1x1x128xi32, #tpu.memory_space<vmem>> -> memref<128xi32, #tpu.memory_space<vmem>>
          %dma_start3A_291 = arith.constant 0 : i32
          %dma_start3A_292 = arith.constant 0 : i32
          %dma_start3A_293 = tpu.memref_slice %arg8[%dma_start3A_291, %dma_start3A_292] : memref<40016x32xf32, #tpu.memory_space<vmem_shared>> -> memref<40016x32xf32, #tpu.memory_space<vmem_shared>>
          tpu.enqueue_indirect_dma source(%dma_start3A_287 : memref<128x32xf32, #tpu.memory_space<vmem>>) target(%dma_start3A_293 : memref<40016x32xf32, #tpu.memory_space<vmem_shared>>) offsets(%dma_start3A_290 : memref<128xi32, #tpu.memory_space<vmem>>) semaphore(%run_scoped3A_284 : memref<!tpu.dma_semaphore, #tpu.memory_space<semaphore_mem>>) {add = true}
          %dma_wait3A_294 = arith.constant 256 : i32
          %dma_wait3A_295 = arith.constant 0 : i32
          %dma_wait3A_296 = tpu.memref_slice %arg5[%run_scoped3A_278, %dma_wait3A_294, %dma_wait3A_295] : memref<2x512x32xf32, #tpu.memory_space<vmem>> -> memref<1x128x32xf32, #tpu.memory_space<vmem>>
          %dma_wait3A_297 = tpu.memref_squeeze %dma_wait3A_296 : memref<1x128x32xf32, #tpu.memory_space<vmem>> -> memref<128x32xf32, #tpu.memory_space<vmem>>
          %dma_wait3A_298 = arith.constant 0 : i32
          %dma_wait3A_299 = tpu.memref_slice %arg6[%run_scoped3A_279, %run_scoped3A_280, %dma_wait3A_298] : memref<2x4x128xi32, #tpu.memory_space<vmem>> -> memref<1x1x128xi32, #tpu.memory_space<vmem>>
          %dma_wait3A_300 = tpu.memref_squeeze %dma_wait3A_299 : memref<1x1x128xi32, #tpu.memory_space<vmem>> -> memref<128xi32, #tpu.memory_space<vmem>>
          %dma_wait3A_301 = arith.constant 0 : i32
          %dma_wait3A_302 = arith.constant 0 : i32
          %dma_wait3A_303 = tpu.memref_slice %arg8[%dma_wait3A_301, %dma_wait3A_302] : memref<40016x32xf32, #tpu.memory_space<vmem_shared>> -> memref<40016x32xf32, #tpu.memory_space<vmem_shared>>
          tpu.wait_indirect_dma semaphore(%run_scoped3A_284 : memref<!tpu.dma_semaphore, #tpu.memory_space<semaphore_mem>>) src(%dma_wait3A_297 : memref<128x32xf32, #tpu.memory_space<vmem>>) dst(%dma_wait3A_303 : memref<40016x32xf32, #tpu.memory_space<vmem_shared>>)
          tpu.yield
        }) : () -> ()
        %run_scoped3A_281 = arith.constant 1 : i32
        %run_scoped3A_282 = arith.constant 1 : i32
        %run_scoped3A_283 = arith.constant 3 : i32
        "tpu.region"() ({
          %run_scoped3A_284 = tpu.sem_alloc : memref<!tpu.dma_semaphore, #tpu.memory_space<semaphore_mem>>
          %dma_start3A = arith.constant 384 : i32
          %dma_start3A_285 = arith.constant 0 : i32
          %dma_start3A_286 = tpu.memref_slice %arg5[%run_scoped3A_281, %dma_start3A, %dma_start3A_285] : memref<2x512x32xf32, #tpu.memory_space<vmem>> -> memref<1x128x32xf32, #tpu.memory_space<vmem>>
          %dma_start3A_287 = tpu.memref_squeeze %dma_start3A_286 : memref<1x128x32xf32, #tpu.memory_space<vmem>> -> memref<128x32xf32, #tpu.memory_space<vmem>>
          %dma_start3A_288 = arith.constant 0 : i32
          %dma_start3A_289 = tpu.memref_slice %arg6[%run_scoped3A_282, %run_scoped3A_283, %dma_start3A_288] : memref<2x4x128xi32, #tpu.memory_space<vmem>> -> memref<1x1x128xi32, #tpu.memory_space<vmem>>
          %dma_start3A_290 = tpu.memref_squeeze %dma_start3A_289 : memref<1x1x128xi32, #tpu.memory_space<vmem>> -> memref<128xi32, #tpu.memory_space<vmem>>
          %dma_start3A_291 = arith.constant 0 : i32
          %dma_start3A_292 = arith.constant 0 : i32
          %dma_start3A_293 = tpu.memref_slice %arg8[%dma_start3A_291, %dma_start3A_292] : memref<40016x32xf32, #tpu.memory_space<vmem_shared>> -> memref<40016x32xf32, #tpu.memory_space<vmem_shared>>
          tpu.enqueue_indirect_dma source(%dma_start3A_287 : memref<128x32xf32, #tpu.memory_space<vmem>>) target(%dma_start3A_293 : memref<40016x32xf32, #tpu.memory_space<vmem_shared>>) offsets(%dma_start3A_290 : memref<128xi32, #tpu.memory_space<vmem>>) semaphore(%run_scoped3A_284 : memref<!tpu.dma_semaphore, #tpu.memory_space<semaphore_mem>>) {add = true}
          %dma_wait3A_294 = arith.constant 384 : i32
          %dma_wait3A_295 = arith.constant 0 : i32
          %dma_wait3A_296 = tpu.memref_slice %arg5[%run_scoped3A_281, %dma_wait3A_294, %dma_wait3A_295] : memref<2x512x32xf32, #tpu.memory_space<vmem>> -> memref<1x128x32xf32, #tpu.memory_space<vmem>>
          %dma_wait3A_297 = tpu.memref_squeeze %dma_wait3A_296 : memref<1x128x32xf32, #tpu.memory_space<vmem>> -> memref<128x32xf32, #tpu.memory_space<vmem>>
          %dma_wait3A_298 = arith.constant 0 : i32
          %dma_wait3A_299 = tpu.memref_slice %arg6[%run_scoped3A_282, %run_scoped3A_283, %dma_wait3A_298] : memref<2x4x128xi32, #tpu.memory_space<vmem>> -> memref<1x1x128xi32, #tpu.memory_space<vmem>>
          %dma_wait3A_300 = tpu.memref_squeeze %dma_wait3A_299 : memref<1x1x128xi32, #tpu.memory_space<vmem>> -> memref<128xi32, #tpu.memory_space<vmem>>
          %dma_wait3A_301 = arith.constant 0 : i32
          %dma_wait3A_302 = arith.constant 0 : i32
          %dma_wait3A_303 = tpu.memref_slice %arg8[%dma_wait3A_301, %dma_wait3A_302] : memref<40016x32xf32, #tpu.memory_space<vmem_shared>> -> memref<40016x32xf32, #tpu.memory_space<vmem_shared>>
          tpu.wait_indirect_dma semaphore(%run_scoped3A_284 : memref<!tpu.dma_semaphore, #tpu.memory_space<semaphore_mem>>) src(%dma_wait3A_297 : memref<128x32xf32, #tpu.memory_space<vmem>>) dst(%dma_wait3A_303 : memref<40016x32xf32, #tpu.memory_space<vmem_shared>>)
          tpu.yield
        }) : () -> ()
      } else {
      }
    }
    %scan3A_117 = arith.constant 29 : i32
    %add3A_118 = arith.constant 944 : i32
    %add3A_119 = arith.addi %add3A_118, %arg1 : i32
    %mul3A_120 = arith.constant 512 : i32
    %mul3A_121 = arith.muli %add3A_119, %mul3A_120 : i32
    %lt3A_122 = arith.constant 945 : i32
    %lt3A_123 = arith.cmpi slt, %add3A_119, %lt3A_122 : i32
    %convert_element_type3A_124 = arith.extui %lt3A_123 : i1 to i32
    %cond3A_125 = arith.constant 1 : i32
    %cond3A_126 = arith.constant 1 : i32
    %cond3A_127 = arith.constant 1 : i32
    %cond3A_128 = arith.constant 1 : i32
    %cond3A_129 = arith.constant 1 : i32
    %cond3A_130 = arith.constant 1 : i32
    %cond3A_131 = arith.constant 0 : i32
    %cond3A_132 = arith.cmpi ne, %convert_element_type3A_124, %cond3A_131 : i32
    scf.if %cond3A_132 {
      %dma_start3A = arith.constant 0 : i32
      %dma_start3A_168 = arith.constant 0 : i32
      %dma_start3A_169 = tpu.memref_slice %arg5[%cond3A_126, %dma_start3A, %dma_start3A_168] : memref<2x512x32xf32, #tpu.memory_space<vmem>> -> memref<1x512x32xf32, #tpu.memory_space<vmem>>
      %dma_start3A_170 = tpu.memref_squeeze %dma_start3A_169 : memref<1x512x32xf32, #tpu.memory_space<vmem>> -> memref<512x32xf32, #tpu.memory_space<vmem>>
      %dma_start3A_171 = tpu.memref_slice %arg2[%cond3A_125, %mul3A_121, %mul3A_0] : memref<2x483840x64xf32, #tpu.memory_space<hbm>> -> memref<1x512x32xf32, #tpu.memory_space<hbm>>
      %dma_start3A_172 = tpu.memref_squeeze %dma_start3A_171 : memref<1x512x32xf32, #tpu.memory_space<hbm>> -> memref<512x32xf32, #tpu.memory_space<hbm>>
      %dma_start3A_173 = tpu.memref_slice %arg9[%cond3A_127] : memref<2x!tpu.dma_semaphore, #tpu.memory_space<semaphore_mem>> -> memref<1x!tpu.dma_semaphore, #tpu.memory_space<semaphore_mem>>
      %dma_start3A_174 = tpu.memref_squeeze %dma_start3A_173 : memref<1x!tpu.dma_semaphore, #tpu.memory_space<semaphore_mem>> -> memref<!tpu.dma_semaphore, #tpu.memory_space<semaphore_mem>>
      %dma_start3A_175 = arith.constant 0 : i32
      %dma_start3A_176 = arith.constant 0 : i32
      %dma_start3A_177 = tpu.memref_slice %arg5[%cond3A_126, %dma_start3A_175, %dma_start3A_176] : memref<2x512x32xf32, #tpu.memory_space<vmem>> -> memref<1x512x32xf32, #tpu.memory_space<vmem>>
      %dma_start3A_178 = tpu.memref_squeeze %dma_start3A_177 : memref<1x512x32xf32, #tpu.memory_space<vmem>> -> memref<512x32xf32, #tpu.memory_space<vmem>>
      %dma_start3A_179 = tpu.memref_slice %arg2[%cond3A_125, %mul3A_121, %mul3A_0] : memref<2x483840x64xf32, #tpu.memory_space<hbm>> -> memref<1x512x32xf32, #tpu.memory_space<hbm>>
      %dma_start3A_180 = tpu.memref_squeeze %dma_start3A_179 : memref<1x512x32xf32, #tpu.memory_space<hbm>> -> memref<512x32xf32, #tpu.memory_space<hbm>>
      tpu.enqueue_dma source(%dma_start3A_180 : memref<512x32xf32, #tpu.memory_space<hbm>>) target(%dma_start3A_178 : memref<512x32xf32, #tpu.memory_space<vmem>>) target_semaphore(%dma_start3A_174 : memref<!tpu.dma_semaphore, #tpu.memory_space<semaphore_mem>>)
      %dma_start3A_181 = arith.constant 0 : i32
      %dma_start3A_182 = arith.constant 0 : i32
      %dma_start3A_183 = tpu.memref_slice %arg6[%cond3A_129, %dma_start3A_181, %dma_start3A_182] : memref<2x4x128xi32, #tpu.memory_space<vmem>> -> memref<1x4x128xi32, #tpu.memory_space<vmem>>
      %dma_start3A_184 = tpu.memref_squeeze %dma_start3A_183 : memref<1x4x128xi32, #tpu.memory_space<vmem>> -> memref<4x128xi32, #tpu.memory_space<vmem>>
      %dma_start3A_185 = arith.constant 0 : i32
      %dma_start3A_186 = arith.constant 0 : i32
      %dma_start3A_187 = tpu.memref_slice %arg3[%cond3A_128, %add3A_119, %dma_start3A_185, %dma_start3A_186] : memref<2x945x4x128xi32, #tpu.memory_space<hbm>> -> memref<1x1x4x128xi32, #tpu.memory_space<hbm>>
      %dma_start3A_188 = tpu.memref_squeeze %dma_start3A_187 : memref<1x1x4x128xi32, #tpu.memory_space<hbm>> -> memref<4x128xi32, #tpu.memory_space<hbm>>
      %dma_start3A_189 = tpu.memref_slice %arg10[%cond3A_130] : memref<2x!tpu.dma_semaphore, #tpu.memory_space<semaphore_mem>> -> memref<1x!tpu.dma_semaphore, #tpu.memory_space<semaphore_mem>>
      %dma_start3A_190 = tpu.memref_squeeze %dma_start3A_189 : memref<1x!tpu.dma_semaphore, #tpu.memory_space<semaphore_mem>> -> memref<!tpu.dma_semaphore, #tpu.memory_space<semaphore_mem>>
      %dma_start3A_191 = arith.constant 0 : i32
      %dma_start3A_192 = arith.constant 0 : i32
      %dma_start3A_193 = tpu.memref_slice %arg6[%cond3A_129, %dma_start3A_191, %dma_start3A_192] : memref<2x4x128xi32, #tpu.memory_space<vmem>> -> memref<1x4x128xi32, #tpu.memory_space<vmem>>
      %dma_start3A_194 = tpu.memref_squeeze %dma_start3A_193 : memref<1x4x128xi32, #tpu.memory_space<vmem>> -> memref<4x128xi32, #tpu.memory_space<vmem>>
      %dma_start3A_195 = arith.constant 0 : i32
      %dma_start3A_196 = arith.constant 0 : i32
      %dma_start3A_197 = tpu.memref_slice %arg3[%cond3A_128, %add3A_119, %dma_start3A_195, %dma_start3A_196] : memref<2x945x4x128xi32, #tpu.memory_space<hbm>> -> memref<1x1x4x128xi32, #tpu.memory_space<hbm>>
      %dma_start3A_198 = tpu.memref_squeeze %dma_start3A_197 : memref<1x1x4x128xi32, #tpu.memory_space<hbm>> -> memref<4x128xi32, #tpu.memory_space<hbm>>
      tpu.enqueue_dma source(%dma_start3A_198 : memref<4x128xi32, #tpu.memory_space<hbm>>) target(%dma_start3A_194 : memref<4x128xi32, #tpu.memory_space<vmem>>) target_semaphore(%dma_start3A_190 : memref<!tpu.dma_semaphore, #tpu.memory_space<semaphore_mem>>)
    } else {
    }
    %add3A_133 = arith.constant 928 : i32
    %add3A_134 = arith.addi %add3A_133, %arg1 : i32
    %mul3A_135 = arith.constant 512 : i32
    %mul3A_136 = arith.muli %add3A_134, %mul3A_135 : i32
    %lt3A_137 = arith.constant 945 : i32
    %lt3A_138 = arith.cmpi slt, %add3A_134, %lt3A_137 : i32
    %convert_element_type3A_139 = arith.extui %lt3A_138 : i1 to i32
    %cond3A_140 = arith.constant 1 : i32
    %cond3A_141 = arith.constant 0 : i32
    %cond3A_142 = arith.constant 0 : i32
    %cond3A_143 = arith.constant 1 : i32
    %cond3A_144 = arith.constant 0 : i32
    %cond3A_145 = arith.constant 0 : i32
    %cond3A_146 = arith.constant 0 : i32
    %cond3A_147 = arith.cmpi ne, %convert_element_type3A_139, %cond3A_146 : i32
    scf.if %cond3A_147 {
      %dma_wait3A = arith.constant 0 : i32
      %dma_wait3A_168 = arith.constant 0 : i32
      %dma_wait3A_169 = tpu.memref_slice %arg5[%cond3A_141, %dma_wait3A, %dma_wait3A_168] : memref<2x512x32xf32, #tpu.memory_space<vmem>> -> memref<1x512x32xf32, #tpu.memory_space<vmem>>
      %dma_wait3A_170 = tpu.memref_squeeze %dma_wait3A_169 : memref<1x512x32xf32, #tpu.memory_space<vmem>> -> memref<512x32xf32, #tpu.memory_space<vmem>>
      %dma_wait3A_171 = tpu.memref_slice %arg2[%cond3A_140, %mul3A_136, %mul3A_0] : memref<2x483840x64xf32, #tpu.memory_space<hbm>> -> memref<1x512x32xf32, #tpu.memory_space<hbm>>
      %dma_wait3A_172 = tpu.memref_squeeze %dma_wait3A_171 : memref<1x512x32xf32, #tpu.memory_space<hbm>> -> memref<512x32xf32, #tpu.memory_space<hbm>>
      %dma_wait3A_173 = tpu.memref_slice %arg9[%cond3A_142] : memref<2x!tpu.dma_semaphore, #tpu.memory_space<semaphore_mem>> -> memref<1x!tpu.dma_semaphore, #tpu.memory_space<semaphore_mem>>
      %dma_wait3A_174 = tpu.memref_squeeze %dma_wait3A_173 : memref<1x!tpu.dma_semaphore, #tpu.memory_space<semaphore_mem>> -> memref<!tpu.dma_semaphore, #tpu.memory_space<semaphore_mem>>
      %dma_wait3A_175 = arith.constant 0 : i32
      %dma_wait3A_176 = arith.constant 0 : i32
      %dma_wait3A_177 = tpu.memref_slice %arg5[%cond3A_141, %dma_wait3A_175, %dma_wait3A_176] : memref<2x512x32xf32, #tpu.memory_space<vmem>> -> memref<1x512x32xf32, #tpu.memory_space<vmem>>
      %dma_wait3A_178 = tpu.memref_squeeze %dma_wait3A_177 : memref<1x512x32xf32, #tpu.memory_space<vmem>> -> memref<512x32xf32, #tpu.memory_space<vmem>>
      %dma_wait3A_179 = tpu.memref_slice %arg2[%cond3A_140, %mul3A_136, %mul3A_0] : memref<2x483840x64xf32, #tpu.memory_space<hbm>> -> memref<1x512x32xf32, #tpu.memory_space<hbm>>
      %dma_wait3A_180 = tpu.memref_squeeze %dma_wait3A_179 : memref<1x512x32xf32, #tpu.memory_space<hbm>> -> memref<512x32xf32, #tpu.memory_space<hbm>>
      tpu.wait_dma2 semaphore(%dma_wait3A_174 : memref<!tpu.dma_semaphore, #tpu.memory_space<semaphore_mem>>) src(%dma_wait3A_180 : memref<512x32xf32, #tpu.memory_space<hbm>>) dst(%dma_wait3A_178 : memref<512x32xf32, #tpu.memory_space<vmem>>)
      %dma_wait3A_181 = arith.constant 0 : i32
      %dma_wait3A_182 = arith.constant 0 : i32
      %dma_wait3A_183 = tpu.memref_slice %arg6[%cond3A_144, %dma_wait3A_181, %dma_wait3A_182] : memref<2x4x128xi32, #tpu.memory_space<vmem>> -> memref<1x4x128xi32, #tpu.memory_space<vmem>>
      %dma_wait3A_184 = tpu.memref_squeeze %dma_wait3A_183 : memref<1x4x128xi32, #tpu.memory_space<vmem>> -> memref<4x128xi32, #tpu.memory_space<vmem>>
      %dma_wait3A_185 = arith.constant 0 : i32
      %dma_wait3A_186 = arith.constant 0 : i32
      %dma_wait3A_187 = tpu.memref_slice %arg3[%cond3A_143, %add3A_134, %dma_wait3A_185, %dma_wait3A_186] : memref<2x945x4x128xi32, #tpu.memory_space<hbm>> -> memref<1x1x4x128xi32, #tpu.memory_space<hbm>>
      %dma_wait3A_188 = tpu.memref_squeeze %dma_wait3A_187 : memref<1x1x4x128xi32, #tpu.memory_space<hbm>> -> memref<4x128xi32, #tpu.memory_space<hbm>>
      %dma_wait3A_189 = tpu.memref_slice %arg10[%cond3A_145] : memref<2x!tpu.dma_semaphore, #tpu.memory_space<semaphore_mem>> -> memref<1x!tpu.dma_semaphore, #tpu.memory_space<semaphore_mem>>
      %dma_wait3A_190 = tpu.memref_squeeze %dma_wait3A_189 : memref<1x!tpu.dma_semaphore, #tpu.memory_space<semaphore_mem>> -> memref<!tpu.dma_semaphore, #tpu.memory_space<semaphore_mem>>
      %dma_wait3A_191 = arith.constant 0 : i32
      %dma_wait3A_192 = arith.constant 0 : i32
      %dma_wait3A_193 = tpu.memref_slice %arg6[%cond3A_144, %dma_wait3A_191, %dma_wait3A_192] : memref<2x4x128xi32, #tpu.memory_space<vmem>> -> memref<1x4x128xi32, #tpu.memory_space<vmem>>
      %dma_wait3A_194 = tpu.memref_squeeze %dma_wait3A_193 : memref<1x4x128xi32, #tpu.memory_space<vmem>> -> memref<4x128xi32, #tpu.memory_space<vmem>>
      %dma_wait3A_195 = arith.constant 0 : i32
      %dma_wait3A_196 = arith.constant 0 : i32
      %dma_wait3A_197 = tpu.memref_slice %arg3[%cond3A_143, %add3A_134, %dma_wait3A_195, %dma_wait3A_196] : memref<2x945x4x128xi32, #tpu.memory_space<hbm>> -> memref<1x1x4x128xi32, #tpu.memory_space<hbm>>
      %dma_wait3A_198 = tpu.memref_squeeze %dma_wait3A_197 : memref<1x1x4x128xi32, #tpu.memory_space<hbm>> -> memref<4x128xi32, #tpu.memory_space<hbm>>
      tpu.wait_dma2 semaphore(%dma_wait3A_190 : memref<!tpu.dma_semaphore, #tpu.memory_space<semaphore_mem>>) src(%dma_wait3A_198 : memref<4x128xi32, #tpu.memory_space<hbm>>) dst(%dma_wait3A_194 : memref<4x128xi32, #tpu.memory_space<vmem>>)
      %run_scoped3A_199 = arith.constant 0 : i32
      %run_scoped3A_200 = arith.constant 0 : i32
      %run_scoped3A_201 = arith.constant 0 : i32
      "tpu.region"() ({
        %run_scoped3A_211 = tpu.sem_alloc : memref<!tpu.dma_semaphore, #tpu.memory_space<semaphore_mem>>
        %dma_start3A = arith.constant 0 : i32
        %dma_start3A_212 = arith.constant 0 : i32
        %dma_start3A_213 = tpu.memref_slice %arg5[%run_scoped3A_199, %dma_start3A, %dma_start3A_212] : memref<2x512x32xf32, #tpu.memory_space<vmem>> -> memref<1x128x32xf32, #tpu.memory_space<vmem>>
        %dma_start3A_214 = tpu.memref_squeeze %dma_start3A_213 : memref<1x128x32xf32, #tpu.memory_space<vmem>> -> memref<128x32xf32, #tpu.memory_space<vmem>>
        %dma_start3A_215 = arith.constant 0 : i32
        %dma_start3A_216 = tpu.memref_slice %arg6[%run_scoped3A_200, %run_scoped3A_201, %dma_start3A_215] : memref<2x4x128xi32, #tpu.memory_space<vmem>> -> memref<1x1x128xi32, #tpu.memory_space<vmem>>
        %dma_start3A_217 = tpu.memref_squeeze %dma_start3A_216 : memref<1x1x128xi32, #tpu.memory_space<vmem>> -> memref<128xi32, #tpu.memory_space<vmem>>
        %dma_start3A_218 = arith.constant 0 : i32
        %dma_start3A_219 = arith.constant 0 : i32
        %dma_start3A_220 = tpu.memref_slice %arg8[%dma_start3A_218, %dma_start3A_219] : memref<40016x32xf32, #tpu.memory_space<vmem_shared>> -> memref<40016x32xf32, #tpu.memory_space<vmem_shared>>
        tpu.enqueue_indirect_dma source(%dma_start3A_214 : memref<128x32xf32, #tpu.memory_space<vmem>>) target(%dma_start3A_220 : memref<40016x32xf32, #tpu.memory_space<vmem_shared>>) offsets(%dma_start3A_217 : memref<128xi32, #tpu.memory_space<vmem>>) semaphore(%run_scoped3A_211 : memref<!tpu.dma_semaphore, #tpu.memory_space<semaphore_mem>>) {add = true}
        %dma_wait3A_221 = arith.constant 0 : i32
        %dma_wait3A_222 = arith.constant 0 : i32
        %dma_wait3A_223 = tpu.memref_slice %arg5[%run_scoped3A_199, %dma_wait3A_221, %dma_wait3A_222] : memref<2x512x32xf32, #tpu.memory_space<vmem>> -> memref<1x128x32xf32, #tpu.memory_space<vmem>>
        %dma_wait3A_224 = tpu.memref_squeeze %dma_wait3A_223 : memref<1x128x32xf32, #tpu.memory_space<vmem>> -> memref<128x32xf32, #tpu.memory_space<vmem>>
        %dma_wait3A_225 = arith.constant 0 : i32
        %dma_wait3A_226 = tpu.memref_slice %arg6[%run_scoped3A_200, %run_scoped3A_201, %dma_wait3A_225] : memref<2x4x128xi32, #tpu.memory_space<vmem>> -> memref<1x1x128xi32, #tpu.memory_space<vmem>>
        %dma_wait3A_227 = tpu.memref_squeeze %dma_wait3A_226 : memref<1x1x128xi32, #tpu.memory_space<vmem>> -> memref<128xi32, #tpu.memory_space<vmem>>
        %dma_wait3A_228 = arith.constant 0 : i32
        %dma_wait3A_229 = arith.constant 0 : i32
        %dma_wait3A_230 = tpu.memref_slice %arg8[%dma_wait3A_228, %dma_wait3A_229] : memref<40016x32xf32, #tpu.memory_space<vmem_shared>> -> memref<40016x32xf32, #tpu.memory_space<vmem_shared>>
        tpu.wait_indirect_dma semaphore(%run_scoped3A_211 : memref<!tpu.dma_semaphore, #tpu.memory_space<semaphore_mem>>) src(%dma_wait3A_224 : memref<128x32xf32, #tpu.memory_space<vmem>>) dst(%dma_wait3A_230 : memref<40016x32xf32, #tpu.memory_space<vmem_shared>>)
        tpu.yield
      }) : () -> ()
      %run_scoped3A_202 = arith.constant 0 : i32
      %run_scoped3A_203 = arith.constant 0 : i32
      %run_scoped3A_204 = arith.constant 1 : i32
      "tpu.region"() ({
        %run_scoped3A_211 = tpu.sem_alloc : memref<!tpu.dma_semaphore, #tpu.memory_space<semaphore_mem>>
        %dma_start3A = arith.constant 128 : i32
        %dma_start3A_212 = arith.constant 0 : i32
        %dma_start3A_213 = tpu.memref_slice %arg5[%run_scoped3A_202, %dma_start3A, %dma_start3A_212] : memref<2x512x32xf32, #tpu.memory_space<vmem>> -> memref<1x128x32xf32, #tpu.memory_space<vmem>>
        %dma_start3A_214 = tpu.memref_squeeze %dma_start3A_213 : memref<1x128x32xf32, #tpu.memory_space<vmem>> -> memref<128x32xf32, #tpu.memory_space<vmem>>
        %dma_start3A_215 = arith.constant 0 : i32
        %dma_start3A_216 = tpu.memref_slice %arg6[%run_scoped3A_203, %run_scoped3A_204, %dma_start3A_215] : memref<2x4x128xi32, #tpu.memory_space<vmem>> -> memref<1x1x128xi32, #tpu.memory_space<vmem>>
        %dma_start3A_217 = tpu.memref_squeeze %dma_start3A_216 : memref<1x1x128xi32, #tpu.memory_space<vmem>> -> memref<128xi32, #tpu.memory_space<vmem>>
        %dma_start3A_218 = arith.constant 0 : i32
        %dma_start3A_219 = arith.constant 0 : i32
        %dma_start3A_220 = tpu.memref_slice %arg8[%dma_start3A_218, %dma_start3A_219] : memref<40016x32xf32, #tpu.memory_space<vmem_shared>> -> memref<40016x32xf32, #tpu.memory_space<vmem_shared>>
        tpu.enqueue_indirect_dma source(%dma_start3A_214 : memref<128x32xf32, #tpu.memory_space<vmem>>) target(%dma_start3A_220 : memref<40016x32xf32, #tpu.memory_space<vmem_shared>>) offsets(%dma_start3A_217 : memref<128xi32, #tpu.memory_space<vmem>>) semaphore(%run_scoped3A_211 : memref<!tpu.dma_semaphore, #tpu.memory_space<semaphore_mem>>) {add = true}
        %dma_wait3A_221 = arith.constant 128 : i32
        %dma_wait3A_222 = arith.constant 0 : i32
        %dma_wait3A_223 = tpu.memref_slice %arg5[%run_scoped3A_202, %dma_wait3A_221, %dma_wait3A_222] : memref<2x512x32xf32, #tpu.memory_space<vmem>> -> memref<1x128x32xf32, #tpu.memory_space<vmem>>
        %dma_wait3A_224 = tpu.memref_squeeze %dma_wait3A_223 : memref<1x128x32xf32, #tpu.memory_space<vmem>> -> memref<128x32xf32, #tpu.memory_space<vmem>>
        %dma_wait3A_225 = arith.constant 0 : i32
        %dma_wait3A_226 = tpu.memref_slice %arg6[%run_scoped3A_203, %run_scoped3A_204, %dma_wait3A_225] : memref<2x4x128xi32, #tpu.memory_space<vmem>> -> memref<1x1x128xi32, #tpu.memory_space<vmem>>
        %dma_wait3A_227 = tpu.memref_squeeze %dma_wait3A_226 : memref<1x1x128xi32, #tpu.memory_space<vmem>> -> memref<128xi32, #tpu.memory_space<vmem>>
        %dma_wait3A_228 = arith.constant 0 : i32
        %dma_wait3A_229 = arith.constant 0 : i32
        %dma_wait3A_230 = tpu.memref_slice %arg8[%dma_wait3A_228, %dma_wait3A_229] : memref<40016x32xf32, #tpu.memory_space<vmem_shared>> -> memref<40016x32xf32, #tpu.memory_space<vmem_shared>>
        tpu.wait_indirect_dma semaphore(%run_scoped3A_211 : memref<!tpu.dma_semaphore, #tpu.memory_space<semaphore_mem>>) src(%dma_wait3A_224 : memref<128x32xf32, #tpu.memory_space<vmem>>) dst(%dma_wait3A_230 : memref<40016x32xf32, #tpu.memory_space<vmem_shared>>)
        tpu.yield
      }) : () -> ()
      %run_scoped3A_205 = arith.constant 0 : i32
      %run_scoped3A_206 = arith.constant 0 : i32
      %run_scoped3A_207 = arith.constant 2 : i32
      "tpu.region"() ({
        %run_scoped3A_211 = tpu.sem_alloc : memref<!tpu.dma_semaphore, #tpu.memory_space<semaphore_mem>>
        %dma_start3A = arith.constant 256 : i32
        %dma_start3A_212 = arith.constant 0 : i32
        %dma_start3A_213 = tpu.memref_slice %arg5[%run_scoped3A_205, %dma_start3A, %dma_start3A_212] : memref<2x512x32xf32, #tpu.memory_space<vmem>> -> memref<1x128x32xf32, #tpu.memory_space<vmem>>
        %dma_start3A_214 = tpu.memref_squeeze %dma_start3A_213 : memref<1x128x32xf32, #tpu.memory_space<vmem>> -> memref<128x32xf32, #tpu.memory_space<vmem>>
        %dma_start3A_215 = arith.constant 0 : i32
        %dma_start3A_216 = tpu.memref_slice %arg6[%run_scoped3A_206, %run_scoped3A_207, %dma_start3A_215] : memref<2x4x128xi32, #tpu.memory_space<vmem>> -> memref<1x1x128xi32, #tpu.memory_space<vmem>>
        %dma_start3A_217 = tpu.memref_squeeze %dma_start3A_216 : memref<1x1x128xi32, #tpu.memory_space<vmem>> -> memref<128xi32, #tpu.memory_space<vmem>>
        %dma_start3A_218 = arith.constant 0 : i32
        %dma_start3A_219 = arith.constant 0 : i32
        %dma_start3A_220 = tpu.memref_slice %arg8[%dma_start3A_218, %dma_start3A_219] : memref<40016x32xf32, #tpu.memory_space<vmem_shared>> -> memref<40016x32xf32, #tpu.memory_space<vmem_shared>>
        tpu.enqueue_indirect_dma source(%dma_start3A_214 : memref<128x32xf32, #tpu.memory_space<vmem>>) target(%dma_start3A_220 : memref<40016x32xf32, #tpu.memory_space<vmem_shared>>) offsets(%dma_start3A_217 : memref<128xi32, #tpu.memory_space<vmem>>) semaphore(%run_scoped3A_211 : memref<!tpu.dma_semaphore, #tpu.memory_space<semaphore_mem>>) {add = true}
        %dma_wait3A_221 = arith.constant 256 : i32
        %dma_wait3A_222 = arith.constant 0 : i32
        %dma_wait3A_223 = tpu.memref_slice %arg5[%run_scoped3A_205, %dma_wait3A_221, %dma_wait3A_222] : memref<2x512x32xf32, #tpu.memory_space<vmem>> -> memref<1x128x32xf32, #tpu.memory_space<vmem>>
        %dma_wait3A_224 = tpu.memref_squeeze %dma_wait3A_223 : memref<1x128x32xf32, #tpu.memory_space<vmem>> -> memref<128x32xf32, #tpu.memory_space<vmem>>
        %dma_wait3A_225 = arith.constant 0 : i32
        %dma_wait3A_226 = tpu.memref_slice %arg6[%run_scoped3A_206, %run_scoped3A_207, %dma_wait3A_225] : memref<2x4x128xi32, #tpu.memory_space<vmem>> -> memref<1x1x128xi32, #tpu.memory_space<vmem>>
        %dma_wait3A_227 = tpu.memref_squeeze %dma_wait3A_226 : memref<1x1x128xi32, #tpu.memory_space<vmem>> -> memref<128xi32, #tpu.memory_space<vmem>>
        %dma_wait3A_228 = arith.constant 0 : i32
        %dma_wait3A_229 = arith.constant 0 : i32
        %dma_wait3A_230 = tpu.memref_slice %arg8[%dma_wait3A_228, %dma_wait3A_229] : memref<40016x32xf32, #tpu.memory_space<vmem_shared>> -> memref<40016x32xf32, #tpu.memory_space<vmem_shared>>
        tpu.wait_indirect_dma semaphore(%run_scoped3A_211 : memref<!tpu.dma_semaphore, #tpu.memory_space<semaphore_mem>>) src(%dma_wait3A_224 : memref<128x32xf32, #tpu.memory_space<vmem>>) dst(%dma_wait3A_230 : memref<40016x32xf32, #tpu.memory_space<vmem_shared>>)
        tpu.yield
      }) : () -> ()
      %run_scoped3A_208 = arith.constant 0 : i32
      %run_scoped3A_209 = arith.constant 0 : i32
      %run_scoped3A_210 = arith.constant 3 : i32
      "tpu.region"() ({
        %run_scoped3A_211 = tpu.sem_alloc : memref<!tpu.dma_semaphore, #tpu.memory_space<semaphore_mem>>
        %dma_start3A = arith.constant 384 : i32
        %dma_start3A_212 = arith.constant 0 : i32
        %dma_start3A_213 = tpu.memref_slice %arg5[%run_scoped3A_208, %dma_start3A, %dma_start3A_212] : memref<2x512x32xf32, #tpu.memory_space<vmem>> -> memref<1x128x32xf32, #tpu.memory_space<vmem>>
        %dma_start3A_214 = tpu.memref_squeeze %dma_start3A_213 : memref<1x128x32xf32, #tpu.memory_space<vmem>> -> memref<128x32xf32, #tpu.memory_space<vmem>>
        %dma_start3A_215 = arith.constant 0 : i32
        %dma_start3A_216 = tpu.memref_slice %arg6[%run_scoped3A_209, %run_scoped3A_210, %dma_start3A_215] : memref<2x4x128xi32, #tpu.memory_space<vmem>> -> memref<1x1x128xi32, #tpu.memory_space<vmem>>
        %dma_start3A_217 = tpu.memref_squeeze %dma_start3A_216 : memref<1x1x128xi32, #tpu.memory_space<vmem>> -> memref<128xi32, #tpu.memory_space<vmem>>
        %dma_start3A_218 = arith.constant 0 : i32
        %dma_start3A_219 = arith.constant 0 : i32
        %dma_start3A_220 = tpu.memref_slice %arg8[%dma_start3A_218, %dma_start3A_219] : memref<40016x32xf32, #tpu.memory_space<vmem_shared>> -> memref<40016x32xf32, #tpu.memory_space<vmem_shared>>
        tpu.enqueue_indirect_dma source(%dma_start3A_214 : memref<128x32xf32, #tpu.memory_space<vmem>>) target(%dma_start3A_220 : memref<40016x32xf32, #tpu.memory_space<vmem_shared>>) offsets(%dma_start3A_217 : memref<128xi32, #tpu.memory_space<vmem>>) semaphore(%run_scoped3A_211 : memref<!tpu.dma_semaphore, #tpu.memory_space<semaphore_mem>>) {add = true}
        %dma_wait3A_221 = arith.constant 384 : i32
        %dma_wait3A_222 = arith.constant 0 : i32
        %dma_wait3A_223 = tpu.memref_slice %arg5[%run_scoped3A_208, %dma_wait3A_221, %dma_wait3A_222] : memref<2x512x32xf32, #tpu.memory_space<vmem>> -> memref<1x128x32xf32, #tpu.memory_space<vmem>>
        %dma_wait3A_224 = tpu.memref_squeeze %dma_wait3A_223 : memref<1x128x32xf32, #tpu.memory_space<vmem>> -> memref<128x32xf32, #tpu.memory_space<vmem>>
        %dma_wait3A_225 = arith.constant 0 : i32
        %dma_wait3A_226 = tpu.memref_slice %arg6[%run_scoped3A_209, %run_scoped3A_210, %dma_wait3A_225] : memref<2x4x128xi32, #tpu.memory_space<vmem>> -> memref<1x1x128xi32, #tpu.memory_space<vmem>>
        %dma_wait3A_227 = tpu.memref_squeeze %dma_wait3A_226 : memref<1x1x128xi32, #tpu.memory_space<vmem>> -> memref<128xi32, #tpu.memory_space<vmem>>
        %dma_wait3A_228 = arith.constant 0 : i32
        %dma_wait3A_229 = arith.constant 0 : i32
        %dma_wait3A_230 = tpu.memref_slice %arg8[%dma_wait3A_228, %dma_wait3A_229] : memref<40016x32xf32, #tpu.memory_space<vmem_shared>> -> memref<40016x32xf32, #tpu.memory_space<vmem_shared>>
        tpu.wait_indirect_dma semaphore(%run_scoped3A_211 : memref<!tpu.dma_semaphore, #tpu.memory_space<semaphore_mem>>) src(%dma_wait3A_224 : memref<128x32xf32, #tpu.memory_space<vmem>>) dst(%dma_wait3A_230 : memref<40016x32xf32, #tpu.memory_space<vmem_shared>>)
        tpu.yield
      }) : () -> ()
    } else {
    }
    %add3A_148 = arith.constant 944 : i32
    %add3A_149 = arith.addi %add3A_148, %arg1 : i32
    %mul3A_150 = arith.constant 512 : i32
    %mul3A_151 = arith.muli %add3A_149, %mul3A_150 : i32
    %lt3A_152 = arith.constant 945 : i32
    %lt3A_153 = arith.cmpi slt, %add3A_149, %lt3A_152 : i32
    %convert_element_type3A_154 = arith.extui %lt3A_153 : i1 to i32
    %cond3A_155 = arith.constant 1 : i32
    %cond3A_156 = arith.constant 1 : i32
    %cond3A_157 = arith.constant 1 : i32
    %cond3A_158 = arith.constant 1 : i32
    %cond3A_159 = arith.constant 1 : i32
    %cond3A_160 = arith.constant 1 : i32
    %cond3A_161 = arith.constant 0 : i32
    %cond3A_162 = arith.cmpi ne, %convert_element_type3A_154, %cond3A_161 : i32
    scf.if %cond3A_162 {
      %dma_wait3A = arith.constant 0 : i32
      %dma_wait3A_168 = arith.constant 0 : i32
      %dma_wait3A_169 = tpu.memref_slice %arg5[%cond3A_156, %dma_wait3A, %dma_wait3A_168] : memref<2x512x32xf32, #tpu.memory_space<vmem>> -> memref<1x512x32xf32, #tpu.memory_space<vmem>>
      %dma_wait3A_170 = tpu.memref_squeeze %dma_wait3A_169 : memref<1x512x32xf32, #tpu.memory_space<vmem>> -> memref<512x32xf32, #tpu.memory_space<vmem>>
      %dma_wait3A_171 = tpu.memref_slice %arg2[%cond3A_155, %mul3A_151, %mul3A_0] : memref<2x483840x64xf32, #tpu.memory_space<hbm>> -> memref<1x512x32xf32, #tpu.memory_space<hbm>>
      %dma_wait3A_172 = tpu.memref_squeeze %dma_wait3A_171 : memref<1x512x32xf32, #tpu.memory_space<hbm>> -> memref<512x32xf32, #tpu.memory_space<hbm>>
      %dma_wait3A_173 = tpu.memref_slice %arg9[%cond3A_157] : memref<2x!tpu.dma_semaphore, #tpu.memory_space<semaphore_mem>> -> memref<1x!tpu.dma_semaphore, #tpu.memory_space<semaphore_mem>>
      %dma_wait3A_174 = tpu.memref_squeeze %dma_wait3A_173 : memref<1x!tpu.dma_semaphore, #tpu.memory_space<semaphore_mem>> -> memref<!tpu.dma_semaphore, #tpu.memory_space<semaphore_mem>>
      %dma_wait3A_175 = arith.constant 0 : i32
      %dma_wait3A_176 = arith.constant 0 : i32
      %dma_wait3A_177 = tpu.memref_slice %arg5[%cond3A_156, %dma_wait3A_175, %dma_wait3A_176] : memref<2x512x32xf32, #tpu.memory_space<vmem>> -> memref<1x512x32xf32, #tpu.memory_space<vmem>>
      %dma_wait3A_178 = tpu.memref_squeeze %dma_wait3A_177 : memref<1x512x32xf32, #tpu.memory_space<vmem>> -> memref<512x32xf32, #tpu.memory_space<vmem>>
      %dma_wait3A_179 = tpu.memref_slice %arg2[%cond3A_155, %mul3A_151, %mul3A_0] : memref<2x483840x64xf32, #tpu.memory_space<hbm>> -> memref<1x512x32xf32, #tpu.memory_space<hbm>>
      %dma_wait3A_180 = tpu.memref_squeeze %dma_wait3A_179 : memref<1x512x32xf32, #tpu.memory_space<hbm>> -> memref<512x32xf32, #tpu.memory_space<hbm>>
      tpu.wait_dma2 semaphore(%dma_wait3A_174 : memref<!tpu.dma_semaphore, #tpu.memory_space<semaphore_mem>>) src(%dma_wait3A_180 : memref<512x32xf32, #tpu.memory_space<hbm>>) dst(%dma_wait3A_178 : memref<512x32xf32, #tpu.memory_space<vmem>>)
      %dma_wait3A_181 = arith.constant 0 : i32
      %dma_wait3A_182 = arith.constant 0 : i32
      %dma_wait3A_183 = tpu.memref_slice %arg6[%cond3A_159, %dma_wait3A_181, %dma_wait3A_182] : memref<2x4x128xi32, #tpu.memory_space<vmem>> -> memref<1x4x128xi32, #tpu.memory_space<vmem>>
      %dma_wait3A_184 = tpu.memref_squeeze %dma_wait3A_183 : memref<1x4x128xi32, #tpu.memory_space<vmem>> -> memref<4x128xi32, #tpu.memory_space<vmem>>
      %dma_wait3A_185 = arith.constant 0 : i32
      %dma_wait3A_186 = arith.constant 0 : i32
      %dma_wait3A_187 = tpu.memref_slice %arg3[%cond3A_158, %add3A_149, %dma_wait3A_185, %dma_wait3A_186] : memref<2x945x4x128xi32, #tpu.memory_space<hbm>> -> memref<1x1x4x128xi32, #tpu.memory_space<hbm>>
      %dma_wait3A_188 = tpu.memref_squeeze %dma_wait3A_187 : memref<1x1x4x128xi32, #tpu.memory_space<hbm>> -> memref<4x128xi32, #tpu.memory_space<hbm>>
      %dma_wait3A_189 = tpu.memref_slice %arg10[%cond3A_160] : memref<2x!tpu.dma_semaphore, #tpu.memory_space<semaphore_mem>> -> memref<1x!tpu.dma_semaphore, #tpu.memory_space<semaphore_mem>>
      %dma_wait3A_190 = tpu.memref_squeeze %dma_wait3A_189 : memref<1x!tpu.dma_semaphore, #tpu.memory_space<semaphore_mem>> -> memref<!tpu.dma_semaphore, #tpu.memory_space<semaphore_mem>>
      %dma_wait3A_191 = arith.constant 0 : i32
      %dma_wait3A_192 = arith.constant 0 : i32
      %dma_wait3A_193 = tpu.memref_slice %arg6[%cond3A_159, %dma_wait3A_191, %dma_wait3A_192] : memref<2x4x128xi32, #tpu.memory_space<vmem>> -> memref<1x4x128xi32, #tpu.memory_space<vmem>>
      %dma_wait3A_194 = tpu.memref_squeeze %dma_wait3A_193 : memref<1x4x128xi32, #tpu.memory_space<vmem>> -> memref<4x128xi32, #tpu.memory_space<vmem>>
      %dma_wait3A_195 = arith.constant 0 : i32
      %dma_wait3A_196 = arith.constant 0 : i32
      %dma_wait3A_197 = tpu.memref_slice %arg3[%cond3A_158, %add3A_149, %dma_wait3A_195, %dma_wait3A_196] : memref<2x945x4x128xi32, #tpu.memory_space<hbm>> -> memref<1x1x4x128xi32, #tpu.memory_space<hbm>>
      %dma_wait3A_198 = tpu.memref_squeeze %dma_wait3A_197 : memref<1x1x4x128xi32, #tpu.memory_space<hbm>> -> memref<4x128xi32, #tpu.memory_space<hbm>>
      tpu.wait_dma2 semaphore(%dma_wait3A_190 : memref<!tpu.dma_semaphore, #tpu.memory_space<semaphore_mem>>) src(%dma_wait3A_198 : memref<4x128xi32, #tpu.memory_space<hbm>>) dst(%dma_wait3A_194 : memref<4x128xi32, #tpu.memory_space<vmem>>)
      %run_scoped3A_199 = arith.constant 1 : i32
      %run_scoped3A_200 = arith.constant 1 : i32
      %run_scoped3A_201 = arith.constant 0 : i32
      "tpu.region"() ({
        %run_scoped3A_211 = tpu.sem_alloc : memref<!tpu.dma_semaphore, #tpu.memory_space<semaphore_mem>>
        %dma_start3A = arith.constant 0 : i32
        %dma_start3A_212 = arith.constant 0 : i32
        %dma_start3A_213 = tpu.memref_slice %arg5[%run_scoped3A_199, %dma_start3A, %dma_start3A_212] : memref<2x512x32xf32, #tpu.memory_space<vmem>> -> memref<1x128x32xf32, #tpu.memory_space<vmem>>
        %dma_start3A_214 = tpu.memref_squeeze %dma_start3A_213 : memref<1x128x32xf32, #tpu.memory_space<vmem>> -> memref<128x32xf32, #tpu.memory_space<vmem>>
        %dma_start3A_215 = arith.constant 0 : i32
        %dma_start3A_216 = tpu.memref_slice %arg6[%run_scoped3A_200, %run_scoped3A_201, %dma_start3A_215] : memref<2x4x128xi32, #tpu.memory_space<vmem>> -> memref<1x1x128xi32, #tpu.memory_space<vmem>>
        %dma_start3A_217 = tpu.memref_squeeze %dma_start3A_216 : memref<1x1x128xi32, #tpu.memory_space<vmem>> -> memref<128xi32, #tpu.memory_space<vmem>>
        %dma_start3A_218 = arith.constant 0 : i32
        %dma_start3A_219 = arith.constant 0 : i32
        %dma_start3A_220 = tpu.memref_slice %arg8[%dma_start3A_218, %dma_start3A_219] : memref<40016x32xf32, #tpu.memory_space<vmem_shared>> -> memref<40016x32xf32, #tpu.memory_space<vmem_shared>>
        tpu.enqueue_indirect_dma source(%dma_start3A_214 : memref<128x32xf32, #tpu.memory_space<vmem>>) target(%dma_start3A_220 : memref<40016x32xf32, #tpu.memory_space<vmem_shared>>) offsets(%dma_start3A_217 : memref<128xi32, #tpu.memory_space<vmem>>) semaphore(%run_scoped3A_211 : memref<!tpu.dma_semaphore, #tpu.memory_space<semaphore_mem>>) {add = true}
        %dma_wait3A_221 = arith.constant 0 : i32
        %dma_wait3A_222 = arith.constant 0 : i32
        %dma_wait3A_223 = tpu.memref_slice %arg5[%run_scoped3A_199, %dma_wait3A_221, %dma_wait3A_222] : memref<2x512x32xf32, #tpu.memory_space<vmem>> -> memref<1x128x32xf32, #tpu.memory_space<vmem>>
        %dma_wait3A_224 = tpu.memref_squeeze %dma_wait3A_223 : memref<1x128x32xf32, #tpu.memory_space<vmem>> -> memref<128x32xf32, #tpu.memory_space<vmem>>
        %dma_wait3A_225 = arith.constant 0 : i32
        %dma_wait3A_226 = tpu.memref_slice %arg6[%run_scoped3A_200, %run_scoped3A_201, %dma_wait3A_225] : memref<2x4x128xi32, #tpu.memory_space<vmem>> -> memref<1x1x128xi32, #tpu.memory_space<vmem>>
        %dma_wait3A_227 = tpu.memref_squeeze %dma_wait3A_226 : memref<1x1x128xi32, #tpu.memory_space<vmem>> -> memref<128xi32, #tpu.memory_space<vmem>>
        %dma_wait3A_228 = arith.constant 0 : i32
        %dma_wait3A_229 = arith.constant 0 : i32
        %dma_wait3A_230 = tpu.memref_slice %arg8[%dma_wait3A_228, %dma_wait3A_229] : memref<40016x32xf32, #tpu.memory_space<vmem_shared>> -> memref<40016x32xf32, #tpu.memory_space<vmem_shared>>
        tpu.wait_indirect_dma semaphore(%run_scoped3A_211 : memref<!tpu.dma_semaphore, #tpu.memory_space<semaphore_mem>>) src(%dma_wait3A_224 : memref<128x32xf32, #tpu.memory_space<vmem>>) dst(%dma_wait3A_230 : memref<40016x32xf32, #tpu.memory_space<vmem_shared>>)
        tpu.yield
      }) : () -> ()
      %run_scoped3A_202 = arith.constant 1 : i32
      %run_scoped3A_203 = arith.constant 1 : i32
      %run_scoped3A_204 = arith.constant 1 : i32
      "tpu.region"() ({
        %run_scoped3A_211 = tpu.sem_alloc : memref<!tpu.dma_semaphore, #tpu.memory_space<semaphore_mem>>
        %dma_start3A = arith.constant 128 : i32
        %dma_start3A_212 = arith.constant 0 : i32
        %dma_start3A_213 = tpu.memref_slice %arg5[%run_scoped3A_202, %dma_start3A, %dma_start3A_212] : memref<2x512x32xf32, #tpu.memory_space<vmem>> -> memref<1x128x32xf32, #tpu.memory_space<vmem>>
        %dma_start3A_214 = tpu.memref_squeeze %dma_start3A_213 : memref<1x128x32xf32, #tpu.memory_space<vmem>> -> memref<128x32xf32, #tpu.memory_space<vmem>>
        %dma_start3A_215 = arith.constant 0 : i32
        %dma_start3A_216 = tpu.memref_slice %arg6[%run_scoped3A_203, %run_scoped3A_204, %dma_start3A_215] : memref<2x4x128xi32, #tpu.memory_space<vmem>> -> memref<1x1x128xi32, #tpu.memory_space<vmem>>
        %dma_start3A_217 = tpu.memref_squeeze %dma_start3A_216 : memref<1x1x128xi32, #tpu.memory_space<vmem>> -> memref<128xi32, #tpu.memory_space<vmem>>
        %dma_start3A_218 = arith.constant 0 : i32
        %dma_start3A_219 = arith.constant 0 : i32
        %dma_start3A_220 = tpu.memref_slice %arg8[%dma_start3A_218, %dma_start3A_219] : memref<40016x32xf32, #tpu.memory_space<vmem_shared>> -> memref<40016x32xf32, #tpu.memory_space<vmem_shared>>
        tpu.enqueue_indirect_dma source(%dma_start3A_214 : memref<128x32xf32, #tpu.memory_space<vmem>>) target(%dma_start3A_220 : memref<40016x32xf32, #tpu.memory_space<vmem_shared>>) offsets(%dma_start3A_217 : memref<128xi32, #tpu.memory_space<vmem>>) semaphore(%run_scoped3A_211 : memref<!tpu.dma_semaphore, #tpu.memory_space<semaphore_mem>>) {add = true}
        %dma_wait3A_221 = arith.constant 128 : i32
        %dma_wait3A_222 = arith.constant 0 : i32
        %dma_wait3A_223 = tpu.memref_slice %arg5[%run_scoped3A_202, %dma_wait3A_221, %dma_wait3A_222] : memref<2x512x32xf32, #tpu.memory_space<vmem>> -> memref<1x128x32xf32, #tpu.memory_space<vmem>>
        %dma_wait3A_224 = tpu.memref_squeeze %dma_wait3A_223 : memref<1x128x32xf32, #tpu.memory_space<vmem>> -> memref<128x32xf32, #tpu.memory_space<vmem>>
        %dma_wait3A_225 = arith.constant 0 : i32
        %dma_wait3A_226 = tpu.memref_slice %arg6[%run_scoped3A_203, %run_scoped3A_204, %dma_wait3A_225] : memref<2x4x128xi32, #tpu.memory_space<vmem>> -> memref<1x1x128xi32, #tpu.memory_space<vmem>>
        %dma_wait3A_227 = tpu.memref_squeeze %dma_wait3A_226 : memref<1x1x128xi32, #tpu.memory_space<vmem>> -> memref<128xi32, #tpu.memory_space<vmem>>
        %dma_wait3A_228 = arith.constant 0 : i32
        %dma_wait3A_229 = arith.constant 0 : i32
        %dma_wait3A_230 = tpu.memref_slice %arg8[%dma_wait3A_228, %dma_wait3A_229] : memref<40016x32xf32, #tpu.memory_space<vmem_shared>> -> memref<40016x32xf32, #tpu.memory_space<vmem_shared>>
        tpu.wait_indirect_dma semaphore(%run_scoped3A_211 : memref<!tpu.dma_semaphore, #tpu.memory_space<semaphore_mem>>) src(%dma_wait3A_224 : memref<128x32xf32, #tpu.memory_space<vmem>>) dst(%dma_wait3A_230 : memref<40016x32xf32, #tpu.memory_space<vmem_shared>>)
        tpu.yield
      }) : () -> ()
      %run_scoped3A_205 = arith.constant 1 : i32
      %run_scoped3A_206 = arith.constant 1 : i32
      %run_scoped3A_207 = arith.constant 2 : i32
      "tpu.region"() ({
        %run_scoped3A_211 = tpu.sem_alloc : memref<!tpu.dma_semaphore, #tpu.memory_space<semaphore_mem>>
        %dma_start3A = arith.constant 256 : i32
        %dma_start3A_212 = arith.constant 0 : i32
        %dma_start3A_213 = tpu.memref_slice %arg5[%run_scoped3A_205, %dma_start3A, %dma_start3A_212] : memref<2x512x32xf32, #tpu.memory_space<vmem>> -> memref<1x128x32xf32, #tpu.memory_space<vmem>>
        %dma_start3A_214 = tpu.memref_squeeze %dma_start3A_213 : memref<1x128x32xf32, #tpu.memory_space<vmem>> -> memref<128x32xf32, #tpu.memory_space<vmem>>
        %dma_start3A_215 = arith.constant 0 : i32
        %dma_start3A_216 = tpu.memref_slice %arg6[%run_scoped3A_206, %run_scoped3A_207, %dma_start3A_215] : memref<2x4x128xi32, #tpu.memory_space<vmem>> -> memref<1x1x128xi32, #tpu.memory_space<vmem>>
        %dma_start3A_217 = tpu.memref_squeeze %dma_start3A_216 : memref<1x1x128xi32, #tpu.memory_space<vmem>> -> memref<128xi32, #tpu.memory_space<vmem>>
        %dma_start3A_218 = arith.constant 0 : i32
        %dma_start3A_219 = arith.constant 0 : i32
        %dma_start3A_220 = tpu.memref_slice %arg8[%dma_start3A_218, %dma_start3A_219] : memref<40016x32xf32, #tpu.memory_space<vmem_shared>> -> memref<40016x32xf32, #tpu.memory_space<vmem_shared>>
        tpu.enqueue_indirect_dma source(%dma_start3A_214 : memref<128x32xf32, #tpu.memory_space<vmem>>) target(%dma_start3A_220 : memref<40016x32xf32, #tpu.memory_space<vmem_shared>>) offsets(%dma_start3A_217 : memref<128xi32, #tpu.memory_space<vmem>>) semaphore(%run_scoped3A_211 : memref<!tpu.dma_semaphore, #tpu.memory_space<semaphore_mem>>) {add = true}
        %dma_wait3A_221 = arith.constant 256 : i32
        %dma_wait3A_222 = arith.constant 0 : i32
        %dma_wait3A_223 = tpu.memref_slice %arg5[%run_scoped3A_205, %dma_wait3A_221, %dma_wait3A_222] : memref<2x512x32xf32, #tpu.memory_space<vmem>> -> memref<1x128x32xf32, #tpu.memory_space<vmem>>
        %dma_wait3A_224 = tpu.memref_squeeze %dma_wait3A_223 : memref<1x128x32xf32, #tpu.memory_space<vmem>> -> memref<128x32xf32, #tpu.memory_space<vmem>>
        %dma_wait3A_225 = arith.constant 0 : i32
        %dma_wait3A_226 = tpu.memref_slice %arg6[%run_scoped3A_206, %run_scoped3A_207, %dma_wait3A_225] : memref<2x4x128xi32, #tpu.memory_space<vmem>> -> memref<1x1x128xi32, #tpu.memory_space<vmem>>
        %dma_wait3A_227 = tpu.memref_squeeze %dma_wait3A_226 : memref<1x1x128xi32, #tpu.memory_space<vmem>> -> memref<128xi32, #tpu.memory_space<vmem>>
        %dma_wait3A_228 = arith.constant 0 : i32
        %dma_wait3A_229 = arith.constant 0 : i32
        %dma_wait3A_230 = tpu.memref_slice %arg8[%dma_wait3A_228, %dma_wait3A_229] : memref<40016x32xf32, #tpu.memory_space<vmem_shared>> -> memref<40016x32xf32, #tpu.memory_space<vmem_shared>>
        tpu.wait_indirect_dma semaphore(%run_scoped3A_211 : memref<!tpu.dma_semaphore, #tpu.memory_space<semaphore_mem>>) src(%dma_wait3A_224 : memref<128x32xf32, #tpu.memory_space<vmem>>) dst(%dma_wait3A_230 : memref<40016x32xf32, #tpu.memory_space<vmem_shared>>)
        tpu.yield
      }) : () -> ()
      %run_scoped3A_208 = arith.constant 1 : i32
      %run_scoped3A_209 = arith.constant 1 : i32
      %run_scoped3A_210 = arith.constant 3 : i32
      "tpu.region"() ({
        %run_scoped3A_211 = tpu.sem_alloc : memref<!tpu.dma_semaphore, #tpu.memory_space<semaphore_mem>>
        %dma_start3A = arith.constant 384 : i32
        %dma_start3A_212 = arith.constant 0 : i32
        %dma_start3A_213 = tpu.memref_slice %arg5[%run_scoped3A_208, %dma_start3A, %dma_start3A_212] : memref<2x512x32xf32, #tpu.memory_space<vmem>> -> memref<1x128x32xf32, #tpu.memory_space<vmem>>
        %dma_start3A_214 = tpu.memref_squeeze %dma_start3A_213 : memref<1x128x32xf32, #tpu.memory_space<vmem>> -> memref<128x32xf32, #tpu.memory_space<vmem>>
        %dma_start3A_215 = arith.constant 0 : i32
        %dma_start3A_216 = tpu.memref_slice %arg6[%run_scoped3A_209, %run_scoped3A_210, %dma_start3A_215] : memref<2x4x128xi32, #tpu.memory_space<vmem>> -> memref<1x1x128xi32, #tpu.memory_space<vmem>>
        %dma_start3A_217 = tpu.memref_squeeze %dma_start3A_216 : memref<1x1x128xi32, #tpu.memory_space<vmem>> -> memref<128xi32, #tpu.memory_space<vmem>>
        %dma_start3A_218 = arith.constant 0 : i32
        %dma_start3A_219 = arith.constant 0 : i32
        %dma_start3A_220 = tpu.memref_slice %arg8[%dma_start3A_218, %dma_start3A_219] : memref<40016x32xf32, #tpu.memory_space<vmem_shared>> -> memref<40016x32xf32, #tpu.memory_space<vmem_shared>>
        tpu.enqueue_indirect_dma source(%dma_start3A_214 : memref<128x32xf32, #tpu.memory_space<vmem>>) target(%dma_start3A_220 : memref<40016x32xf32, #tpu.memory_space<vmem_shared>>) offsets(%dma_start3A_217 : memref<128xi32, #tpu.memory_space<vmem>>) semaphore(%run_scoped3A_211 : memref<!tpu.dma_semaphore, #tpu.memory_space<semaphore_mem>>) {add = true}
        %dma_wait3A_221 = arith.constant 384 : i32
        %dma_wait3A_222 = arith.constant 0 : i32
        %dma_wait3A_223 = tpu.memref_slice %arg5[%run_scoped3A_208, %dma_wait3A_221, %dma_wait3A_222] : memref<2x512x32xf32, #tpu.memory_space<vmem>> -> memref<1x128x32xf32, #tpu.memory_space<vmem>>
        %dma_wait3A_224 = tpu.memref_squeeze %dma_wait3A_223 : memref<1x128x32xf32, #tpu.memory_space<vmem>> -> memref<128x32xf32, #tpu.memory_space<vmem>>
        %dma_wait3A_225 = arith.constant 0 : i32
        %dma_wait3A_226 = tpu.memref_slice %arg6[%run_scoped3A_209, %run_scoped3A_210, %dma_wait3A_225] : memref<2x4x128xi32, #tpu.memory_space<vmem>> -> memref<1x1x128xi32, #tpu.memory_space<vmem>>
        %dma_wait3A_227 = tpu.memref_squeeze %dma_wait3A_226 : memref<1x1x128xi32, #tpu.memory_space<vmem>> -> memref<128xi32, #tpu.memory_space<vmem>>
        %dma_wait3A_228 = arith.constant 0 : i32
        %dma_wait3A_229 = arith.constant 0 : i32
        %dma_wait3A_230 = tpu.memref_slice %arg8[%dma_wait3A_228, %dma_wait3A_229] : memref<40016x32xf32, #tpu.memory_space<vmem_shared>> -> memref<40016x32xf32, #tpu.memory_space<vmem_shared>>
        tpu.wait_indirect_dma semaphore(%run_scoped3A_211 : memref<!tpu.dma_semaphore, #tpu.memory_space<semaphore_mem>>) src(%dma_wait3A_224 : memref<128x32xf32, #tpu.memory_space<vmem>>) dst(%dma_wait3A_230 : memref<40016x32xf32, #tpu.memory_space<vmem_shared>>)
        tpu.yield
      }) : () -> ()
    } else {
    }
    %barrier3A_163 = arith.constant 0 : index
    tpu.barrier barrier_id(%barrier3A_163)
    %mul3A_164 = arith.constant 2500 : i32
    %mul3A_165 = arith.muli %arg1, %mul3A_164 : i32
    %run_scoped3A_166 = arith.constant 1 : i32
    "tpu.region"() ({
      %run_scoped3A_168 = tpu.sem_alloc : memref<!tpu.dma_semaphore, #tpu.memory_space<semaphore_mem>>
      %dma_start3A = tpu.memref_slice %arg4[%run_scoped3A_166, %mul3A_165, %mul3A_0] : memref<2x40000x64xf32, #tpu.memory_space<hbm>> -> memref<1x2500x32xf32, #tpu.memory_space<hbm>>
      %dma_start3A_169 = tpu.memref_squeeze %dma_start3A : memref<1x2500x32xf32, #tpu.memory_space<hbm>> -> memref<2500x32xf32, #tpu.memory_space<hbm>>
      %dma_start3A_170 = arith.constant 0 : i32
      %dma_start3A_171 = tpu.memref_slice %arg8[%mul3A_165, %dma_start3A_170] : memref<40016x32xf32, #tpu.memory_space<vmem_shared>> -> memref<2500x32xf32, #tpu.memory_space<vmem_shared>>
      tpu.enqueue_dma source(%dma_start3A_171 : memref<2500x32xf32, #tpu.memory_space<vmem_shared>>) target(%dma_start3A_169 : memref<2500x32xf32, #tpu.memory_space<hbm>>) target_semaphore(%run_scoped3A_168 : memref<!tpu.dma_semaphore, #tpu.memory_space<semaphore_mem>>)
      %dma_wait3A = tpu.memref_slice %arg4[%run_scoped3A_166, %mul3A_165, %mul3A_0] : memref<2x40000x64xf32, #tpu.memory_space<hbm>> -> memref<1x2500x32xf32, #tpu.memory_space<hbm>>
      %dma_wait3A_172 = tpu.memref_squeeze %dma_wait3A : memref<1x2500x32xf32, #tpu.memory_space<hbm>> -> memref<2500x32xf32, #tpu.memory_space<hbm>>
      %dma_wait3A_173 = arith.constant 0 : i32
      %dma_wait3A_174 = tpu.memref_slice %arg8[%mul3A_165, %dma_wait3A_173] : memref<40016x32xf32, #tpu.memory_space<vmem_shared>> -> memref<2500x32xf32, #tpu.memory_space<vmem_shared>>
      tpu.wait_dma2 semaphore(%run_scoped3A_168 : memref<!tpu.dma_semaphore, #tpu.memory_space<semaphore_mem>>) src(%dma_wait3A_174 : memref<2500x32xf32, #tpu.memory_space<vmem_shared>>) dst(%dma_wait3A_172 : memref<2500x32xf32, #tpu.memory_space<hbm>>)
      tpu.yield
    }) : () -> ()
    %barrier3A_167 = arith.constant 0 : index
    tpu.barrier barrier_id(%barrier3A_167)
    return
  }
}

module attributes {stable_mosaic.version = 14 : i64} {
  func.func @body(%arg0: i32, %arg1: memref<42x3x48x60xf32, #tpu.memory_space<vmem>>, %arg2: memref<42x60x48xi32, #tpu.memory_space<vmem>>) attributes {dimension_semantics = [#tpu.dimension_semantics<arbitrary>], iteration_bounds = array<i64: 8>, scalar_prefetch = 0 : i64, scratch_operands = 0 : i64, tpu.core_type = #tpu.core_type<tc>, window_params = [{transform_indices = @transform_0, window_bounds = array<i64: 42, 3, 48, 60>}, {transform_indices = @transform_1, window_bounds = array<i64: 42, 60, 48>}]} {
    %get3A = arith.constant 0 : index
    %get3A_0 = arith.constant 0 : index
    %get3A_1 = arith.constant 0 : index
    %get3A_2 = arith.constant 0 : index
    %get3A_3 = vector.load %arg1[%get3A, %get3A_0, %get3A_1, %get3A_2] : memref<42x3x48x60xf32, #tpu.memory_space<vmem>>, vector<42x3x48x60xf32>
    %slice3A = vector.extract_strided_slice %get3A_3 {offsets = [0, 0, 0, 0], sizes = [42, 1, 48, 60], strides = [1, 1, 1, 1]} : vector<42x3x48x60xf32> to vector<42x1x48x60xf32>
    %squeeze3A = vector.shape_cast %slice3A : vector<42x1x48x60xf32> to vector<42x48x60xf32>
    %slice3A_4 = vector.extract_strided_slice %get3A_3 {offsets = [0, 1, 0, 0], sizes = [42, 1, 48, 60], strides = [1, 1, 1, 1]} : vector<42x3x48x60xf32> to vector<42x1x48x60xf32>
    %squeeze3A_5 = vector.shape_cast %slice3A_4 : vector<42x1x48x60xf32> to vector<42x48x60xf32>
    %slice3A_6 = vector.extract_strided_slice %get3A_3 {offsets = [0, 2, 0, 0], sizes = [42, 1, 48, 60], strides = [1, 1, 1, 1]} : vector<42x3x48x60xf32> to vector<42x1x48x60xf32>
    %squeeze3A_7 = vector.shape_cast %slice3A_6 : vector<42x1x48x60xf32> to vector<42x48x60xf32>
    %add3A = arith.constant 5.000000e+01 : f32
    %add3A_8 = vector.broadcast %add3A : f32 to vector<42x48x60xf32>
    %add3A_9 = arith.addf %squeeze3A, %add3A_8 : vector<42x48x60xf32>
    %div3A = arith.constant 5.000000e-01 : f32
    %div3A_10 = vector.broadcast %div3A : f32 to vector<42x48x60xf32>
    %div3A_11 = arith.divf %add3A_9, %div3A_10 : vector<42x48x60xf32>
    %convert_element_type3A = arith.fptosi %div3A_11 : vector<42x48x60xf32> to vector<42x48x60xi32>
    %add3A_12 = arith.constant 5.000000e+01 : f32
    %add3A_13 = vector.broadcast %add3A_12 : f32 to vector<42x48x60xf32>
    %add3A_14 = arith.addf %squeeze3A_5, %add3A_13 : vector<42x48x60xf32>
    %div3A_15 = arith.constant 5.000000e-01 : f32
    %div3A_16 = vector.broadcast %div3A_15 : f32 to vector<42x48x60xf32>
    %div3A_17 = arith.divf %add3A_14, %div3A_16 : vector<42x48x60xf32>
    %convert_element_type3A_18 = arith.fptosi %div3A_17 : vector<42x48x60xf32> to vector<42x48x60xi32>
    %add3A_19 = arith.constant 1.000000e+01 : f32
    %add3A_20 = vector.broadcast %add3A_19 : f32 to vector<42x48x60xf32>
    %add3A_21 = arith.addf %squeeze3A_7, %add3A_20 : vector<42x48x60xf32>
    %div3A_22 = arith.constant 2.000000e+01 : f32
    %div3A_23 = vector.broadcast %div3A_22 : f32 to vector<42x48x60xf32>
    %div3A_24 = arith.divf %add3A_21, %div3A_23 : vector<42x48x60xf32>
    %convert_element_type3A_25 = arith.fptosi %div3A_24 : vector<42x48x60xf32> to vector<42x48x60xi32>
    %ge3A = arith.constant 0 : i32
    %ge3A_26 = vector.broadcast %ge3A : i32 to vector<42x48x60xi32>
    %ge3A_27 = arith.cmpi sge, %convert_element_type3A, %ge3A_26 : vector<42x48x60xi32>
    %lt3A = arith.constant 200 : i32
    %lt3A_28 = vector.broadcast %lt3A : i32 to vector<42x48x60xi32>
    %lt3A_29 = arith.cmpi slt, %convert_element_type3A, %lt3A_28 : vector<42x48x60xi32>
    %and3A = arith.andi %ge3A_27, %lt3A_29 : vector<42x48x60xi1>
    %ge3A_30 = arith.constant 0 : i32
    %ge3A_31 = vector.broadcast %ge3A_30 : i32 to vector<42x48x60xi32>
    %ge3A_32 = arith.cmpi sge, %convert_element_type3A_18, %ge3A_31 : vector<42x48x60xi32>
    %and3A_33 = arith.andi %and3A, %ge3A_32 : vector<42x48x60xi1>
    %lt3A_34 = arith.constant 200 : i32
    %lt3A_35 = vector.broadcast %lt3A_34 : i32 to vector<42x48x60xi32>
    %lt3A_36 = arith.cmpi slt, %convert_element_type3A_18, %lt3A_35 : vector<42x48x60xi32>
    %and3A_37 = arith.andi %and3A_33, %lt3A_36 : vector<42x48x60xi1>
    %ge3A_38 = arith.constant 0 : i32
    %ge3A_39 = vector.broadcast %ge3A_38 : i32 to vector<42x48x60xi32>
    %ge3A_40 = arith.cmpi sge, %convert_element_type3A_25, %ge3A_39 : vector<42x48x60xi32>
    %and3A_41 = arith.andi %and3A_37, %ge3A_40 : vector<42x48x60xi1>
    %lt3A_42 = arith.constant 1 : i32
    %lt3A_43 = vector.broadcast %lt3A_42 : i32 to vector<42x48x60xi32>
    %lt3A_44 = arith.cmpi slt, %convert_element_type3A_25, %lt3A_43 : vector<42x48x60xi32>
    %and3A_45 = arith.andi %and3A_41, %lt3A_44 : vector<42x48x60xi1>
    %iota3A = tpu.iota {dimensions = array<i32: 2>} : vector<42x48x60xi32>
    %and3A_46 = arith.constant 15 : i32
    %and3A_47 = vector.broadcast %and3A_46 : i32 to vector<42x48x60xi32>
    %and3A_48 = arith.andi %iota3A, %and3A_47 : vector<42x48x60xi32>
    %add3A_49 = arith.constant 40000 : i32
    %add3A_50 = vector.broadcast %add3A_49 : i32 to vector<42x48x60xi32>
    %add3A_51 = arith.addi %add3A_50, %and3A_48 : vector<42x48x60xi32>
    %mul3A = arith.constant 200 : i32
    %mul3A_52 = vector.broadcast %mul3A : i32 to vector<42x48x60xi32>
    %mul3A_53 = arith.muli %convert_element_type3A, %mul3A_52 : vector<42x48x60xi32>
    %add3A_54 = arith.addi %mul3A_53, %convert_element_type3A_18 : vector<42x48x60xi32>
    %select_n3A = arith.select %and3A_45, %add3A_54, %add3A_51 : vector<42x48x60xi1>, vector<42x48x60xi32>
    %transpose3A = tpu.transpose %select_n3A, [0, 2, 1] : vector<42x48x60xi32> -> vector<42x60x48xi32>
    %swap3A = arith.constant 0 : index
    %swap3A_55 = arith.constant 0 : index
    %swap3A_56 = arith.constant 0 : index
    %swap3A_57 = vector.load %arg2[%swap3A, %swap3A_55, %swap3A_56] : memref<42x60x48xi32, #tpu.memory_space<vmem>>, vector<42x60x48xi32>
    tpu.vector_store %arg2[%swap3A, %swap3A_55, %swap3A_56], %transpose3A {strides = array<i32>} : memref<42x60x48xi32, #tpu.memory_space<vmem>>, vector<42x60x48xi32>,
    return
  }
  func.func @transform_0(%arg0: i32) -> (i32, i32, i32, i32) {
    %c0_i32 = arith.constant 0 : i32
    %c0_i32_0 = arith.constant 0 : i32
    %c0_i32_1 = arith.constant 0 : i32
    %c0_i32_2 = arith.constant 0 : i32
    return %arg0, %c0_i32, %c0_i32_0, %c0_i32_1 : i32, i32, i32, i32
  }
  func.func @transform_1(%arg0: i32) -> (i32, i32, i32) {
    %c0_i32 = arith.constant 0 : i32
    %c0_i32_0 = arith.constant 0 : i32
    %c0_i32_1 = arith.constant 0 : i32
    return %arg0, %c0_i32, %c0_i32_0 : i32, i32, i32
  }
}

module attributes {stable_mosaic.version = 14 : i64} {
  func.func @body(%arg0: i32, %arg1: memref<1x40000x64xf32, #tpu.memory_space<vmem>>, %arg2: memref<1x64x40000xf32, #tpu.memory_space<vmem>>) attributes {dimension_semantics = [#tpu.dimension_semantics<arbitrary>], iteration_bounds = array<i64: 2>, scalar_prefetch = 0 : i64, scratch_operands = 0 : i64, tpu.core_type = #tpu.core_type<tc>, window_params = [{transform_indices = @transform_0, window_bounds = array<i64: 1, 40000, 64>}, {transform_indices = @transform_1, window_bounds = array<i64: 1, 64, 40000>}]} {
    %get3A = arith.constant 0 : index
    %get3A_0 = arith.constant 0 : index
    %get3A_1 = arith.constant 0 : index
    %get3A_2 = vector.load %arg1[%get3A, %get3A_0, %get3A_1] : memref<1x40000x64xf32, #tpu.memory_space<vmem>>, vector<1x40000x64xf32>
    %get3A_3 = vector.shape_cast %get3A_2 : vector<1x40000x64xf32> to vector<40000x64xf32>
    %transpose3A = tpu.transpose %get3A_3, [1, 0] : vector<40000x64xf32> -> vector<64x40000xf32>
    %swap3A = arith.constant 0 : index
    %swap3A_4 = arith.constant 0 : index
    %swap3A_5 = arith.constant 0 : index
    %swap3A_6 = vector.load %arg2[%swap3A, %swap3A_4, %swap3A_5] : memref<1x64x40000xf32, #tpu.memory_space<vmem>>, vector<1x64x40000xf32>
    %swap3A_7 = vector.shape_cast %swap3A_6 : vector<1x64x40000xf32> to vector<64x40000xf32>
    %swap3A_8 = vector.shape_cast %transpose3A : vector<64x40000xf32> to vector<1x64x40000xf32>
    tpu.vector_store %arg2[%swap3A, %swap3A_4, %swap3A_5], %swap3A_8 {strides = array<i32>} : memref<1x64x40000xf32, #tpu.memory_space<vmem>>, vector<1x64x40000xf32>,
    return
  }
  func.func @transform_0(%arg0: i32) -> (i32, i32, i32) {
    %c0_i32 = arith.constant 0 : i32
    %c0_i32_0 = arith.constant 0 : i32
    %c0_i32_1 = arith.constant 0 : i32
    return %arg0, %c0_i32, %c0_i32_0 : i32, i32, i32
  }
  func.func @transform_1(%arg0: i32) -> (i32, i32, i32) {
    %c0_i32 = arith.constant 0 : i32
    %c0_i32_0 = arith.constant 0 : i32
    %c0_i32_1 = arith.constant 0 : i32
    return %arg0, %c0_i32, %c0_i32_0 : i32, i32, i32
  }
}

</mosaic_0001>

<sc_bundles>
// kernel: kernel.5.cloned.1.call-start
scs
__scs_entry_jumppad:
0x0: {  	(pc) =	sbr.rel $0x88, $3  }
0x1: {  	(tag) =	ssettag $0x0;
	lr =	simm.s32 $0x1  }
0x2: {  	[smem:$0x3F9F] =	sst lr;
	_ =	strace $0xD0000000  }
0x3: {  	_ = 	snop  }
0x4: {  	_ = 	snop  }
0x5: {  	_ = 	snop  }
0x6: {  	_ = 	snop  }
0x7: {  	_ = 	snop  }
__scs_overlays_trampoline_lowered:
0x8: {  	[smem:$0x3FAE] =	sst s0  }
0x9: {  	[smem:$0x3FAF] =	sst s1  }
0xa: {  	[smem:$0x3FB0] =	sst s2  }
0xb: {  	[smem:$0x3FB1] =	sst s3  }
0xc: {  	[smem:$0x3FB2] =	sst s4  }
0xd: {  	[smem:$0x3FB3] =	sst s5  }
0xe: {  	[smem:$0x3FB4] =	sst s6  }
0xf: {  	[smem:$0x3FB5] =	sst s7  }
0x10: {  	[smem:$0x3FB6] =	sst s8  }
0x11: {  	[smem:$0x3FB7] =	sst s9;
	s0 =	simm.s32 @!p0 $0x0  }
0x12: {  	s1 =	sld [smem:$0x3F9D];
	s0 =	simm.s32 @p0 $0x1  }
0x13: {  	[smem:$0x3FB8] =	sst s0;
	s0 =	simm.s32 @!p1 $0x0  }
0x14: {  	s2 =	sld [smem:$0x3F9C];
	s0 =	simm.s32 @p1 $0x1  }
0x15: {  	[smem:$0x3FB9] =	sst s0;
	s0 =	simm.s32 @!p2 $0x0  }
0x16: {  	s3 =	sld [smem:$0x3FDB];
	s0 =	simm.s32 @p2 $0x1  }
0x17: {  	s4 =	simm.s32 $0x1BF5;
	[smem:$0x3FBB] =	sst s0  }
0x18: {  	s0 =	sld [smem:$0x3F9E];
	_ =	swait.ge [sflag:s4], $0x0  }
0x19: {  	s7 =	sld [smem:$0x3F9F]  }
0x1a: {  	s8 =	sadd.s32 $0xFFFFE003, lr  }
0x1b: {  	s9 =	sadd.s32 $0xFFFFFEF7, lr;
	s5 =	simm.s32 $0xFFFFFFFF;
	p2 =	slt.u32 s8, $0xFFFFF086  }
0x1c: {  	p1 =	slt.u32 s9, $0xF7A;
	s5 =	simm.s32 @!p2 $0x0  }
0x1d: {  	s5 =	simm.s32 @p1 $0x1;
	p0 =	seq.s32 s7, s2  }
0x1e: {  	s7 =	smul.u32 @!p0 $0xF7A, s2;
	p2 =	seq.s32 @!p0 s5, $0x0  }
0x1f: {  	s9 =	smul.u32 $0xF7A, s1;
	s8 =	simm.s32 @!p0 $0x1BF5;
	p2 =	por !p2, p0  }
0x20: {  	[sflag:s8] =	ssyncset.s32 @!p0 $0xFFFFF086;
	s6 =	sadd.s32 @!p0 s3, s7;
	s7 =	simm.s32 @!p0 $0x108  }
0x21: {  	s3 =	sadd.s32 s3, s9;
	s6 =	sadd.s32 @!p0 $0x88, s6;
	s7 =	simm.s32 @p2 $0x1082  }
0x22: {  	[simem:s7], [sflag:s8] =	dma.local @!p0 [hbm:s6], $0xF7A  }
0x23: {  	s9 =	sor.u32 $0xD0000000, s2;
	s6 =	simm.s32 $0x108;
	_ =	swait.ge @!p0 [sflag:s8], $0x0  }
0x24: {  	s3 =	sadd.s32 $0x88, s3;
	s6 =	simm.s32 @!p1 $0x1082;
	[sflag:s4] =	ssyncset.s32 $0xFFFFF086  }
0x25: {  	[simem:s6], [sflag:s4] =	dma.local [hbm:s3], $0xF7A  }
0x26: {  	[smem:$0x3F9F] =	sst s1;
	(tag) =	ssettag s2;
	_ =	strace s9  }
0x27: {  	s1 =	sld [smem:$0x3FAF]  }
0x28: {  	s2 =	sld [smem:$0x3FB0]  }
0x29: {  	s4 =	sld [smem:$0x3FB2]  }
0x2a: {  	p0 =	seq.s32 s5, $0x0;
	s5 =	sld [smem:$0x3FB3]  }
0x2b: {  	s6 =	sld [smem:$0x3FB4]  }
0x2c: {  	s7 =	sld [smem:$0x3FB5]  }
0x2d: {  	s3 =	simm.s32 $0x108;
	s8 =	sld [smem:$0x3FB6]  }
0x2e: {  	s3 =	simm.s32 @!p0 $0x1082;
	s9 =	sld [smem:$0x3FB7]  }
0x2f: {  	lr =	sadd.s32 s0, s3;
	s0 =	sld [smem:$0x3FAE]  }
0x30: {  	s3 =	sld [smem:$0x3FB1]  }
0x31: {  	[smem:$0x3FBA] =	sst s10  }
0x32: {  	s10 =	sld [smem:$0x3FB8];
	_ =	sdelay $0x3  }
0x33: {  	p0 =	seq.s32 s10, $0x1;
	s10 =	sld [smem:$0x3FBA];
	_ =	sdelay $0x3  }
0x34: {  	[smem:$0x3FBA] =	sst s10  }
0x35: {  	s10 =	sld [smem:$0x3FB9];
	_ =	sdelay $0x3  }
0x36: {  	p1 =	seq.s32 s10, $0x1;
	s10 =	sld [smem:$0x3FBA];
	_ =	sdelay $0x3  }
0x37: {  	[smem:$0x3FBA] =	sst s10  }
0x38: {  	s10 =	sld [smem:$0x3FBB]  }
0x39: {  	_ = 	snop;
	(pc) =	sbr.ind lr, $3  }
0x3a: {  	_ = 	snop  }
0x3b: {  	_ = 	snop  }
0x3c: {  	p2 =	seq.s32 s10, $0x1;
	s10 =	sld [smem:$0x3FBA]  }
0x3d: {  	_ =	shalt  }
0x3e: {  	_ =	shalt  }
0x3f: {  	_ =	shalt  }
0x40: {  	_ =	shalt  }
0x41: {  	_ =	shalt  }
0x42: {  	_ =	shalt  }
0x43: {  	_ =	shalt  }
0x44: {  	_ =	shalt  }
0x45: {  	_ =	shalt  }
0x46: {  	_ =	shalt  }
0x47: {  	_ =	shalt  }
0x48: {  	_ =	shalt  }
0x49: {  	_ =	shalt  }
0x4a: {  	_ =	shalt  }
0x4b: {  	_ =	shalt  }
0x4c: {  	_ =	shalt  }
0x4d: {  	_ =	shalt  }
0x4e: {  	_ =	shalt  }
0x4f: {  	_ =	shalt  }
0x50: {  	_ =	shalt  }
0x51: {  	_ =	shalt  }
0x52: {  	_ =	shalt  }
0x53: {  	_ =	shalt  }
0x54: {  	_ =	shalt  }
0x55: {  	_ =	shalt  }
0x56: {  	_ =	shalt  }
0x57: {  	_ =	shalt  }
0x58: {  	_ =	shalt  }
0x59: {  	_ =	shalt  }
0x5a: {  	_ =	shalt  }
0x5b: {  	_ =	shalt  }
0x5c: {  	_ =	shalt  }
0x5d: {  	_ =	shalt  }
0x5e: {  	_ =	shalt  }
0x5f: {  	_ =	shalt  }
0x60: {  	_ =	shalt  }
0x61: {  	_ =	shalt  }
0x62: {  	_ =	shalt  }
0x63: {  	_ =	shalt  }
0x64: {  	_ =	shalt  }
0x65: {  	_ =	shalt  }
0x66: {  	_ =	shalt  }
0x67: {  	_ =	shalt  }
0x68: {  	_ =	shalt  }
0x69: {  	_ =	shalt  }
0x6a: {  	_ =	shalt  }
0x6b: {  	_ =	shalt  }
0x6c: {  	_ =	shalt  }
0x6d: {  	_ =	shalt  }
0x6e: {  	_ =	shalt  }
0x6f: {  	_ =	shalt  }
0x70: {  	_ =	shalt  }
0x71: {  	_ =	shalt  }
0x72: {  	_ =	shalt  }
0x73: {  	_ =	shalt  }
0x74: {  	_ =	shalt  }
0x75: {  	_ =	shalt  }
0x76: {  	_ =	shalt  }
0x77: {  	_ =	shalt  }
0x78: {  	_ =	shalt  }
0x79: {  	_ =	shalt  }
0x7a: {  	_ =	shalt  }
0x7b: {  	_ =	shalt  }
0x7c: {  	_ =	shalt  }
0x7d: {  	_ =	shalt  }
0x7e: {  	_ =	shalt  }
0x7f: {  	_ =	shalt  }
0x80: {  	_ =	shalt  }
0x81: {  	_ =	shalt  }
0x82: {  	_ =	shalt  }
0x83: {  	_ =	shalt  }
0x84: {  	_ =	shalt  }
0x85: {  	_ =	shalt  }
0x86: {  	_ =	shalt  }
0x87: {  	_ =	shalt  }
.Lfunc_end0:
.L_simem_size_0:
called_computation_lowered:
.L_overlay_start_0:
0x88: {  	s2 =	sld [smem:$0x3FD9]  }
0x89: {  	s3 =	sld [smem:$0x3FFE];
	_ =	sdelay $0x1  }
0x8a: {  	s1 =	srdreg.scid  }
0x8b: {  	s0 =	sand.u32 $0x1, s1  }
0x8c: {  	s17 =	sshll.u32 s0, $0xA;
	s2 =	sadd.s32 s3, s2  }
0x8d: {  	s2 =	sadd.s32 s2, s17  }
0x8e: {  	[smem:$0x3FC6] =	sst s2  }
0x8f: {  	_ = 	snop  }
0x90: {  	s2 =	sld [smem:$0x3FD0];
	(tm) =	ssettm $0x1  }
0x91: {  	s18 =	sld [smem:$0x3FFB];
	_ =	sdelay $0x3  }
0x92: {  	_ =	strace s18  }
0x93: {  	s3 =	sld [smem:$0x3FFC];
	_ =	sdelay $0x3  }
0x94: {  	_ =	strace s3  }
0x95: {  	s3 =	sld [smem:$0x3FFD];
	_ =	sdelay $0x3  }
0x96: {  	_ =	strace s3  }
0x97: {  	_ =	strace $0x8FFFFFFF  }
0x98: {  	s19 =	sld [smem:$0x3FDB];
	_ =	sdelay $0x1  }
0x99: {  	s4 =	simm.s32 $_scs_section_size  }
0x9a: {  	s5 =	simm.s32 $_size__tile_overlayer_lowered;
	s6 =	simm.s32 $_tile_overlayer_lowered  }
0x9b: {  	s22 =	simm.s32 $0x1BFF;
	s21 =	sshll.u32 s6, $0x1;
	s3 =	sadd.s32 s4, s19  }
0x9c: {  	s7 =	simm.s32 $0x0;
	s20 =	sshll.u32 s5, $0x1;
	s5 =	sadd.s32 s21, s3  }
0x9d: {  	[timem:s7], [sflag:s22] =	dma.local [hbm:s5], s20  }
0x9e: {  	_ =	swait.ge [sflag:s22], s20  }
0x9f: {  	s4 =	ssub.s32 $0x0, s20;
	[sflag:s22] =	ssyncset.done $0x0  }
0xa0: {  	[sflag:s22] =	ssyncadd.s32 s4;
	_ =	sdelay $0x1  }
0xa1: {  	s23 =	simm.s32 $0x1B8B  }
0xa2: {  	_ =	swait.ge [sflag:s23], $0x1  }
0xa3: {  	[sflag:s23] =	ssyncset.done $0x0  }
0xa4: {  	s25 =	simm.s32 $0x1B8E;
	s24 =	sld [smem:$0x3FFE];
	[sflag:s23] =	ssyncadd.s32 $0xFFFFFFFF  }
0xa5: {  	s26 =	simm.s32 $execute0_lowered;
	[smem:$0x3FD2] =	sst s25  }
0xa6: {  	s5 =	sshll.u32 s26, $0x1;
	_ =	strace $0x80000046;
	[dreg:$0x1] =	wrdreg $0xFFFFFFFF  }
0xa7: {  	s28 =	simm.s32 $_size_execute0_lowered;
	s3 =	sadd.s32 s3, s5;
	[dreg:$0x0] =	wrdreg $0x0  }
0xa8: {  	s5 =	sshll.u32 s28, $0x1;
	[dreg:$0x2] =	wrdreg s3  }
0xa9: {  	[dreg:$0x3] =	wrdreg s5  }
0xaa: {  	[dreg:$0x4] =	wrdreg $0xC0  }
0xab: {  	_ =	task [dreg:s7], $0x5FFFF  }
0xac: {  	[dreg:$0x1] =	wrdreg $0xFFFFFFFF  }
0xad: {  	[dreg:$0x0] =	wrdreg $0x60  }
0xae: {  	[dreg:$0x2] =	wrdreg s24  }
0xaf: {  	[dreg:$0x3] =	wrdreg s2  }
0xb0: {  	[dreg:$0x4] =	wrdreg $0xC4000  }
0xb1: {  	[dreg:$0x5] =	wrdreg $0x9  }
0xb2: {  	_ =	task.clear_ibuf [dreg:s7], $0x6FFFF;
	_ =	strace $0x90000046  }
0xb3: {  	s29 =	simm.s32 $0x9;
	_ =	strace $0x80000048  }
0xb4: {  	_ =	swait.ge [sflag:s29], $0x1  }
0xb5: {  	[sflag:s29] =	ssyncadd.s32 $0xFFFFFFFF  }
0xb6: {  	_ =	strace $0x90000048  }
0xb7: {  	_ =	sfence  }
0xb8: {  	s30 =	sld [smem:$0x0];
	_ =	sdelay $0x2  }
0xb9: {  	s31 =	sshll.u32 s1, $0xD;
	s1 =	sshrl.u32 s1, $0x2  }
0xba: {  	s3 =	sand.u32 $0x4000, s31;
	s1 =	sadd.s32 s1, s30  }
0xbb: {  	s0 =	sor.u32 s3, s0;
	s1 =	sshll.u32 s1, $0x11  }
0xbc: {  	s0 =	sor.u32 s1, s0  }
0xbd: {  	s0 =	sadd.s32 $0x8F2B, s0  }
0xbe: {  	[sflag:s0] =	ssyncadd.remote.s32 $0x1  }
0xbf: {  	_ =	sfence.sel $0xFFFF  }
0xc0: {  	[dreg:$0x0] =	wrdreg $0xFFFFFFFF;
	(pc) =	sbr.abs _section_cstart, $3  }
0xc1: {  	[dreg:$0x1] =	wrdreg $0xFFFFFFFF  }
0xc2: {  	_ =	task.clear_ibuf [dreg:s7], $0x2FFFF;
	_ =	strace $0x9FFFFFFF  }
0xc3: {  	(tm) =	ssettm $0x7FFFFFFF  }
tec
execute0_lowered:
.L_overlay_start_1:
0x0: {  	(tag) =	ssettag $0x1  }
0x1: {  	s0 =	rddreg [dreg:$0x0]  }
0x2: {  	s4 =	rddreg [dreg:$0x1]  }
0x3: {  	s1 =	rddreg [dreg:$0x2];
	s2 =	simm.s32 $0x0;
	s5 =	stileid.u32  }
0x4: {  	s3 =	srdreg.scid;
	s28 =	simm.s32 $0x20;
	s29 =	simm.s32 $0x40  }
0x5: {  	s30 =	simm.s32 $0x8000;
	s31 =	simm.s32 $0x4000;
	[smem:$0x7FF] =	sst s2  }
0x6: {  	s6 =	sand.u32 $0x1, s3;
	s7 =	smul.u32 $0x4E280, s5;
	s3 =	sadd.s32 $0x1DE00, s0  }
0x7: {  	s9 =	sshll.u32 s5, $0x6;
	s21 =	sshll.u32 s5, $0xF;
	s12 =	smul.u32 $0x27100, s5  }
0x8: {  	s24 =	smul.u32 $0x4E200, s5;
	s26 =	sadd.s32 $0xF000, s0;
	p0 =	sne.s32 s5, $0x0  }
0x9: {  	s5 =	simm.s32 $0x0;
	_ =	strace $0x80000047;
	[dreg:$0x8] =	wrdreg s9  }
0xa: {  	s8 =	ssub.s32 $0x2, s6;
	s9 =	sadd.s32 s9, s0;
	[dreg:$0x11] =	wrdreg s26  }
0xb: {  	s19 =	sshll.u32 s6, $0x5;
	s0 =	sadd.s32 $0x1DC40, s0;
	[dreg:$0x7] =	wrdreg s3  }
0xc: {  	s6 =	sshll.u32 s6, $0x2;
	s14 =	sadd.s32 $0x400, s9;
	[dreg:$0x17] =	wrdreg s0  }
0xd: {  	s6 =	sadd.s32 s6, s3;
	s26 =	sadd.s32 $0xF440, s9;
	[dreg:$0xf] =	wrdreg s14  }
0xe: {  	s10 =	sshrl.u32 s8, $0x1;
	s25 =	sadd.s32 $0x3B0000, s6;
	[dreg:$0x1c] =	wrdreg s26  }
0xf: {  	s7 =	sshrl.u32 s7, $0x2;
	s14 =	sadd.s32 $0xF040, s9;
	[dreg:$0x10] =	wrdreg s25  }
0x10: {  	s0 =	simm.s32 $0x8200;
	s6 =	sadd.s32 $0x761000, s6;
	[dreg:$0x15] =	wrdreg s14  }
0x11: {  	s8 =	ssub.s32 s8, s10;
	s15 =	sadd.s32 s7, s1;
	[dreg:$0x16] =	wrdreg s6  }
0x12: {  	s10 =	sor.u32 s19, s12;
	s7 =	sadd.s32 $0x4000, s15;
	[dreg:$0x9] =	wrdreg s15  }
0x13: {  	s26 =	simm.s32 $0x5;
	s20 =	sadd.s32 $0x8000, s15;
	[dreg:$0xa] =	wrdreg s7  }
0x14: {  	s11 =	sadd.s32 $0xC000, s15;
	s22 =	sadd.s32 $0x10000, s15;
	[dreg:$0xb] =	wrdreg s20  }
0x15: {  	s10 =	sshrl.u32 s10, $0x3;
	s14 =	simm.s32 $0x3000;
	[dreg:$0xc] =	wrdreg s11  }
0x16: {  	[dreg:$0xd] =	wrdreg s22;
	s7 =	sor.u32 s19, s21;
	s11 =	sshrl.u32 s24, $0x2  }
0x17: {  	s10 =	sadd.s32 s4, s10;
	s24 =	sadd.s32 $0x800, s9;
	s9 =	simm.s32 $0x5000  }
0x18: {  	s23 =	sshrl.u32 s7, $0x3;
	s11 =	sadd.s32 s11, s1;
	s12 =	sor.u32 $0x80000, s7  }
0x19: {  	s16 =	sadd.s32 $0x1E08000, s7;
	s18 =	sadd.s32 $0x1E88000, s7;
	[dreg:$0x12] =	wrdreg s10  }
0x1a: {  	s21 =	sadd.s32 $0x4E200, s10;
	[dreg:$0x1a] =	wrdreg s24;
	s25 =	sor.u32 $0x100000, s7  }
0x1b: {  	s10 =	simm.s32 $0x2000;
	s13 =	sadd.s32 s3, s23;
	[dreg:$0x13] =	wrdreg s11  }
0x1c: {  	s4 =	sshrl.u32 s12, $0x3;
	s17 =	sshrl.u32 s16, $0x3;
	[dreg:$0x18] =	wrdreg s21  }
0x1d: {  	s20 =	sshrl.u32 s18, $0x3;
	s23 =	smax.u32 s8, $0x1;
	[dreg:$0x1b] =	wrdreg s25  }
0x1e: {  	s11 =	simm.s32 $0x1;
	s12 =	simm.s32 $0x80;
	[dreg:$0xe] =	wrdreg s13  }
0x1f: {  	s16 =	simm.s32 $0x8080;
	s13 =	sadd.s32 $0x3B1000, s13;
	[dreg:$0x19] =	wrdreg s23  }
0x20: {  	s18 =	simm.s32 $0x8100;
	s4 =	sadd.s32 s4, s3;
	[dreg:$0x14] =	wrdreg s13  }
0x21: {  	s21 =	simm.s32 $0x4;
	s19 =	sadd.s32 s17, s3;
	[dreg:$0x4] =	wrdreg s4  }
0x22: {  	s8 =	simm.s32 $0x8280;
	s22 =	sadd.s32 s20, s3;
	[dreg:$0x5] =	wrdreg s19  }
0x23: {  	s17 =	simm.s32 $0x1000;
	s20 =	simm.s32 $0x2;
	[dreg:$0x6] =	wrdreg s22  }
0x24: {  	v0 =	vimm.f32 $0.0e+00;
	s4 =	simm.s32 $0x3;
	s13 =	simm.s32 $0x6;
	s19 =	simm.s32 $0x8180  }
.LBB2_1:
0x25: {  	[dreg:$0x1d] =	wrdreg s5;
	s22 =	simm.s32 $0x80;
	s23 =	simm.s32 $0x0  }
.LBB2_2:
0x26: {  	p1 =	sne.s32 s22, $0xFF80;
	[tilespmem:s23+$0x8400] =	vst v0;
	s24 =	smov.u32 s22;
	s22 =	sadd.s32 $0x80, s22  }
.Ltmp0:
0x27: {  	[tilespmem:s23+$0x8410] =	vst v0;
	(pc) =	sbr.rel @p1 .LBB2_2-.Ltmp0, $2  }
0x28: {  	_ =	sdelay $0x2  }
0x29: {  	s23 =	sshra.s32 s24, $0x2  }
0x2a: {  	[tilespmem:s23+$0x8400] =	vst v0  }
0x2b: {  	[tilespmem:s23+$0x8410] =	vst v0;
	s22 =	simm.s32 $0x8400  }
0x2c: {  	[spmem:s15] =	stream.linear.scatter [tilespmem:s22], [sflag:$0x5], $0x4000, $0x38;
	[tilespmem:$0x1FCA0] =	vst v63  }
0x2d: {  	_ =	swait.ge [sflag:s26], $0x4000  }
0x2e: {  	[sflag:s26] =	ssyncset.done $0x0  }
0x2f: {  	s5 =	rddreg [dreg:$0xa];
	[sflag:s26] =	ssyncadd.s32 $0xFFFFC000  }
0x30: {  	[spmem:s5] =	stream.linear.scatter [tilespmem:s22], [sflag:$0x5], $0x4000, $0x38;
	[tilespmem:$0x1FCA0] =	vst v63  }
0x31: {  	_ =	swait.ge [sflag:s26], $0x4000  }
0x32: {  	[sflag:s26] =	ssyncset.done $0x0  }
0x33: {  	s6 =	rddreg [dreg:$0xb];
	[sflag:s26] =	ssyncadd.s32 $0xFFFFC000  }
0x34: {  	[spmem:s6] =	stream.linear.scatter [tilespmem:s22], [sflag:$0x5], $0x4000, $0x38;
	[tilespmem:$0x1FCA0] =	vst v63  }
0x35: {  	_ =	swait.ge [sflag:s26], $0x4000  }
0x36: {  	[sflag:s26] =	ssyncset.done $0x0  }
0x37: {  	s7 =	rddreg [dreg:$0xc];
	[sflag:s26] =	ssyncadd.s32 $0xFFFFC000  }
0x38: {  	[spmem:s7] =	stream.linear.scatter [tilespmem:s22], [sflag:$0x5], $0x4000, $0x38;
	[tilespmem:$0x1FCA0] =	vst v63  }
0x39: {  	_ =	swait.ge [sflag:s26], $0x4000  }
0x3a: {  	[sflag:s26] =	ssyncset.done $0x0  }
0x3b: {  	s23 =	rddreg [dreg:$0xd];
	[sflag:s26] =	ssyncadd.s32 $0xFFFFC000  }
0x3c: {  	[spmem:s23] =	stream.linear.scatter [tilespmem:s22], [sflag:$0x5], $0x38A0, $0x38;
	[tilespmem:$0x1FCA0] =	vst v63  }
0x3d: {  	_ =	swait.ge [sflag:s26], $0x38A0  }
0x3e: {  	[sflag:s26] =	ssyncset.done $0x0  }
0x3f: {  	[sflag:s26] =	ssyncadd.s32 $0xFFFFC760  }
0x40: {  	[bflag:$0x0] =	sbarrier.arrive $0xFFFF  }
0x41: {  	s25 =	rddreg [dreg:$0xe]  }
0x42: {  	s24 =	simm.s32 $0x0;
	s5 =	rddreg [dreg:$0x4]  }
0x43: {  	[tilespmem:s24], [sflag:$0x1] =	stream.strided.gather [hbm4b:s25+s28], $0x4000, s29, s28, $0x38;
	[tilespmem:$0x1FCA0] =	vst v63  }
0x44: {  	s6 =	rddreg [dreg:$0xf]  }
0x45: {  	[tilespmem:s30], [sflag:$0x3] =	stream.linear.gather [hbm4b:s6+s24], $0x200, $0x38;
	[tilespmem:$0x1FCA0] =	vst v63  }
0x46: {  	s7 =	sadd.s32 $0x0, s5  }
0x47: {  	[tilespmem:s31], [sflag:$0x2] =	stream.strided.gather [hbm4b:s7+s28], $0x4000, s29, s28, $0x38;
	[tilespmem:$0x1FCA0] =	vst v63  }
0x48: {  	s24 =	rddreg [dreg:$0x1a]  }
0x49: {  	[tilespmem:s0], [sflag:$0x4] =	stream.linear.gather [hbm4b:s24+s2], $0x200, $0x38;
	[tilespmem:$0x1FCA0] =	vst v63  }
0x4a: {  	_ =	swait.ge [sflag:s11], $0x4000  }
0x4b: {  	[sflag:s11] =	ssyncset.done $0x0  }
0x4c: {  	[sflag:s11] =	ssyncadd.s32 $0xFFFFC000  }
0x4d: {  	_ =	swait.ge [sflag:s4], $0x200  }
0x4e: {  	[sflag:s4] =	ssyncset.done $0x0  }
0x4f: {  	[sflag:s4] =	ssyncadd.s32 $0xFFFFFE00  }
0x50: {  	[spmem:s1] =	stream.indirect.scatter.add.f32 [tilespmem:s2], [sflag:$0x6], $0x20, s30, s12, $0xb8;
	[tilespmem:$0x1FCA0] =	vst v63  }
0x51: {  	_ =	swait.ge [sflag:s13], $0x1000  }
0x52: {  	[sflag:s13] =	ssyncset.done $0x0  }
0x53: {  	[sflag:s13] =	ssyncadd.s32 $0xFFFFF000  }
0x54: {  	[spmem:s1] =	stream.indirect.scatter.add.f32 [tilespmem:s17], [sflag:$0x6], $0x20, s16, s12, $0xb8;
	[tilespmem:$0x1FCA0] =	vst v63  }
0x55: {  	_ =	swait.ge [sflag:s13], $0x1000  }
0x56: {  	[sflag:s13] =	ssyncset.done $0x0  }
0x57: {  	[sflag:s13] =	ssyncadd.s32 $0xFFFFF000  }
0x58: {  	[spmem:s1] =	stream.indirect.scatter.add.f32 [tilespmem:s10], [sflag:$0x6], $0x20, s18, s12, $0xb8;
	[tilespmem:$0x1FCA0] =	vst v63  }
0x59: {  	_ =	swait.ge [sflag:s13], $0x1000  }
0x5a: {  	[sflag:s13] =	ssyncset.done $0x0  }
0x5b: {  	[sflag:s13] =	ssyncadd.s32 $0xFFFFF000  }
0x5c: {  	[spmem:s1] =	stream.indirect.scatter.add.f32 [tilespmem:s14], [sflag:$0x6], $0x20, s19, s12, $0xb8;
	[tilespmem:$0x1FCA0] =	vst v63  }
0x5d: {  	_ =	swait.ge [sflag:s13], $0x1000  }
0x5e: {  	s25 =	rddreg [dreg:$0x1b]  }
0x5f: {  	[sflag:s13] =	ssyncset.done $0x0;
	s15 =	sshrl.u32 s25, $0x3  }
0x60: {  	[sflag:s13] =	ssyncadd.s32 $0xFFFFF000;
	s22 =	sadd.s32 s3, s15  }
0x61: {  	[tilespmem:s2], [sflag:$0x1] =	stream.strided.gather [hbm4b:s22+s28], $0x4000, s29, s28, $0x38;
	[tilespmem:$0x1FCA0] =	vst v63  }
0x62: {  	s19 =	sadd.s32 $0x400, s24  }
0x63: {  	[tilespmem:s30], [sflag:$0x3] =	stream.linear.gather [hbm4b:s19+s2], $0x200, $0x38;
	[tilespmem:$0x1FCA0] =	vst v63  }
0x64: {  	_ =	swait.ge [sflag:s20], $0x4000  }
0x65: {  	[sflag:s20] =	ssyncset.done $0x0  }
0x66: {  	[sflag:s20] =	ssyncadd.s32 $0xFFFFC000  }
0x67: {  	_ =	swait.ge [sflag:s21], $0x200  }
0x68: {  	[sflag:s21] =	ssyncset.done $0x0  }
0x69: {  	[sflag:s21] =	ssyncadd.s32 $0xFFFFFE00  }
0x6a: {  	[spmem:s1] =	stream.indirect.scatter.add.f32 [tilespmem:s31], [sflag:$0x6], $0x20, s0, s12, $0xb8;
	[tilespmem:$0x1FCA0] =	vst v63  }
0x6b: {  	_ =	swait.ge [sflag:s13], $0x1000  }
0x6c: {  	s23 =	simm.s32 $0x6000;
	[sflag:s13] =	ssyncset.done $0x0  }
0x6d: {  	s6 =	simm.s32 $0x8280;
	s7 =	simm.s32 $0x5000;
	[sflag:s13] =	ssyncadd.s32 $0xFFFFF000  }
0x6e: {  	[spmem:s1] =	stream.indirect.scatter.add.f32 [tilespmem:s7], [sflag:$0x6], $0x20, s6, s12, $0xb8;
	[tilespmem:$0x1FCA0] =	vst v63  }
0x6f: {  	s5 =	simm.s32 $0x1000;
	s17 =	simm.s32 $0x8080;
	_ =	swait.ge [sflag:s13], $0x1000  }
0x70: {  	s16 =	simm.s32 $0x2000;
	s10 =	simm.s32 $0x8100;
	[sflag:s13] =	ssyncset.done $0x0  }
0x71: {  	s18 =	simm.s32 $0x3000;
	s22 =	simm.s32 $0x8300;
	[sflag:s13] =	ssyncadd.s32 $0xFFFFF000  }
0x72: {  	[spmem:s1] =	stream.indirect.scatter.add.f32 [tilespmem:s23], [sflag:$0x6], $0x20, s22, s12, $0xb8;
	[tilespmem:$0x1FCA0] =	vst v63  }
0x73: {  	s14 =	simm.s32 $0x8180;
	s15 =	smov.u32 s3;
	_ =	swait.ge [sflag:s13], $0x1000  }
0x74: {  	s19 =	simm.s32 $0x6000;
	s7 =	simm.s32 $0x8300;
	[sflag:s13] =	ssyncset.done $0x0  }
0x75: {  	s22 =	simm.s32 $0x8380;
	s23 =	simm.s32 $0x7000;
	[sflag:s13] =	ssyncadd.s32 $0xFFFFF000  }
0x76: {  	[spmem:s1] =	stream.indirect.scatter.add.f32 [tilespmem:s23], [sflag:$0x5], $0x20, s22, s12, $0xb8;
	[tilespmem:$0x1FCA0] =	vst v63  }
0x77: {  	s6 =	simm.s32 $0x7000;
	s22 =	simm.s32 $0x20000;
	_ =	swait.ge [sflag:s26], $0x1000  }
.LBB2_4:
0x78: {  	s23 =	rddreg [dreg:$0x4];
	s3 =	smov.u32 s22;
	[sflag:s26] =	ssyncset.done $0x0  }
0x79: {  	s3 =	sadd.s32 s3, s23;
	[sflag:s26] =	ssyncadd.s32 $0xFFFFF000  }
0x7a: {  	[tilespmem:s31], [sflag:$0x2] =	stream.strided.gather [hbm4b:s3+s28], $0x4000, s29, s28, $0x38;
	[tilespmem:$0x1FCA0] =	vst v63  }
0x7b: {  	s24 =	sadd.s32 $0x800, s24  }
0x7c: {  	[tilespmem:s0], [sflag:$0x4] =	stream.linear.gather [hbm4b:s24+s2], $0x200, $0x38;
	[tilespmem:$0x1FCA0] =	vst v63  }
0x7d: {  	_ =	swait.ge [sflag:s11], $0x4000  }
0x7e: {  	[sflag:s11] =	ssyncset.done $0x0  }
0x7f: {  	[sflag:s11] =	ssyncadd.s32 $0xFFFFC000  }
0x80: {  	_ =	swait.ge [sflag:s4], $0x200  }
0x81: {  	[sflag:s4] =	ssyncset.done $0x0  }
0x82: {  	[sflag:s4] =	ssyncadd.s32 $0xFFFFFE00  }
0x83: {  	[spmem:s1] =	stream.indirect.scatter.add.f32 [tilespmem:s2], [sflag:$0x6], $0x20, s30, s12, $0xb8;
	[tilespmem:$0x1FCA0] =	vst v63  }
0x84: {  	_ =	swait.ge [sflag:s13], $0x1000  }
0x85: {  	[sflag:s13] =	ssyncset.done $0x0  }
0x86: {  	[sflag:s13] =	ssyncadd.s32 $0xFFFFF000  }
0x87: {  	[spmem:s1] =	stream.indirect.scatter.add.f32 [tilespmem:s5], [sflag:$0x6], $0x20, s17, s12, $0xb8;
	[tilespmem:$0x1FCA0] =	vst v63  }
0x88: {  	_ =	swait.ge [sflag:s13], $0x1000  }
0x89: {  	[sflag:s13] =	ssyncset.done $0x0  }
0x8a: {  	[sflag:s13] =	ssyncadd.s32 $0xFFFFF000  }
0x8b: {  	[spmem:s1] =	stream.indirect.scatter.add.f32 [tilespmem:s16], [sflag:$0x6], $0x20, s10, s12, $0xb8;
	[tilespmem:$0x1FCA0] =	vst v63  }
0x8c: {  	_ =	swait.ge [sflag:s13], $0x1000  }
0x8d: {  	[sflag:s13] =	ssyncset.done $0x0  }
0x8e: {  	[sflag:s13] =	ssyncadd.s32 $0xFFFFF000  }
0x8f: {  	[spmem:s1] =	stream.indirect.scatter.add.f32 [tilespmem:s18], [sflag:$0x6], $0x20, s14, s12, $0xb8;
	[tilespmem:$0x1FCA0] =	vst v63  }
0x90: {  	s25 =	sadd.s32 $0x100000, s25;
	_ =	swait.ge [sflag:s13], $0x1000  }
0x91: {  	s23 =	sshrl.u32 s25, $0x3;
	[sflag:s13] =	ssyncset.done $0x0  }
0x92: {  	s3 =	sadd.s32 s15, s23;
	[sflag:s13] =	ssyncadd.s32 $0xFFFFF000  }
0x93: {  	[tilespmem:s2], [sflag:$0x1] =	stream.strided.gather [hbm4b:s3+s28], $0x4000, s29, s28, $0x38;
	[tilespmem:$0x1FCA0] =	vst v63  }
0x94: {  	s23 =	sadd.s32 $0x400, s24  }
0x95: {  	[tilespmem:s30], [sflag:$0x3] =	stream.linear.gather [hbm4b:s23+s2], $0x200, $0x38;
	[tilespmem:$0x1FCA0] =	vst v63  }
0x96: {  	_ =	swait.ge [sflag:s20], $0x4000  }
0x97: {  	[sflag:s20] =	ssyncset.done $0x0  }
0x98: {  	[sflag:s20] =	ssyncadd.s32 $0xFFFFC000  }
0x99: {  	_ =	swait.ge [sflag:s21], $0x200  }
0x9a: {  	[sflag:s21] =	ssyncset.done $0x0  }
0x9b: {  	[sflag:s21] =	ssyncadd.s32 $0xFFFFFE00  }
0x9c: {  	[spmem:s1] =	stream.indirect.scatter.add.f32 [tilespmem:s31], [sflag:$0x6], $0x20, s0, s12, $0xb8;
	[tilespmem:$0x1FCA0] =	vst v63  }
0x9d: {  	_ =	swait.ge [sflag:s13], $0x1000  }
0x9e: {  	[sflag:s13] =	ssyncset.done $0x0  }
0x9f: {  	[sflag:s13] =	ssyncadd.s32 $0xFFFFF000  }
0xa0: {  	[spmem:s1] =	stream.indirect.scatter.add.f32 [tilespmem:s9], [sflag:$0x6], $0x20, s8, s12, $0xb8;
	[tilespmem:$0x1FCA0] =	vst v63  }
0xa1: {  	_ =	swait.ge [sflag:s13], $0x1000  }
0xa2: {  	[sflag:s13] =	ssyncset.done $0x0  }
0xa3: {  	p1 =	sne.s32 s22, $0x380000;
	[sflag:s13] =	ssyncadd.s32 $0xFFFFF000  }
0xa4: {  	[spmem:s1] =	stream.indirect.scatter.add.f32 [tilespmem:s19], [sflag:$0x6], $0x20, s7, s12, $0xb8;
	[tilespmem:$0x1FCA0] =	vst v63  }
.Ltmp1:
0xa5: {  	_ =	swait.ge [sflag:s13], $0x1000;
	(pc) =	sbr.rel @p1 .LBB2_4-.Ltmp1, $4  }
0xa6: {  	[sflag:s13] =	ssyncset.done $0x0  }
0xa7: {  	s23 =	simm.s32 $0x8380;
	[sflag:s13] =	ssyncadd.s32 $0xFFFFF000  }
0xa8: {  	[spmem:s1] =	stream.indirect.scatter.add.f32 [tilespmem:s6], [sflag:$0x5], $0x20, s23, s12, $0xb8;
	[tilespmem:$0x1FCA0] =	vst v63  }
0xa9: {  	s22 =	sadd.s32 $0x20000, s22;
	_ =	swait.ge [sflag:s26], $0x1000  }
0xaa: {  	[sflag:s26] =	ssyncset.done $0x0;
	s3 =	simm.s32 @!p0 $0x20;
	s22 =	simm.s32 @!p0 $0x40  }
0xab: {  	s23 =	simm.s32 @!p0 $0x4000;
	s15 =	rddreg [dreg:$0x10];
	[sflag:s26] =	ssyncadd.s32 $0xFFFFF000  }
0xac: {  	[tilespmem:s23], [sflag:$0x2] =	stream.strided.gather @!p0 [hbm4b:s15+s3], $0x4000, s22, s3, $0x38;
	[tilespmem:$0x1FCA0] =	vst v63  }
0xad: {  	s3 =	simm.s32 @!p0 $0x0;
	s22 =	simm.s32 @!p0 $0x8200;
	s15 =	rddreg [dreg:$0x11]  }
0xae: {  	[tilespmem:s22], [sflag:$0x4] =	stream.linear.gather @!p0 [hbm4b:s15+s3], $0x200, $0x38;
	[tilespmem:$0x1FCA0] =	vst v63  }
0xaf: {  	_ =	swait.ge [sflag:s11], $0x4000  }
0xb0: {  	[sflag:s11] =	ssyncset.done $0x0  }
0xb1: {  	[sflag:s11] =	ssyncadd.s32 $0xFFFFC000  }
0xb2: {  	_ =	swait.ge [sflag:s4], $0x200  }
0xb3: {  	[sflag:s4] =	ssyncset.done $0x0  }
0xb4: {  	[sflag:s4] =	ssyncadd.s32 $0xFFFFFE00  }
0xb5: {  	[spmem:s1] =	stream.indirect.scatter.add.f32 [tilespmem:s2], [sflag:$0x5], $0x20, s30, s12, $0xb8;
	[tilespmem:$0x1FCA0] =	vst v63  }
0xb6: {  	_ =	swait.ge [sflag:s26], $0x1000  }
0xb7: {  	[sflag:s26] =	ssyncset.done $0x0  }
0xb8: {  	s10 =	simm.s32 $0x8080;
	s18 =	simm.s32 $0x1000;
	[sflag:s26] =	ssyncadd.s32 $0xFFFFF000  }
0xb9: {  	[spmem:s1] =	stream.indirect.scatter.add.f32 [tilespmem:s18], [sflag:$0x5], $0x20, s10, s12, $0xb8;
	[tilespmem:$0x1FCA0] =	vst v63  }
0xba: {  	_ =	swait.ge [sflag:s26], $0x1000  }
0xbb: {  	[sflag:s26] =	ssyncset.done $0x0  }
0xbc: {  	s17 =	simm.s32 $0x8100;
	s14 =	simm.s32 $0x2000;
	[sflag:s26] =	ssyncadd.s32 $0xFFFFF000  }
0xbd: {  	[spmem:s1] =	stream.indirect.scatter.add.f32 [tilespmem:s14], [sflag:$0x5], $0x20, s17, s12, $0xb8;
	[tilespmem:$0x1FCA0] =	vst v63  }
0xbe: {  	_ =	swait.ge [sflag:s26], $0x1000  }
0xbf: {  	[sflag:s26] =	ssyncset.done $0x0  }
0xc0: {  	s5 =	simm.s32 $0x8180;
	s25 =	simm.s32 $0x3000;
	[sflag:s26] =	ssyncadd.s32 $0xFFFFF000  }
0xc1: {  	[spmem:s1] =	stream.indirect.scatter.add.f32 [tilespmem:s25], [sflag:$0x5], $0x20, s5, s12, $0xb8;
	[tilespmem:$0x1FCA0] =	vst v63  }
0xc2: {  	_ =	swait.ge [sflag:s26], $0x1000  }
0xc3: {  	[sflag:s26] =	ssyncset.done $0x0  }
0xc4: {  	s3 =	simm.s32 @!p0 $0x2;
	[sflag:s26] =	ssyncadd.s32 $0xFFFFF000  }
0xc5: {  	_ =	swait.ge @!p0 [sflag:s3], $0x4000  }
0xc6: {  	[sflag:s3] =	ssyncset.done @!p0 $0x0  }
0xc7: {  	[sflag:s3] =	ssyncadd.s32 @!p0 $0xFFFFC000;
	s3 =	simm.s32 @!p0 $0x4  }
0xc8: {  	_ =	swait.ge @!p0 [sflag:s3], $0x200  }
0xc9: {  	[sflag:s3] =	ssyncset.done @!p0 $0x0  }
0xca: {  	[sflag:s3] =	ssyncadd.s32 @!p0 $0xFFFFFE00;
	s3 =	simm.s32 @!p0 $0x80  }
0xcb: {  	[spmem:s1] =	stream.indirect.scatter.add.f32 @!p0 [tilespmem:s23], [sflag:$0x5], $0x20, s22, s3, $0xb8;
	[tilespmem:$0x1FCA0] =	vst v63  }
0xcc: {  	s22 =	simm.s32 @!p0 $0x5  }
0xcd: {  	_ =	swait.ge @!p0 [sflag:s22], $0x1000  }
0xce: {  	[sflag:s22] =	ssyncset.done @!p0 $0x0  }
0xcf: {  	s24 =	simm.s32 @!p0 $0x5000;
	s23 =	simm.s32 @!p0 $0x8280;
	[sflag:s22] =	ssyncadd.s32 @!p0 $0xFFFFF000  }
0xd0: {  	[spmem:s1] =	stream.indirect.scatter.add.f32 @!p0 [tilespmem:s24], [sflag:$0x5], $0x20, s23, s3, $0xb8;
	[tilespmem:$0x1FCA0] =	vst v63  }
0xd1: {  	_ =	swait.ge @!p0 [sflag:s22], $0x1000  }
0xd2: {  	[sflag:s22] =	ssyncset.done @!p0 $0x0  }
0xd3: {  	s23 =	simm.s32 @!p0 $0x8300;
	s24 =	simm.s32 @!p0 $0x6000;
	[sflag:s22] =	ssyncadd.s32 @!p0 $0xFFFFF000  }
0xd4: {  	[spmem:s1] =	stream.indirect.scatter.add.f32 @!p0 [tilespmem:s24], [sflag:$0x5], $0x20, s23, s3, $0xb8;
	[tilespmem:$0x1FCA0] =	vst v63  }
0xd5: {  	_ =	swait.ge @!p0 [sflag:s22], $0x1000  }
0xd6: {  	[sflag:s22] =	ssyncset.done @!p0 $0x0  }
0xd7: {  	s23 =	simm.s32 @!p0 $0x8380;
	s24 =	simm.s32 @!p0 $0x7000;
	[sflag:s22] =	ssyncadd.s32 @!p0 $0xFFFFF000  }
0xd8: {  	[spmem:s1] =	stream.indirect.scatter.add.f32 @!p0 [tilespmem:s24], [sflag:$0x5], $0x20, s23, s3, $0xb8;
	[tilespmem:$0x1FCA0] =	vst v63  }
0xd9: {  	_ =	swait.ge @!p0 [sflag:s22], $0x1000  }
0xda: {  	[sflag:s22] =	ssyncset.done @!p0 $0x0  }
0xdb: {  	[sflag:s22] =	ssyncadd.s32 @!p0 $0xFFFFF000  }
0xdc: {  	[bflag:$0x0] =	sbarrier.arrive $0xFFFF  }
0xdd: {  	s23 =	rddreg [dreg:$0x8]  }
0xde: {  	s24 =	rddreg [dreg:$0x13]  }
0xdf: {  	s15 =	rddreg [dreg:$0x12];
	s16 =	sor.u32 $0x1C05, s23  }
0xe0: {  	s17 =	sshrl.u32 s24, $0x3;
	[dreg:$0x1e] =	wrdreg s16  }
0xe1: {  	s22 =	simm.s32 $0x8;
	[dreg:$0x1f] =	wrdreg s17  }
0xe2: {  	[hbm:s15@s22], [sflag:s16] =	dma.strided [spmem:s17@s21], $0x2710, s11, $0x4   }
0xe3: {  	_ =	swait.ge [sflag:s26], $0x2710  }
0xe4: {  	[sflag:s26] =	ssyncset.done $0x0  }
0xe5: {  	[sflag:s26] =	ssyncadd.s32 $0xFFFFD8F0  }
0xe6: {  	[bflag:$0x0] =	sbarrier.arrive $0xFFFF  }
0xe7: {  	s24 =	simm.s32 $0x8400;
	s23 =	rddreg [dreg:$0x9]  }
0xe8: {  	[spmem:s23] =	stream.linear.scatter [tilespmem:s24], [sflag:$0x5], $0x4000, $0x38;
	[tilespmem:$0x1FCA0] =	vst v63  }
0xe9: {  	_ =	swait.ge [sflag:s26], $0x4000  }
0xea: {  	[sflag:s26] =	ssyncset.done $0x0  }
0xeb: {  	s15 =	rddreg [dreg:$0xa];
	[sflag:s26] =	ssyncadd.s32 $0xFFFFC000  }
0xec: {  	[spmem:s15] =	stream.linear.scatter [tilespmem:s24], [sflag:$0x5], $0x4000, $0x38;
	[tilespmem:$0x1FCA0] =	vst v63  }
0xed: {  	_ =	swait.ge [sflag:s26], $0x4000  }
0xee: {  	[sflag:s26] =	ssyncset.done $0x0  }
0xef: {  	s16 =	rddreg [dreg:$0xb];
	[sflag:s26] =	ssyncadd.s32 $0xFFFFC000  }
0xf0: {  	[spmem:s16] =	stream.linear.scatter [tilespmem:s24], [sflag:$0x5], $0x4000, $0x38;
	[tilespmem:$0x1FCA0] =	vst v63  }
0xf1: {  	_ =	swait.ge [sflag:s26], $0x4000  }
0xf2: {  	[sflag:s26] =	ssyncset.done $0x0  }
0xf3: {  	s17 =	rddreg [dreg:$0xc];
	[sflag:s26] =	ssyncadd.s32 $0xFFFFC000  }
0xf4: {  	[spmem:s17] =	stream.linear.scatter [tilespmem:s24], [sflag:$0x5], $0x4000, $0x38;
	[tilespmem:$0x1FCA0] =	vst v63  }
0xf5: {  	_ =	swait.ge [sflag:s26], $0x4000  }
0xf6: {  	[sflag:s26] =	ssyncset.done $0x0  }
0xf7: {  	s23 =	rddreg [dreg:$0xd];
	[sflag:s26] =	ssyncadd.s32 $0xFFFFC000  }
0xf8: {  	[spmem:s23] =	stream.linear.scatter [tilespmem:s24], [sflag:$0x5], $0x38A0, $0x38;
	[tilespmem:$0x1FCA0] =	vst v63  }
0xf9: {  	_ =	swait.ge [sflag:s26], $0x38A0  }
0xfa: {  	[sflag:s26] =	ssyncset.done $0x0  }
0xfb: {  	[sflag:s26] =	ssyncadd.s32 $0xFFFFC760  }
0xfc: {  	[bflag:$0x0] =	sbarrier.arrive $0xFFFF  }
0xfd: {  	s15 =	rddreg [dreg:$0x14]  }
0xfe: {  	s24 =	simm.s32 $0x0;
	s16 =	rddreg [dreg:$0x5]  }
0xff: {  	[tilespmem:s24], [sflag:$0x1] =	stream.strided.gather [hbm4b:s15+s28], $0x4000, s29, s28, $0x38;
	[tilespmem:$0x1FCA0] =	vst v63  }
0x100: {  	s17 =	rddreg [dreg:$0x15]  }
0x101: {  	[tilespmem:s30], [sflag:$0x3] =	stream.linear.gather [hbm4b:s17+s24], $0x200, $0x38;
	[tilespmem:$0x1FCA0] =	vst v63  }
0x102: {  	s24 =	sadd.s32 $0x0, s16  }
0x103: {  	[tilespmem:s31], [sflag:$0x2] =	stream.strided.gather [hbm4b:s24+s28], $0x4000, s29, s28, $0x38;
	[tilespmem:$0x1FCA0] =	vst v63  }
0x104: {  	s22 =	rddreg [dreg:$0x1c]  }
0x105: {  	[tilespmem:s0], [sflag:$0x4] =	stream.linear.gather [hbm4b:s22+s2], $0x200, $0x38;
	[tilespmem:$0x1FCA0] =	vst v63  }
0x106: {  	_ =	swait.ge [sflag:s11], $0x4000  }
0x107: {  	[sflag:s11] =	ssyncset.done $0x0  }
0x108: {  	[sflag:s11] =	ssyncadd.s32 $0xFFFFC000  }
0x109: {  	_ =	swait.ge [sflag:s4], $0x200  }
0x10a: {  	[sflag:s4] =	ssyncset.done $0x0  }
0x10b: {  	[sflag:s4] =	ssyncadd.s32 $0xFFFFFE00  }
0x10c: {  	[spmem:s1] =	stream.indirect.scatter.add.f32 [tilespmem:s2], [sflag:$0x6], $0x20, s30, s12, $0xb8;
	[tilespmem:$0x1FCA0] =	vst v63  }
0x10d: {  	_ =	swait.ge [sflag:s13], $0x1000  }
0x10e: {  	[sflag:s13] =	ssyncset.done $0x0  }
0x10f: {  	[sflag:s13] =	ssyncadd.s32 $0xFFFFF000  }
0x110: {  	[spmem:s1] =	stream.indirect.scatter.add.f32 [tilespmem:s18], [sflag:$0x6], $0x20, s10, s12, $0xb8;
	[tilespmem:$0x1FCA0] =	vst v63  }
0x111: {  	_ =	swait.ge [sflag:s13], $0x1000  }
0x112: {  	[sflag:s13] =	ssyncset.done $0x0  }
0x113: {  	s15 =	simm.s32 $0x8100;
	[sflag:s13] =	ssyncadd.s32 $0xFFFFF000  }
0x114: {  	[spmem:s1] =	stream.indirect.scatter.add.f32 [tilespmem:s14], [sflag:$0x6], $0x20, s15, s12, $0xb8;
	[tilespmem:$0x1FCA0] =	vst v63  }
0x115: {  	_ =	swait.ge [sflag:s13], $0x1000  }
0x116: {  	[sflag:s13] =	ssyncset.done $0x0  }
0x117: {  	[sflag:s13] =	ssyncadd.s32 $0xFFFFF000  }
0x118: {  	[spmem:s1] =	stream.indirect.scatter.add.f32 [tilespmem:s25], [sflag:$0x6], $0x20, s5, s12, $0xb8;
	[tilespmem:$0x1FCA0] =	vst v63  }
0x119: {  	_ =	swait.ge [sflag:s13], $0x1000  }
0x11a: {  	s23 =	rddreg [dreg:$0x6];
	[sflag:s13] =	ssyncset.done $0x0  }
0x11b: {  	[sflag:s13] =	ssyncadd.s32 $0xFFFFF000;
	s3 =	sadd.s32 $0x0, s23  }
0x11c: {  	[tilespmem:s2], [sflag:$0x1] =	stream.strided.gather [hbm4b:s3+s28], $0x4000, s29, s28, $0x38;
	[tilespmem:$0x1FCA0] =	vst v63  }
0x11d: {  	s24 =	sadd.s32 $0x400, s22  }
0x11e: {  	[tilespmem:s30], [sflag:$0x3] =	stream.linear.gather [hbm4b:s24+s2], $0x200, $0x38;
	[tilespmem:$0x1FCA0] =	vst v63  }
0x11f: {  	_ =	swait.ge [sflag:s20], $0x4000  }
0x120: {  	[sflag:s20] =	ssyncset.done $0x0  }
0x121: {  	[sflag:s20] =	ssyncadd.s32 $0xFFFFC000  }
0x122: {  	_ =	swait.ge [sflag:s21], $0x200  }
0x123: {  	[sflag:s21] =	ssyncset.done $0x0  }
0x124: {  	[sflag:s21] =	ssyncadd.s32 $0xFFFFFE00  }
0x125: {  	[spmem:s1] =	stream.indirect.scatter.add.f32 [tilespmem:s31], [sflag:$0x6], $0x20, s0, s12, $0xb8;
	[tilespmem:$0x1FCA0] =	vst v63  }
0x126: {  	_ =	swait.ge [sflag:s13], $0x1000  }
0x127: {  	[sflag:s13] =	ssyncset.done $0x0  }
0x128: {  	[sflag:s13] =	ssyncadd.s32 $0xFFFFF000  }
0x129: {  	[spmem:s1] =	stream.indirect.scatter.add.f32 [tilespmem:s9], [sflag:$0x6], $0x20, s8, s12, $0xb8;
	[tilespmem:$0x1FCA0] =	vst v63  }
0x12a: {  	_ =	swait.ge [sflag:s13], $0x1000  }
0x12b: {  	[sflag:s13] =	ssyncset.done $0x0  }
0x12c: {  	[sflag:s13] =	ssyncadd.s32 $0xFFFFF000  }
0x12d: {  	[spmem:s1] =	stream.indirect.scatter.add.f32 [tilespmem:s19], [sflag:$0x6], $0x20, s7, s12, $0xb8;
	[tilespmem:$0x1FCA0] =	vst v63  }
0x12e: {  	s16 =	simm.s32 $0x8080;
	s17 =	simm.s32 $0x1000;
	_ =	swait.ge [sflag:s13], $0x1000  }
0x12f: {  	s18 =	simm.s32 $0x8100;
	s10 =	simm.s32 $0x2000;
	[sflag:s13] =	ssyncset.done $0x0  }
0x130: {  	s15 =	simm.s32 $0x8180;
	s25 =	simm.s32 $0x8380;
	[sflag:s13] =	ssyncadd.s32 $0xFFFFF000  }
0x131: {  	[spmem:s1] =	stream.indirect.scatter.add.f32 [tilespmem:s6], [sflag:$0x5], $0x20, s25, s12, $0xb8;
	[tilespmem:$0x1FCA0] =	vst v63  }
0x132: {  	s14 =	simm.s32 $0x3000;
	s24 =	simm.s32 $0x40000;
	_ =	swait.ge [sflag:s26], $0x1000  }
0x133: {  	s25 =	simm.s32 $0x20000;
	s23 =	rddreg [dreg:$0x5];
	[sflag:s26] =	ssyncset.done $0x0  }
.LBB2_6:
0x134: {  	[sflag:s26] =	ssyncadd.s32 $0xFFFFF000;
	s23 =	sadd.s32 s25, s23  }
0x135: {  	[tilespmem:s31], [sflag:$0x2] =	stream.strided.gather [hbm4b:s23+s28], $0x4000, s29, s28, $0x38;
	[tilespmem:$0x1FCA0] =	vst v63  }
0x136: {  	s22 =	sadd.s32 $0x800, s22  }
0x137: {  	[tilespmem:s0], [sflag:$0x4] =	stream.linear.gather [hbm4b:s22+s2], $0x200, $0x38;
	[tilespmem:$0x1FCA0] =	vst v63  }
0x138: {  	_ =	swait.ge [sflag:s11], $0x4000  }
0x139: {  	[sflag:s11] =	ssyncset.done $0x0  }
0x13a: {  	[sflag:s11] =	ssyncadd.s32 $0xFFFFC000  }
0x13b: {  	_ =	swait.ge [sflag:s4], $0x200  }
0x13c: {  	[sflag:s4] =	ssyncset.done $0x0  }
0x13d: {  	[sflag:s4] =	ssyncadd.s32 $0xFFFFFE00  }
0x13e: {  	[spmem:s1] =	stream.indirect.scatter.add.f32 [tilespmem:s2], [sflag:$0x6], $0x20, s30, s12, $0xb8;
	[tilespmem:$0x1FCA0] =	vst v63  }
0x13f: {  	_ =	swait.ge [sflag:s13], $0x1000  }
0x140: {  	[sflag:s13] =	ssyncset.done $0x0  }
0x141: {  	[sflag:s13] =	ssyncadd.s32 $0xFFFFF000  }
0x142: {  	[spmem:s1] =	stream.indirect.scatter.add.f32 [tilespmem:s17], [sflag:$0x6], $0x20, s16, s12, $0xb8;
	[tilespmem:$0x1FCA0] =	vst v63  }
0x143: {  	_ =	swait.ge [sflag:s13], $0x1000  }
0x144: {  	[sflag:s13] =	ssyncset.done $0x0  }
0x145: {  	[sflag:s13] =	ssyncadd.s32 $0xFFFFF000  }
0x146: {  	[spmem:s1] =	stream.indirect.scatter.add.f32 [tilespmem:s10], [sflag:$0x6], $0x20, s18, s12, $0xb8;
	[tilespmem:$0x1FCA0] =	vst v63  }
0x147: {  	_ =	swait.ge [sflag:s13], $0x1000  }
0x148: {  	[sflag:s13] =	ssyncset.done $0x0  }
0x149: {  	[sflag:s13] =	ssyncadd.s32 $0xFFFFF000  }
0x14a: {  	[spmem:s1] =	stream.indirect.scatter.add.f32 [tilespmem:s14], [sflag:$0x6], $0x20, s15, s12, $0xb8;
	[tilespmem:$0x1FCA0] =	vst v63  }
0x14b: {  	_ =	swait.ge [sflag:s13], $0x1000  }
0x14c: {  	s5 =	rddreg [dreg:$0x6];
	[sflag:s13] =	ssyncset.done $0x0  }
0x14d: {  	[sflag:s13] =	ssyncadd.s32 $0xFFFFF000;
	s23 =	sadd.s32 s25, s5  }
0x14e: {  	[tilespmem:s2], [sflag:$0x1] =	stream.strided.gather [hbm4b:s23+s28], $0x4000, s29, s28, $0x38;
	[tilespmem:$0x1FCA0] =	vst v63  }
0x14f: {  	s5 =	sadd.s32 $0x400, s22  }
0x150: {  	[tilespmem:s30], [sflag:$0x3] =	stream.linear.gather [hbm4b:s5+s2], $0x200, $0x38;
	[tilespmem:$0x1FCA0] =	vst v63  }
0x151: {  	_ =	swait.ge [sflag:s20], $0x4000  }
0x152: {  	[sflag:s20] =	ssyncset.done $0x0  }
0x153: {  	[sflag:s20] =	ssyncadd.s32 $0xFFFFC000  }
0x154: {  	_ =	swait.ge [sflag:s21], $0x200  }
0x155: {  	[sflag:s21] =	ssyncset.done $0x0  }
0x156: {  	[sflag:s21] =	ssyncadd.s32 $0xFFFFFE00  }
0x157: {  	[spmem:s1] =	stream.indirect.scatter.add.f32 [tilespmem:s31], [sflag:$0x6], $0x20, s0, s12, $0xb8;
	[tilespmem:$0x1FCA0] =	vst v63  }
0x158: {  	_ =	swait.ge [sflag:s13], $0x1000  }
0x159: {  	[sflag:s13] =	ssyncset.done $0x0  }
0x15a: {  	[sflag:s13] =	ssyncadd.s32 $0xFFFFF000  }
0x15b: {  	[spmem:s1] =	stream.indirect.scatter.add.f32 [tilespmem:s9], [sflag:$0x6], $0x20, s8, s12, $0xb8;
	[tilespmem:$0x1FCA0] =	vst v63  }
0x15c: {  	_ =	swait.ge [sflag:s13], $0x1000  }
0x15d: {  	[sflag:s13] =	ssyncset.done $0x0  }
0x15e: {  	[sflag:s13] =	ssyncadd.s32 $0xFFFFF000  }
0x15f: {  	[spmem:s1] =	stream.indirect.scatter.add.f32 [tilespmem:s19], [sflag:$0x6], $0x20, s7, s12, $0xb8;
	[tilespmem:$0x1FCA0] =	vst v63  }
0x160: {  	p1 =	sne.s32 s24, $0x380000;
	_ =	swait.ge [sflag:s13], $0x1000  }
.Ltmp2:
0x161: {  	[sflag:s13] =	ssyncset.done $0x0;
	(pc) =	sbr.rel @p1 .LBB2_6-.Ltmp2, $4  }
0x162: {  	s23 =	simm.s32 $0x8380;
	[sflag:s13] =	ssyncadd.s32 $0xFFFFF000  }
0x163: {  	[spmem:s1] =	stream.indirect.scatter.add.f32 [tilespmem:s6], [sflag:$0x5], $0x20, s23, s12, $0xb8;
	[tilespmem:$0x1FCA0] =	vst v63  }
0x164: {  	s3 =	smov.u32 s24;
	s24 =	sadd.s32 $0x20000, s24;
	_ =	swait.ge [sflag:s26], $0x1000  }
0x165: {  	s25 =	smov.u32 s3;
	s23 =	rddreg [dreg:$0x5];
	[sflag:s26] =	ssyncset.done $0x0  }
0x166: {  	[sflag:s26] =	ssyncadd.s32 $0xFFFFF000;
	s3 =	sadd.s32 s25, s23  }
0x167: {  	[tilespmem:s31], [sflag:$0x2] =	stream.strided.gather [hbm4b:s3+s28], $0x4000, s29, s28, $0x38;
	[tilespmem:$0x1FCA0] =	vst v63  }
0x168: {  	s23 =	sadd.s32 $0x800, s22  }
0x169: {  	[tilespmem:s0], [sflag:$0x4] =	stream.linear.gather [hbm4b:s23+s2], $0x200, $0x38;
	[tilespmem:$0x1FCA0] =	vst v63  }
0x16a: {  	_ =	swait.ge [sflag:s11], $0x4000  }
0x16b: {  	[sflag:s11] =	ssyncset.done $0x0  }
0x16c: {  	[sflag:s11] =	ssyncadd.s32 $0xFFFFC000  }
0x16d: {  	_ =	swait.ge [sflag:s4], $0x200  }
0x16e: {  	[sflag:s4] =	ssyncset.done $0x0  }
0x16f: {  	[sflag:s4] =	ssyncadd.s32 $0xFFFFFE00  }
0x170: {  	[spmem:s1] =	stream.indirect.scatter.add.f32 [tilespmem:s2], [sflag:$0x6], $0x20, s30, s12, $0xb8;
	[tilespmem:$0x1FCA0] =	vst v63  }
0x171: {  	_ =	swait.ge [sflag:s13], $0x1000  }
0x172: {  	[sflag:s13] =	ssyncset.done $0x0  }
0x173: {  	s17 =	simm.s32 $0x8080;
	s5 =	simm.s32 $0x1000;
	[sflag:s13] =	ssyncadd.s32 $0xFFFFF000  }
0x174: {  	[spmem:s1] =	stream.indirect.scatter.add.f32 [tilespmem:s5], [sflag:$0x6], $0x20, s17, s12, $0xb8;
	[tilespmem:$0x1FCA0] =	vst v63  }
0x175: {  	_ =	swait.ge [sflag:s13], $0x1000  }
0x176: {  	[sflag:s13] =	ssyncset.done $0x0  }
0x177: {  	s10 =	simm.s32 $0x8100;
	s16 =	simm.s32 $0x2000;
	[sflag:s13] =	ssyncadd.s32 $0xFFFFF000  }
0x178: {  	[spmem:s1] =	stream.indirect.scatter.add.f32 [tilespmem:s16], [sflag:$0x6], $0x20, s10, s12, $0xb8;
	[tilespmem:$0x1FCA0] =	vst v63  }
0x179: {  	_ =	swait.ge [sflag:s13], $0x1000  }
0x17a: {  	[sflag:s13] =	ssyncset.done $0x0  }
0x17b: {  	s14 =	simm.s32 $0x8180;
	s15 =	simm.s32 $0x3000;
	[sflag:s13] =	ssyncadd.s32 $0xFFFFF000  }
0x17c: {  	[spmem:s1] =	stream.indirect.scatter.add.f32 [tilespmem:s15], [sflag:$0x6], $0x20, s14, s12, $0xb8;
	[tilespmem:$0x1FCA0] =	vst v63  }
0x17d: {  	_ =	swait.ge [sflag:s13], $0x1000  }
0x17e: {  	s24 =	rddreg [dreg:$0x6];
	[sflag:s13] =	ssyncset.done $0x0  }
0x17f: {  	[sflag:s13] =	ssyncadd.s32 $0xFFFFF000;
	s22 =	sadd.s32 s25, s24  }
0x180: {  	[tilespmem:s2], [sflag:$0x1] =	stream.strided.gather [hbm4b:s22+s28], $0x4000, s29, s28, $0x38;
	[tilespmem:$0x1FCA0] =	vst v63  }
0x181: {  	s3 =	sadd.s32 $0x400, s23  }
0x182: {  	[tilespmem:s30], [sflag:$0x3] =	stream.linear.gather [hbm4b:s3+s2], $0x200, $0x38;
	[tilespmem:$0x1FCA0] =	vst v63  }
0x183: {  	_ =	swait.ge [sflag:s20], $0x4000  }
0x184: {  	[sflag:s20] =	ssyncset.done $0x0  }
0x185: {  	[sflag:s20] =	ssyncadd.s32 $0xFFFFC000  }
0x186: {  	_ =	swait.ge [sflag:s21], $0x200  }
0x187: {  	[sflag:s21] =	ssyncset.done $0x0  }
0x188: {  	[sflag:s21] =	ssyncadd.s32 $0xFFFFFE00  }
0x189: {  	[spmem:s1] =	stream.indirect.scatter.add.f32 [tilespmem:s31], [sflag:$0x6], $0x20, s0, s12, $0xb8;
	[tilespmem:$0x1FCA0] =	vst v63  }
0x18a: {  	_ =	swait.ge [sflag:s13], $0x1000  }
0x18b: {  	[sflag:s13] =	ssyncset.done $0x0  }
0x18c: {  	[sflag:s13] =	ssyncadd.s32 $0xFFFFF000  }
0x18d: {  	[spmem:s1] =	stream.indirect.scatter.add.f32 [tilespmem:s9], [sflag:$0x6], $0x20, s8, s12, $0xb8;
	[tilespmem:$0x1FCA0] =	vst v63  }
0x18e: {  	_ =	swait.ge [sflag:s13], $0x1000  }
0x18f: {  	[sflag:s13] =	ssyncset.done $0x0  }
0x190: {  	[sflag:s13] =	ssyncadd.s32 $0xFFFFF000  }
0x191: {  	[spmem:s1] =	stream.indirect.scatter.add.f32 [tilespmem:s19], [sflag:$0x6], $0x20, s7, s12, $0xb8;
	[tilespmem:$0x1FCA0] =	vst v63  }
0x192: {  	_ =	swait.ge [sflag:s13], $0x1000  }
0x193: {  	[sflag:s13] =	ssyncset.done $0x0  }
0x194: {  	s7 =	simm.s32 $0x8380;
	[sflag:s13] =	ssyncadd.s32 $0xFFFFF000  }
0x195: {  	[spmem:s1] =	stream.indirect.scatter.add.f32 [tilespmem:s6], [sflag:$0x5], $0x20, s7, s12, $0xb8;
	[tilespmem:$0x1FCA0] =	vst v63  }
0x196: {  	_ =	swait.ge [sflag:s26], $0x1000  }
0x197: {  	s23 =	simm.s32 @!p0 $0x4000;
	s22 =	simm.s32 @!p0 $0x40;
	[sflag:s26] =	ssyncset.done $0x0  }
0x198: {  	s3 =	simm.s32 @!p0 $0x20;
	s24 =	rddreg [dreg:$0x16];
	[sflag:s26] =	ssyncadd.s32 $0xFFFFF000  }
0x199: {  	[tilespmem:s23], [sflag:$0x2] =	stream.strided.gather @!p0 [hbm4b:s24+s3], $0x4000, s22, s3, $0x38;
	[tilespmem:$0x1FCA0] =	vst v63  }
0x19a: {  	s3 =	simm.s32 @!p0 $0x0;
	s22 =	simm.s32 @!p0 $0x8200;
	s24 =	rddreg [dreg:$0x17]  }
0x19b: {  	[tilespmem:s22], [sflag:$0x4] =	stream.linear.gather @!p0 [hbm4b:s24+s3], $0x200, $0x38;
	[tilespmem:$0x1FCA0] =	vst v63  }
0x19c: {  	_ =	swait.ge [sflag:s11], $0x4000  }
0x19d: {  	[sflag:s11] =	ssyncset.done $0x0  }
0x19e: {  	[sflag:s11] =	ssyncadd.s32 $0xFFFFC000  }
0x19f: {  	_ =	swait.ge [sflag:s4], $0x200  }
0x1a0: {  	[sflag:s4] =	ssyncset.done $0x0  }
0x1a1: {  	[sflag:s4] =	ssyncadd.s32 $0xFFFFFE00  }
0x1a2: {  	[spmem:s1] =	stream.indirect.scatter.add.f32 [tilespmem:s2], [sflag:$0x5], $0x20, s30, s12, $0xb8;
	[tilespmem:$0x1FCA0] =	vst v63  }
0x1a3: {  	_ =	swait.ge [sflag:s26], $0x1000  }
0x1a4: {  	[sflag:s26] =	ssyncset.done $0x0  }
0x1a5: {  	[sflag:s26] =	ssyncadd.s32 $0xFFFFF000  }
0x1a6: {  	[spmem:s1] =	stream.indirect.scatter.add.f32 [tilespmem:s5], [sflag:$0x5], $0x20, s17, s12, $0xb8;
	[tilespmem:$0x1FCA0] =	vst v63  }
0x1a7: {  	_ =	swait.ge [sflag:s26], $0x1000  }
0x1a8: {  	[sflag:s26] =	ssyncset.done $0x0  }
0x1a9: {  	[sflag:s26] =	ssyncadd.s32 $0xFFFFF000  }
0x1aa: {  	[spmem:s1] =	stream.indirect.scatter.add.f32 [tilespmem:s16], [sflag:$0x5], $0x20, s10, s12, $0xb8;
	[tilespmem:$0x1FCA0] =	vst v63  }
0x1ab: {  	_ =	swait.ge [sflag:s26], $0x1000  }
0x1ac: {  	[sflag:s26] =	ssyncset.done $0x0  }
0x1ad: {  	[sflag:s26] =	ssyncadd.s32 $0xFFFFF000  }
0x1ae: {  	[spmem:s1] =	stream.indirect.scatter.add.f32 [tilespmem:s15], [sflag:$0x5], $0x20, s14, s12, $0xb8;
	[tilespmem:$0x1FCA0] =	vst v63  }
0x1af: {  	_ =	swait.ge [sflag:s26], $0x1000  }
0x1b0: {  	[sflag:s26] =	ssyncset.done $0x0  }
0x1b1: {  	s3 =	simm.s32 @!p0 $0x2;
	[sflag:s26] =	ssyncadd.s32 $0xFFFFF000  }
0x1b2: {  	_ =	swait.ge @!p0 [sflag:s3], $0x4000  }
0x1b3: {  	[sflag:s3] =	ssyncset.done @!p0 $0x0  }
0x1b4: {  	[sflag:s3] =	ssyncadd.s32 @!p0 $0xFFFFC000;
	s3 =	simm.s32 @!p0 $0x4  }
0x1b5: {  	_ =	swait.ge @!p0 [sflag:s3], $0x200  }
0x1b6: {  	[sflag:s3] =	ssyncset.done @!p0 $0x0  }
0x1b7: {  	[sflag:s3] =	ssyncadd.s32 @!p0 $0xFFFFFE00;
	s3 =	simm.s32 @!p0 $0x80  }
0x1b8: {  	[spmem:s1] =	stream.indirect.scatter.add.f32 @!p0 [tilespmem:s23], [sflag:$0x5], $0x20, s22, s3, $0xb8;
	[tilespmem:$0x1FCA0] =	vst v63  }
0x1b9: {  	s22 =	simm.s32 @!p0 $0x5  }
0x1ba: {  	_ =	swait.ge @!p0 [sflag:s22], $0x1000  }
0x1bb: {  	[sflag:s22] =	ssyncset.done @!p0 $0x0  }
0x1bc: {  	s24 =	simm.s32 @!p0 $0x5000;
	s23 =	simm.s32 @!p0 $0x8280;
	[sflag:s22] =	ssyncadd.s32 @!p0 $0xFFFFF000  }
0x1bd: {  	[spmem:s1] =	stream.indirect.scatter.add.f32 @!p0 [tilespmem:s24], [sflag:$0x5], $0x20, s23, s3, $0xb8;
	[tilespmem:$0x1FCA0] =	vst v63  }
0x1be: {  	_ =	swait.ge @!p0 [sflag:s22], $0x1000  }
0x1bf: {  	[sflag:s22] =	ssyncset.done @!p0 $0x0  }
0x1c0: {  	s23 =	simm.s32 @!p0 $0x8300;
	s24 =	simm.s32 @!p0 $0x6000;
	[sflag:s22] =	ssyncadd.s32 @!p0 $0xFFFFF000  }
0x1c1: {  	[spmem:s1] =	stream.indirect.scatter.add.f32 @!p0 [tilespmem:s24], [sflag:$0x5], $0x20, s23, s3, $0xb8;
	[tilespmem:$0x1FCA0] =	vst v63  }
0x1c2: {  	_ =	swait.ge @!p0 [sflag:s22], $0x1000  }
0x1c3: {  	[sflag:s22] =	ssyncset.done @!p0 $0x0  }
0x1c4: {  	s23 =	simm.s32 @!p0 $0x8380;
	s24 =	simm.s32 @!p0 $0x7000;
	[sflag:s22] =	ssyncadd.s32 @!p0 $0xFFFFF000  }
0x1c5: {  	[spmem:s1] =	stream.indirect.scatter.add.f32 @!p0 [tilespmem:s24], [sflag:$0x5], $0x20, s23, s3, $0xb8;
	[tilespmem:$0x1FCA0] =	vst v63  }
0x1c6: {  	_ =	swait.ge @!p0 [sflag:s22], $0x1000  }
0x1c7: {  	[sflag:s22] =	ssyncset.done @!p0 $0x0  }
0x1c8: {  	[sflag:s22] =	ssyncadd.s32 @!p0 $0xFFFFF000  }
0x1c9: {  	[bflag:$0x0] =	sbarrier.arrive $0xFFFF  }
0x1ca: {  	s18 =	rddreg [dreg:$0x18]  }
0x1cb: {  	s22 =	rddreg [dreg:$0x1e]  }
0x1cc: {  	s19 =	simm.s32 $0x8;
	s23 =	rddreg [dreg:$0x1f]  }
0x1cd: {  	[hbm:s18@s19], [sflag:s22] =	dma.strided [spmem:s23@s21], $0x2710, s11, $0x4   }
0x1ce: {  	_ =	swait.ge [sflag:s26], $0x2710  }
0x1cf: {  	s24 =	rddreg [dreg:$0x1d]  }
0x1d0: {  	s25 =	rddreg [dreg:$0x19];
	s5 =	sadd.s32 $0x1, s24  }
0x1d1: {  	p1 =	sne.s32 s5, s25  }
.Ltmp3:
0x1d2: {  	[sflag:s26] =	ssyncset.done $0x0;
	(pc) =	sbr.rel @p1 .LBB2_1-.Ltmp3, $4  }
0x1d3: {  	[sflag:s26] =	ssyncadd.s32 $0xFFFFD8F0  }
0x1d4: {  	s17 =	simm.s32 $0x1000;
	s16 =	simm.s32 $0x8080;
	[bflag:$0x0] =	sbarrier.arrive $0xFFFF  }
0x1d5: {  	s10 =	simm.s32 $0x2000;
	s14 =	simm.s32 $0x3000;
	s3 =	rddreg [dreg:$0x7]  }
0x1d6: {  	s18 =	simm.s32 $0x8100;
	s19 =	simm.s32 $0x8180;
	s15 =	rddreg [dreg:$0x9]  }
0x1d7: {  	_ =	sfence.sel $0x180000  }
0x1d8: {  	[bflag:$0x0] =	sbarrier.arrive $0xFFFF  }
0x1d9: {  	_ =	strace $0x90000047  }
0x1da: {  	[bflag:$0x2] =	sbarrier.arrive $0xFFFF  }
0x1db: {  	s0 =	rddreg [dreg:$0x3]  }
0x1dc: {  	s0 =	sadd.s32 @!p0 $0x100000, s0  }
0x1dd: {  	[sflag:s0] =	ssyncadd.tile.s32 @!p0 $0x1;
	_ =	shalt  }
.Lfunc_end2:
_tile_overlayer_lowered:
.L_overlay_start_2:
0x1de: {  	(tag) =	ssettag $0x2  }
0x1df: {  	s0 =	rddreg [dreg:$0x0];
	s2 =	stileid.u32  }
0x1e0: {  	s1 =	rddreg [dreg:$0x1];
	p0 =	sne.s32 s2, $0x0  }
0x1e1: {  	s3 =	rddreg [dreg:$0x2];
	[bflag:$0x3] =	sbarrier.arrive $0xFFFF;
	s2 =	simm.s32 @!p0 $0x1C05  }
0x1e2: {  	[timem:s3], [sflag:s2] =	dma.local @!p0 [hbm:s0], s1  }
0x1e3: {  	s0 =	simm.s32 @!p0 $0x5  }
0x1e4: {  	_ =	swait.ge @!p0 [sflag:s0], s1  }
0x1e5: {  	s1 =	ssub.s32 @!p0 $0x0, s1;
	[sflag:s0] =	ssyncset.done @!p0 $0x0  }
0x1e6: {  	[sflag:s0] =	ssyncadd.s32 @!p0 s1  }
0x1e7: {  	[bflag:$0x3] =	sbarrier.arrive $0xFFFF  }
0x1e8: {  	_ =	shalt  }

</sc_bundles>
